<compile_context>
chip_gen: v7x
topology: tpu7x:2x2x1
jax: 0.10.2.dev20260603
libtpu: 0.0.44.dev20260713+nightly
codegen_flags: <defaults>
</compile_context>

<pallas_src>
import functools

import jax
import jax.numpy as jnp
from jax import lax
from jax.experimental import pallas as pl
from jax.experimental.pallas import tpu as pltpu
from jax.experimental.pallas import tpu_sc as plsc

_CH = 128
_SPS = 4
_DP = 128

@functools.lru_cache(maxsize=None)
def _build_gather(A, Bd, D):
    bp = -(-Bd // 8) * 8
    info = plsc.get_sparse_core_info()
    NC, NS = info.num_cores, info.num_subcores
    NW = NC * NS
    a_per_w = A // NW
    b_per_w = a_per_w * Bd
    sup_rows = _SPS * Bd
    n_sup = a_per_w // _SPS
    chunks = []
    off = 0
    while off < sup_rows:
        n = min(_CH, sup_rows - off)
        chunks.append((off, n))
        off += n

    mesh = plsc.VectorSubcoreMesh(core_axis_name="c", subcore_axis_name="s")

    @functools.partial(
        pl.kernel,
        mesh=mesh,
        out_type=jax.ShapeDtypeStruct((A, bp, _DP), jnp.float32),
        compiler_params=pltpu.CompilerParams(use_tc_tiling_on_sc=False),
        scratch_types=[
            pltpu.VMEM((b_per_w,), jnp.int32),
            pltpu.VMEM((sup_rows, _DP), jnp.float32),
            pltpu.VMEM((sup_rows, _DP), jnp.float32),
            pltpu.SemaphoreType.DMA,
            pltpu.SemaphoreType.DMA,
            pltpu.SemaphoreType.DMA,
            pltpu.SemaphoreType.DMA,
        ],
    )
    def k(idx_hbm, table_hbm, out_hbm, idx_v, buf_a, buf_b, gsem_a, gsem_b,
          ssem_a, ssem_b):
        wid = lax.axis_index("s") * NC + lax.axis_index("c")
        base_a = wid * a_per_w
        pltpu.sync_copy(idx_hbm.at[pl.ds(wid * b_per_w, b_per_w)], idx_v)

        bufs = (buf_a, buf_b)
        gsems = (gsem_a, gsem_b)
        ssems = (ssem_a, ssem_b)

        def fire_gathers(g, p):
            for (o, n) in chunks:
                off = pl.multiple_of(g * sup_rows + o, 8)
                pltpu.async_copy(
                    table_hbm.at[idx_v.at[pl.ds(off, n)]],
                    bufs[p].at[pl.ds(o, n)],
                    gsems[p],
                )

        def drain_gathers(g, p):
            for (o, n) in chunks:
                off = pl.multiple_of(g * sup_rows + o, 8)
                pltpu.make_async_copy(
                    table_hbm.at[idx_v.at[pl.ds(off, n)]],
                    bufs[p].at[pl.ds(o, n)],
                    gsems[p],
                ).wait()

        def fire_stores(g, p):
            for s in range(_SPS):
                a = base_a + g * _SPS + s
                pltpu.async_copy(
                    bufs[p].at[pl.ds(s * Bd, Bd), pl.ds(0, D)],
                    out_hbm.at[a, pl.ds(0, Bd), pl.ds(0, D)],
                    ssems[p],
                )

        def drain_stores(g, p):
            for s in range(_SPS):
                a = base_a + g * _SPS + s
                pltpu.make_async_copy(
                    bufs[p].at[pl.ds(s * Bd, Bd), pl.ds(0, D)],
                    out_hbm.at[a, pl.ds(0, Bd), pl.ds(0, D)],
                    ssems[p],
                ).wait()

        def step(g, p, fire_next):
            drain_gathers(g, p)
            fire_stores(g, p)
            if fire_next:
                drain_stores(g, p)
                fire_gathers(g + 2, p)

        fire_gathers(0, 0)
        fire_gathers(1, 1)

        n_pairs = (n_sup - 3) // 2

        def pair(i, carry):
            g0 = i * 2
            step(g0, 0, True)
            step(g0 + 1, 1, True)
            return carry

        lax.fori_loop(0, n_pairs, pair, 0)

        for g in range(2 * n_pairs, n_sup):
            step(g, g % 2, g + 2 < n_sup)

        drain_stores(n_sup - 2, (n_sup - 2) % 2)
        drain_stores(n_sup - 1, (n_sup - 1) % 2)

    return k


_TBLK = 16384


@functools.lru_cache(maxsize=None)
def _build_row_major(V, D):

    def body(t_ref, out_ref):
        out_ref[:, :D] = jnp.swapaxes(t_ref[...], 0, 1)

    grid = (V + _TBLK - 1) // _TBLK
    return pl.pallas_call(
        body,
        grid=(grid,),
        in_specs=[pl.BlockSpec((D, _TBLK), lambda i: (0, i))],
        out_specs=pl.BlockSpec((_TBLK, _DP), lambda i: (i, 0)),
        out_shape=jax.ShapeDtypeStruct((V, _DP), jnp.float32),
    )


def kernel(x, table):
    A, Bd = x.shape
    V, D = table.shape
    idx_flat = x.reshape(-1).astype(jnp.int32)
    table_p = _build_row_major(V, D)(table.T)
    out_p = _build_gather(A, Bd, D)(idx_flat, table_p)
    return out_p[:, :Bd, :D]

# --- scband reference (transcript-rebuilt; emitter-appended) ---
"""Pipeline reference for scband-siftable-57148834840620 (READ-ONLY COPY).

The authoritative reference and input builder live on the scoring server;
editing this copy changes nothing except your own understanding.
"""

import jax, jax.numpy as jnp
import numpy as np

NUM_EMBEDDINGS = 1000000
EMBED_DIM = 64

def setup_inputs(seed: int = 0) -> dict:
    key = jax.random.key(seed)
    k_idx, k_tab = jax.random.split(key)
    x = jax.random.randint(k_idx, (4096, 100), 0, NUM_EMBEDDINGS, dtype=jnp.int64 if jax.config.jax_enable_x64 else jnp.int32)
    table = jax.random.normal(k_tab, (NUM_EMBEDDINGS, EMBED_DIM), dtype=jnp.float32)
    return {"x": x, "table": table}

def reference(x, table):
    # SIFTable.forward: return self.embed(x) -> embedding lookup
    return jnp.take(table, x, axis=0)

if __name__ == "__main__":
    import jax
    _d = setup_inputs()
    print(jax.jit(kernel)(*tuple(_d.values())))

</pallas_src>

<mosaic_0001>
#map = affine_map<(d0, d1) -> (0)>
#map1 = affine_map<(d0, d1) -> (0, 0)>
#map2 = affine_map<(d0, d1) -> (0, 0, 0)>
module attributes {stable_mosaic.version = 14 : i64} {
  func.func @k(%arg0: i32, %arg1: i32, %arg2: memref<409600xi32, #tpu.memory_space<hbm>>, %arg3: memref<1000000x128xf32, #tpu.memory_space<hbm>>, %arg4: memref<4096x104x128xf32, #tpu.memory_space<hbm>>, %arg5: memref<12800xi32, #tpu.memory_space<vmem>>, %arg6: memref<400x128xf32, #tpu.memory_space<vmem>>, %arg7: memref<400x128xf32, #tpu.memory_space<vmem>>, %arg8: memref<!tpu.dma_semaphore, #tpu.memory_space<semaphore_mem>>, %arg9: memref<!tpu.dma_semaphore, #tpu.memory_space<semaphore_mem>>, %arg10: memref<!tpu.dma_semaphore, #tpu.memory_space<semaphore_mem>>, %arg11: memref<!tpu.dma_semaphore, #tpu.memory_space<semaphore_mem>>) attributes {dimension_semantics = [#tpu.dimension_semantics<core_parallel>, #tpu.dimension_semantics<subcore_parallel>], iteration_bounds = array<i64: 2, 16>, scalar_prefetch = 0 : i64, scratch_operands = 7 : i64, tpu.core_type = #tpu.core_type<sc_vector_subcore>, window_params = [{transform_indices = #map}, {transform_indices = #map1}, {transform_indices = #map2}]} {
    %mul3A = arith.constant 2 : i32
    %mul3A_0 = arith.muli %arg1, %mul3A : i32
    %add3A = arith.addi %mul3A_0, %arg0 : i32
    %mul3A_1 = arith.constant 128 : i32
    %mul3A_2 = arith.muli %add3A, %mul3A_1 : i32
    %mul3A_3 = arith.constant 12800 : i32
    %mul3A_4 = arith.muli %add3A, %mul3A_3 : i32
    "tpu.region"() ({
      %run_scoped3A = tpu.sem_alloc : memref<!tpu.dma_semaphore, #tpu.memory_space<semaphore_mem>>
      %dma_start3A_871 = tpu.memref_slice %arg2[%mul3A_4] : memref<409600xi32, #tpu.memory_space<hbm>> -> memref<12800xi32, #tpu.memory_space<hbm>>
      %dma_start3A_872 = tpu.memref_slice %arg2[%mul3A_4] : memref<409600xi32, #tpu.memory_space<hbm>> -> memref<12800xi32, #tpu.memory_space<hbm>>
      tpu.enqueue_dma source(%dma_start3A_872 : memref<12800xi32, #tpu.memory_space<hbm>>) target(%arg5 : memref<12800xi32, #tpu.memory_space<vmem>>) target_semaphore(%run_scoped3A : memref<!tpu.dma_semaphore, #tpu.memory_space<semaphore_mem>>)
      %dma_wait3A_873 = tpu.memref_slice %arg2[%mul3A_4] : memref<409600xi32, #tpu.memory_space<hbm>> -> memref<12800xi32, #tpu.memory_space<hbm>>
      %dma_wait3A_874 = tpu.memref_slice %arg2[%mul3A_4] : memref<409600xi32, #tpu.memory_space<hbm>> -> memref<12800xi32, #tpu.memory_space<hbm>>
      tpu.wait_dma2 semaphore(%run_scoped3A : memref<!tpu.dma_semaphore, #tpu.memory_space<semaphore_mem>>) src(%dma_wait3A_874 : memref<12800xi32, #tpu.memory_space<hbm>>) dst(%arg5 : memref<12800xi32, #tpu.memory_space<vmem>>)
      tpu.yield
    }) : () -> ()
    %multiple_of3A = arith.constant 0 : i32
    %multiple_of3A_5 = tpu.assume_multiple %multiple_of3A, 8 : i32
    %dma_start3A = arith.constant 0 : i32
    %dma_start3A_6 = arith.constant 0 : i32
    %dma_start3A_7 = tpu.memref_slice %arg6[%dma_start3A, %dma_start3A_6] : memref<400x128xf32, #tpu.memory_space<vmem>> -> memref<128x128xf32, #tpu.memory_space<vmem>>
    %dma_start3A_8 = tpu.memref_slice %arg5[%multiple_of3A_5] : memref<12800xi32, #tpu.memory_space<vmem>> -> memref<128xi32, #tpu.memory_space<vmem>>
    %dma_start3A_9 = arith.constant 0 : i32
    %dma_start3A_10 = arith.constant 0 : i32
    %dma_start3A_11 = tpu.memref_slice %arg3[%dma_start3A_9, %dma_start3A_10] : memref<1000000x128xf32, #tpu.memory_space<hbm>> -> memref<1000000x128xf32, #tpu.memory_space<hbm>>
    tpu.enqueue_indirect_dma source(%dma_start3A_11 : memref<1000000x128xf32, #tpu.memory_space<hbm>>) target(%dma_start3A_7 : memref<128x128xf32, #tpu.memory_space<vmem>>) offsets(%dma_start3A_8 : memref<128xi32, #tpu.memory_space<vmem>>) semaphore(%arg8 : memref<!tpu.dma_semaphore, #tpu.memory_space<semaphore_mem>>)
    %multiple_of3A_12 = arith.constant 128 : i32
    %multiple_of3A_13 = tpu.assume_multiple %multiple_of3A_12, 8 : i32
    %dma_start3A_14 = arith.constant 128 : i32
    %dma_start3A_15 = arith.constant 0 : i32
    %dma_start3A_16 = tpu.memref_slice %arg6[%dma_start3A_14, %dma_start3A_15] : memref<400x128xf32, #tpu.memory_space<vmem>> -> memref<128x128xf32, #tpu.memory_space<vmem>>
    %dma_start3A_17 = tpu.memref_slice %arg5[%multiple_of3A_13] : memref<12800xi32, #tpu.memory_space<vmem>> -> memref<128xi32, #tpu.memory_space<vmem>>
    %dma_start3A_18 = arith.constant 0 : i32
    %dma_start3A_19 = arith.constant 0 : i32
    %dma_start3A_20 = tpu.memref_slice %arg3[%dma_start3A_18, %dma_start3A_19] : memref<1000000x128xf32, #tpu.memory_space<hbm>> -> memref<1000000x128xf32, #tpu.memory_space<hbm>>
    tpu.enqueue_indirect_dma source(%dma_start3A_20 : memref<1000000x128xf32, #tpu.memory_space<hbm>>) target(%dma_start3A_16 : memref<128x128xf32, #tpu.memory_space<vmem>>) offsets(%dma_start3A_17 : memref<128xi32, #tpu.memory_space<vmem>>) semaphore(%arg8 : memref<!tpu.dma_semaphore, #tpu.memory_space<semaphore_mem>>)
    %multiple_of3A_21 = arith.constant 256 : i32
    %multiple_of3A_22 = tpu.assume_multiple %multiple_of3A_21, 8 : i32
    %dma_start3A_23 = arith.constant 256 : i32
    %dma_start3A_24 = arith.constant 0 : i32
    %dma_start3A_25 = tpu.memref_slice %arg6[%dma_start3A_23, %dma_start3A_24] : memref<400x128xf32, #tpu.memory_space<vmem>> -> memref<128x128xf32, #tpu.memory_space<vmem>>
    %dma_start3A_26 = tpu.memref_slice %arg5[%multiple_of3A_22] : memref<12800xi32, #tpu.memory_space<vmem>> -> memref<128xi32, #tpu.memory_space<vmem>>
    %dma_start3A_27 = arith.constant 0 : i32
    %dma_start3A_28 = arith.constant 0 : i32
    %dma_start3A_29 = tpu.memref_slice %arg3[%dma_start3A_27, %dma_start3A_28] : memref<1000000x128xf32, #tpu.memory_space<hbm>> -> memref<1000000x128xf32, #tpu.memory_space<hbm>>
    tpu.enqueue_indirect_dma source(%dma_start3A_29 : memref<1000000x128xf32, #tpu.memory_space<hbm>>) target(%dma_start3A_25 : memref<128x128xf32, #tpu.memory_space<vmem>>) offsets(%dma_start3A_26 : memref<128xi32, #tpu.memory_space<vmem>>) semaphore(%arg8 : memref<!tpu.dma_semaphore, #tpu.memory_space<semaphore_mem>>)
    %multiple_of3A_30 = arith.constant 384 : i32
    %multiple_of3A_31 = tpu.assume_multiple %multiple_of3A_30, 8 : i32
    %dma_start3A_32 = arith.constant 384 : i32
    %dma_start3A_33 = arith.constant 0 : i32
    %dma_start3A_34 = tpu.memref_slice %arg6[%dma_start3A_32, %dma_start3A_33] : memref<400x128xf32, #tpu.memory_space<vmem>> -> memref<16x128xf32, #tpu.memory_space<vmem>>
    %dma_start3A_35 = tpu.memref_slice %arg5[%multiple_of3A_31] : memref<12800xi32, #tpu.memory_space<vmem>> -> memref<16xi32, #tpu.memory_space<vmem>>
    %dma_start3A_36 = arith.constant 0 : i32
    %dma_start3A_37 = arith.constant 0 : i32
    %dma_start3A_38 = tpu.memref_slice %arg3[%dma_start3A_36, %dma_start3A_37] : memref<1000000x128xf32, #tpu.memory_space<hbm>> -> memref<1000000x128xf32, #tpu.memory_space<hbm>>
    tpu.enqueue_indirect_dma source(%dma_start3A_38 : memref<1000000x128xf32, #tpu.memory_space<hbm>>) target(%dma_start3A_34 : memref<16x128xf32, #tpu.memory_space<vmem>>) offsets(%dma_start3A_35 : memref<16xi32, #tpu.memory_space<vmem>>) semaphore(%arg8 : memref<!tpu.dma_semaphore, #tpu.memory_space<semaphore_mem>>)
    %multiple_of3A_39 = arith.constant 400 : i32
    %multiple_of3A_40 = tpu.assume_multiple %multiple_of3A_39, 8 : i32
    %dma_start3A_41 = arith.constant 0 : i32
    %dma_start3A_42 = arith.constant 0 : i32
    %dma_start3A_43 = tpu.memref_slice %arg7[%dma_start3A_41, %dma_start3A_42] : memref<400x128xf32, #tpu.memory_space<vmem>> -> memref<128x128xf32, #tpu.memory_space<vmem>>
    %dma_start3A_44 = tpu.memref_slice %arg5[%multiple_of3A_40] : memref<12800xi32, #tpu.memory_space<vmem>> -> memref<128xi32, #tpu.memory_space<vmem>>
    %dma_start3A_45 = arith.constant 0 : i32
    %dma_start3A_46 = arith.constant 0 : i32
    %dma_start3A_47 = tpu.memref_slice %arg3[%dma_start3A_45, %dma_start3A_46] : memref<1000000x128xf32, #tpu.memory_space<hbm>> -> memref<1000000x128xf32, #tpu.memory_space<hbm>>
    tpu.enqueue_indirect_dma source(%dma_start3A_47 : memref<1000000x128xf32, #tpu.memory_space<hbm>>) target(%dma_start3A_43 : memref<128x128xf32, #tpu.memory_space<vmem>>) offsets(%dma_start3A_44 : memref<128xi32, #tpu.memory_space<vmem>>) semaphore(%arg9 : memref<!tpu.dma_semaphore, #tpu.memory_space<semaphore_mem>>)
    %multiple_of3A_48 = arith.constant 528 : i32
    %multiple_of3A_49 = tpu.assume_multiple %multiple_of3A_48, 8 : i32
    %dma_start3A_50 = arith.constant 128 : i32
    %dma_start3A_51 = arith.constant 0 : i32
    %dma_start3A_52 = tpu.memref_slice %arg7[%dma_start3A_50, %dma_start3A_51] : memref<400x128xf32, #tpu.memory_space<vmem>> -> memref<128x128xf32, #tpu.memory_space<vmem>>
    %dma_start3A_53 = tpu.memref_slice %arg5[%multiple_of3A_49] : memref<12800xi32, #tpu.memory_space<vmem>> -> memref<128xi32, #tpu.memory_space<vmem>>
    %dma_start3A_54 = arith.constant 0 : i32
    %dma_start3A_55 = arith.constant 0 : i32
    %dma_start3A_56 = tpu.memref_slice %arg3[%dma_start3A_54, %dma_start3A_55] : memref<1000000x128xf32, #tpu.memory_space<hbm>> -> memref<1000000x128xf32, #tpu.memory_space<hbm>>
    tpu.enqueue_indirect_dma source(%dma_start3A_56 : memref<1000000x128xf32, #tpu.memory_space<hbm>>) target(%dma_start3A_52 : memref<128x128xf32, #tpu.memory_space<vmem>>) offsets(%dma_start3A_53 : memref<128xi32, #tpu.memory_space<vmem>>) semaphore(%arg9 : memref<!tpu.dma_semaphore, #tpu.memory_space<semaphore_mem>>)
    %multiple_of3A_57 = arith.constant 656 : i32
    %multiple_of3A_58 = tpu.assume_multiple %multiple_of3A_57, 8 : i32
    %dma_start3A_59 = arith.constant 256 : i32
    %dma_start3A_60 = arith.constant 0 : i32
    %dma_start3A_61 = tpu.memref_slice %arg7[%dma_start3A_59, %dma_start3A_60] : memref<400x128xf32, #tpu.memory_space<vmem>> -> memref<128x128xf32, #tpu.memory_space<vmem>>
    %dma_start3A_62 = tpu.memref_slice %arg5[%multiple_of3A_58] : memref<12800xi32, #tpu.memory_space<vmem>> -> memref<128xi32, #tpu.memory_space<vmem>>
    %dma_start3A_63 = arith.constant 0 : i32
    %dma_start3A_64 = arith.constant 0 : i32
    %dma_start3A_65 = tpu.memref_slice %arg3[%dma_start3A_63, %dma_start3A_64] : memref<1000000x128xf32, #tpu.memory_space<hbm>> -> memref<1000000x128xf32, #tpu.memory_space<hbm>>
    tpu.enqueue_indirect_dma source(%dma_start3A_65 : memref<1000000x128xf32, #tpu.memory_space<hbm>>) target(%dma_start3A_61 : memref<128x128xf32, #tpu.memory_space<vmem>>) offsets(%dma_start3A_62 : memref<128xi32, #tpu.memory_space<vmem>>) semaphore(%arg9 : memref<!tpu.dma_semaphore, #tpu.memory_space<semaphore_mem>>)
    %multiple_of3A_66 = arith.constant 784 : i32
    %multiple_of3A_67 = tpu.assume_multiple %multiple_of3A_66, 8 : i32
    %dma_start3A_68 = arith.constant 384 : i32
    %dma_start3A_69 = arith.constant 0 : i32
    %dma_start3A_70 = tpu.memref_slice %arg7[%dma_start3A_68, %dma_start3A_69] : memref<400x128xf32, #tpu.memory_space<vmem>> -> memref<16x128xf32, #tpu.memory_space<vmem>>
    %dma_start3A_71 = tpu.memref_slice %arg5[%multiple_of3A_67] : memref<12800xi32, #tpu.memory_space<vmem>> -> memref<16xi32, #tpu.memory_space<vmem>>
    %dma_start3A_72 = arith.constant 0 : i32
    %dma_start3A_73 = arith.constant 0 : i32
    %dma_start3A_74 = tpu.memref_slice %arg3[%dma_start3A_72, %dma_start3A_73] : memref<1000000x128xf32, #tpu.memory_space<hbm>> -> memref<1000000x128xf32, #tpu.memory_space<hbm>>
    tpu.enqueue_indirect_dma source(%dma_start3A_74 : memref<1000000x128xf32, #tpu.memory_space<hbm>>) target(%dma_start3A_70 : memref<16x128xf32, #tpu.memory_space<vmem>>) offsets(%dma_start3A_71 : memref<16xi32, #tpu.memory_space<vmem>>) semaphore(%arg9 : memref<!tpu.dma_semaphore, #tpu.memory_space<semaphore_mem>>)
    %scan3A = arith.constant 0 : i32
    %scan3A_75 = arith.constant 0 : i32
    %scan3A_76 = arith.constant 14 : i32
    %scan3A_77 = arith.addi %scan3A_75, %scan3A_76 : i32
    %scan3A_78 = arith.constant 1 : i32
    scf.for %scan3A_871 = %scan3A_75 to %scan3A_77 step %scan3A_78  : i32 {
      %mul3A_872 = arith.constant 2 : i32
      %mul3A_873 = arith.muli %scan3A_871, %mul3A_872 : i32
      %mul3A_874 = arith.constant 400 : i32
      %mul3A_875 = arith.muli %mul3A_873, %mul3A_874 : i32
      %add3A_876 = arith.constant 0 : i32
      %add3A_877 = arith.addi %mul3A_875, %add3A_876 : i32
      %multiple_of3A_878 = tpu.assume_multiple %add3A_877, 8 : i32
      %dma_wait3A_879 = arith.constant 0 : i32
      %dma_wait3A_880 = arith.constant 0 : i32
      %dma_wait3A_881 = tpu.memref_slice %arg6[%dma_wait3A_879, %dma_wait3A_880] : memref<400x128xf32, #tpu.memory_space<vmem>> -> memref<128x128xf32, #tpu.memory_space<vmem>>
      %dma_wait3A_882 = tpu.memref_slice %arg5[%multiple_of3A_878] : memref<12800xi32, #tpu.memory_space<vmem>> -> memref<128xi32, #tpu.memory_space<vmem>>
      %dma_wait3A_883 = arith.constant 0 : i32
      %dma_wait3A_884 = arith.constant 0 : i32
      %dma_wait3A_885 = tpu.memref_slice %arg3[%dma_wait3A_883, %dma_wait3A_884] : memref<1000000x128xf32, #tpu.memory_space<hbm>> -> memref<1000000x128xf32, #tpu.memory_space<hbm>>
      tpu.wait_indirect_dma semaphore(%arg8 : memref<!tpu.dma_semaphore, #tpu.memory_space<semaphore_mem>>) src(%dma_wait3A_885 : memref<1000000x128xf32, #tpu.memory_space<hbm>>) dst(%dma_wait3A_881 : memref<128x128xf32, #tpu.memory_space<vmem>>)
      %mul3A_886 = arith.constant 400 : i32
      %mul3A_887 = arith.muli %mul3A_873, %mul3A_886 : i32
      %add3A_888 = arith.constant 128 : i32
      %add3A_889 = arith.addi %mul3A_887, %add3A_888 : i32
      %multiple_of3A_890 = tpu.assume_multiple %add3A_889, 8 : i32
      %dma_wait3A_891 = arith.constant 128 : i32
      %dma_wait3A_892 = arith.constant 0 : i32
      %dma_wait3A_893 = tpu.memref_slice %arg6[%dma_wait3A_891, %dma_wait3A_892] : memref<400x128xf32, #tpu.memory_space<vmem>> -> memref<128x128xf32, #tpu.memory_space<vmem>>
      %dma_wait3A_894 = tpu.memref_slice %arg5[%multiple_of3A_890] : memref<12800xi32, #tpu.memory_space<vmem>> -> memref<128xi32, #tpu.memory_space<vmem>>
      %dma_wait3A_895 = arith.constant 0 : i32
      %dma_wait3A_896 = arith.constant 0 : i32
      %dma_wait3A_897 = tpu.memref_slice %arg3[%dma_wait3A_895, %dma_wait3A_896] : memref<1000000x128xf32, #tpu.memory_space<hbm>> -> memref<1000000x128xf32, #tpu.memory_space<hbm>>
      tpu.wait_indirect_dma semaphore(%arg8 : memref<!tpu.dma_semaphore, #tpu.memory_space<semaphore_mem>>) src(%dma_wait3A_897 : memref<1000000x128xf32, #tpu.memory_space<hbm>>) dst(%dma_wait3A_893 : memref<128x128xf32, #tpu.memory_space<vmem>>)
      %mul3A_898 = arith.constant 400 : i32
      %mul3A_899 = arith.muli %mul3A_873, %mul3A_898 : i32
      %add3A_900 = arith.constant 256 : i32
      %add3A_901 = arith.addi %mul3A_899, %add3A_900 : i32
      %multiple_of3A_902 = tpu.assume_multiple %add3A_901, 8 : i32
      %dma_wait3A_903 = arith.constant 256 : i32
      %dma_wait3A_904 = arith.constant 0 : i32
      %dma_wait3A_905 = tpu.memref_slice %arg6[%dma_wait3A_903, %dma_wait3A_904] : memref<400x128xf32, #tpu.memory_space<vmem>> -> memref<128x128xf32, #tpu.memory_space<vmem>>
      %dma_wait3A_906 = tpu.memref_slice %arg5[%multiple_of3A_902] : memref<12800xi32, #tpu.memory_space<vmem>> -> memref<128xi32, #tpu.memory_space<vmem>>
      %dma_wait3A_907 = arith.constant 0 : i32
      %dma_wait3A_908 = arith.constant 0 : i32
      %dma_wait3A_909 = tpu.memref_slice %arg3[%dma_wait3A_907, %dma_wait3A_908] : memref<1000000x128xf32, #tpu.memory_space<hbm>> -> memref<1000000x128xf32, #tpu.memory_space<hbm>>
      tpu.wait_indirect_dma semaphore(%arg8 : memref<!tpu.dma_semaphore, #tpu.memory_space<semaphore_mem>>) src(%dma_wait3A_909 : memref<1000000x128xf32, #tpu.memory_space<hbm>>) dst(%dma_wait3A_905 : memref<128x128xf32, #tpu.memory_space<vmem>>)
      %mul3A_910 = arith.constant 400 : i32
      %mul3A_911 = arith.muli %mul3A_873, %mul3A_910 : i32
      %add3A_912 = arith.constant 384 : i32
      %add3A_913 = arith.addi %mul3A_911, %add3A_912 : i32
      %multiple_of3A_914 = tpu.assume_multiple %add3A_913, 8 : i32
      %dma_wait3A_915 = arith.constant 384 : i32
      %dma_wait3A_916 = arith.constant 0 : i32
      %dma_wait3A_917 = tpu.memref_slice %arg6[%dma_wait3A_915, %dma_wait3A_916] : memref<400x128xf32, #tpu.memory_space<vmem>> -> memref<16x128xf32, #tpu.memory_space<vmem>>
      %dma_wait3A_918 = tpu.memref_slice %arg5[%multiple_of3A_914] : memref<12800xi32, #tpu.memory_space<vmem>> -> memref<16xi32, #tpu.memory_space<vmem>>
      %dma_wait3A_919 = arith.constant 0 : i32
      %dma_wait3A_920 = arith.constant 0 : i32
      %dma_wait3A_921 = tpu.memref_slice %arg3[%dma_wait3A_919, %dma_wait3A_920] : memref<1000000x128xf32, #tpu.memory_space<hbm>> -> memref<1000000x128xf32, #tpu.memory_space<hbm>>
      tpu.wait_indirect_dma semaphore(%arg8 : memref<!tpu.dma_semaphore, #tpu.memory_space<semaphore_mem>>) src(%dma_wait3A_921 : memref<1000000x128xf32, #tpu.memory_space<hbm>>) dst(%dma_wait3A_917 : memref<16x128xf32, #tpu.memory_space<vmem>>)
      %mul3A_922 = arith.constant 4 : i32
      %mul3A_923 = arith.muli %mul3A_873, %mul3A_922 : i32
      %add3A_924 = arith.addi %mul3A_2, %mul3A_923 : i32
      %add3A_925 = arith.constant 0 : i32
      %add3A_926 = arith.addi %add3A_924, %add3A_925 : i32
      %dma_start3A_927 = arith.constant 0 : i32
      %dma_start3A_928 = arith.constant 0 : i32
      %dma_start3A_929 = tpu.memref_slice %arg6[%dma_start3A_927, %dma_start3A_928] : memref<400x128xf32, #tpu.memory_space<vmem>> -> memref<100x64xf32, #tpu.memory_space<vmem>>
      %dma_start3A_930 = arith.constant 0 : i32
      %dma_start3A_931 = arith.constant 0 : i32
      %dma_start3A_932 = tpu.memref_slice %arg4[%add3A_926, %dma_start3A_930, %dma_start3A_931] : memref<4096x104x128xf32, #tpu.memory_space<hbm>> -> memref<1x100x64xf32, #tpu.memory_space<hbm>>
      %dma_start3A_933 = tpu.memref_squeeze %dma_start3A_932 : memref<1x100x64xf32, #tpu.memory_space<hbm>> -> memref<100x64xf32, #tpu.memory_space<hbm>>
      %dma_start3A_934 = arith.constant 0 : i32
      %dma_start3A_935 = arith.constant 0 : i32
      %dma_start3A_936 = tpu.memref_slice %arg4[%add3A_926, %dma_start3A_934, %dma_start3A_935] : memref<4096x104x128xf32, #tpu.memory_space<hbm>> -> memref<1x100x64xf32, #tpu.memory_space<hbm>>
      %dma_start3A_937 = tpu.memref_squeeze %dma_start3A_936 : memref<1x100x64xf32, #tpu.memory_space<hbm>> -> memref<100x64xf32, #tpu.memory_space<hbm>>
      %dma_start3A_938 = arith.constant 0 : i32
      %dma_start3A_939 = arith.constant 0 : i32
      %dma_start3A_940 = tpu.memref_slice %arg6[%dma_start3A_938, %dma_start3A_939] : memref<400x128xf32, #tpu.memory_space<vmem>> -> memref<100x64xf32, #tpu.memory_space<vmem>>
      tpu.enqueue_dma source(%dma_start3A_940 : memref<100x64xf32, #tpu.memory_space<vmem>>) target(%dma_start3A_937 : memref<100x64xf32, #tpu.memory_space<hbm>>) target_semaphore(%arg10 : memref<!tpu.dma_semaphore, #tpu.memory_space<semaphore_mem>>)
      %mul3A_941 = arith.constant 4 : i32
      %mul3A_942 = arith.muli %mul3A_873, %mul3A_941 : i32
      %add3A_943 = arith.addi %mul3A_2, %mul3A_942 : i32
      %add3A_944 = arith.constant 1 : i32
      %add3A_945 = arith.addi %add3A_943, %add3A_944 : i32
      %dma_start3A_946 = arith.constant 100 : i32
      %dma_start3A_947 = arith.constant 0 : i32
      %dma_start3A_948 = tpu.memref_slice %arg6[%dma_start3A_946, %dma_start3A_947] : memref<400x128xf32, #tpu.memory_space<vmem>> -> memref<100x64xf32, #tpu.memory_space<vmem>>
      %dma_start3A_949 = arith.constant 0 : i32
      %dma_start3A_950 = arith.constant 0 : i32
      %dma_start3A_951 = tpu.memref_slice %arg4[%add3A_945, %dma_start3A_949, %dma_start3A_950] : memref<4096x104x128xf32, #tpu.memory_space<hbm>> -> memref<1x100x64xf32, #tpu.memory_space<hbm>>
      %dma_start3A_952 = tpu.memref_squeeze %dma_start3A_951 : memref<1x100x64xf32, #tpu.memory_space<hbm>> -> memref<100x64xf32, #tpu.memory_space<hbm>>
      %dma_start3A_953 = arith.constant 0 : i32
      %dma_start3A_954 = arith.constant 0 : i32
      %dma_start3A_955 = tpu.memref_slice %arg4[%add3A_945, %dma_start3A_953, %dma_start3A_954] : memref<4096x104x128xf32, #tpu.memory_space<hbm>> -> memref<1x100x64xf32, #tpu.memory_space<hbm>>
      %dma_start3A_956 = tpu.memref_squeeze %dma_start3A_955 : memref<1x100x64xf32, #tpu.memory_space<hbm>> -> memref<100x64xf32, #tpu.memory_space<hbm>>
      %dma_start3A_957 = arith.constant 100 : i32
      %dma_start3A_958 = arith.constant 0 : i32
      %dma_start3A_959 = tpu.memref_slice %arg6[%dma_start3A_957, %dma_start3A_958] : memref<400x128xf32, #tpu.memory_space<vmem>> -> memref<100x64xf32, #tpu.memory_space<vmem>>
      tpu.enqueue_dma source(%dma_start3A_959 : memref<100x64xf32, #tpu.memory_space<vmem>>) target(%dma_start3A_956 : memref<100x64xf32, #tpu.memory_space<hbm>>) target_semaphore(%arg10 : memref<!tpu.dma_semaphore, #tpu.memory_space<semaphore_mem>>)
      %mul3A_960 = arith.constant 4 : i32
      %mul3A_961 = arith.muli %mul3A_873, %mul3A_960 : i32
      %add3A_962 = arith.addi %mul3A_2, %mul3A_961 : i32
      %add3A_963 = arith.constant 2 : i32
      %add3A_964 = arith.addi %add3A_962, %add3A_963 : i32
      %dma_start3A_965 = arith.constant 200 : i32
      %dma_start3A_966 = arith.constant 0 : i32
      %dma_start3A_967 = tpu.memref_slice %arg6[%dma_start3A_965, %dma_start3A_966] : memref<400x128xf32, #tpu.memory_space<vmem>> -> memref<100x64xf32, #tpu.memory_space<vmem>>
      %dma_start3A_968 = arith.constant 0 : i32
      %dma_start3A_969 = arith.constant 0 : i32
      %dma_start3A_970 = tpu.memref_slice %arg4[%add3A_964, %dma_start3A_968, %dma_start3A_969] : memref<4096x104x128xf32, #tpu.memory_space<hbm>> -> memref<1x100x64xf32, #tpu.memory_space<hbm>>
      %dma_start3A_971 = tpu.memref_squeeze %dma_start3A_970 : memref<1x100x64xf32, #tpu.memory_space<hbm>> -> memref<100x64xf32, #tpu.memory_space<hbm>>
      %dma_start3A_972 = arith.constant 0 : i32
      %dma_start3A_973 = arith.constant 0 : i32
      %dma_start3A_974 = tpu.memref_slice %arg4[%add3A_964, %dma_start3A_972, %dma_start3A_973] : memref<4096x104x128xf32, #tpu.memory_space<hbm>> -> memref<1x100x64xf32, #tpu.memory_space<hbm>>
      %dma_start3A_975 = tpu.memref_squeeze %dma_start3A_974 : memref<1x100x64xf32, #tpu.memory_space<hbm>> -> memref<100x64xf32, #tpu.memory_space<hbm>>
      %dma_start3A_976 = arith.constant 200 : i32
      %dma_start3A_977 = arith.constant 0 : i32
      %dma_start3A_978 = tpu.memref_slice %arg6[%dma_start3A_976, %dma_start3A_977] : memref<400x128xf32, #tpu.memory_space<vmem>> -> memref<100x64xf32, #tpu.memory_space<vmem>>
      tpu.enqueue_dma source(%dma_start3A_978 : memref<100x64xf32, #tpu.memory_space<vmem>>) target(%dma_start3A_975 : memref<100x64xf32, #tpu.memory_space<hbm>>) target_semaphore(%arg10 : memref<!tpu.dma_semaphore, #tpu.memory_space<semaphore_mem>>)
      %mul3A_979 = arith.constant 4 : i32
      %mul3A_980 = arith.muli %mul3A_873, %mul3A_979 : i32
      %add3A_981 = arith.addi %mul3A_2, %mul3A_980 : i32
      %add3A_982 = arith.constant 3 : i32
      %add3A_983 = arith.addi %add3A_981, %add3A_982 : i32
      %dma_start3A_984 = arith.constant 300 : i32
      %dma_start3A_985 = arith.constant 0 : i32
      %dma_start3A_986 = tpu.memref_slice %arg6[%dma_start3A_984, %dma_start3A_985] : memref<400x128xf32, #tpu.memory_space<vmem>> -> memref<100x64xf32, #tpu.memory_space<vmem>>
      %dma_start3A_987 = arith.constant 0 : i32
      %dma_start3A_988 = arith.constant 0 : i32
      %dma_start3A_989 = tpu.memref_slice %arg4[%add3A_983, %dma_start3A_987, %dma_start3A_988] : memref<4096x104x128xf32, #tpu.memory_space<hbm>> -> memref<1x100x64xf32, #tpu.memory_space<hbm>>
      %dma_start3A_990 = tpu.memref_squeeze %dma_start3A_989 : memref<1x100x64xf32, #tpu.memory_space<hbm>> -> memref<100x64xf32, #tpu.memory_space<hbm>>
      %dma_start3A_991 = arith.constant 0 : i32
      %dma_start3A_992 = arith.constant 0 : i32
      %dma_start3A_993 = tpu.memref_slice %arg4[%add3A_983, %dma_start3A_991, %dma_start3A_992] : memref<4096x104x128xf32, #tpu.memory_space<hbm>> -> memref<1x100x64xf32, #tpu.memory_space<hbm>>
      %dma_start3A_994 = tpu.memref_squeeze %dma_start3A_993 : memref<1x100x64xf32, #tpu.memory_space<hbm>> -> memref<100x64xf32, #tpu.memory_space<hbm>>
      %dma_start3A_995 = arith.constant 300 : i32
      %dma_start3A_996 = arith.constant 0 : i32
      %dma_start3A_997 = tpu.memref_slice %arg6[%dma_start3A_995, %dma_start3A_996] : memref<400x128xf32, #tpu.memory_space<vmem>> -> memref<100x64xf32, #tpu.memory_space<vmem>>
      tpu.enqueue_dma source(%dma_start3A_997 : memref<100x64xf32, #tpu.memory_space<vmem>>) target(%dma_start3A_994 : memref<100x64xf32, #tpu.memory_space<hbm>>) target_semaphore(%arg10 : memref<!tpu.dma_semaphore, #tpu.memory_space<semaphore_mem>>)
      %mul3A_998 = arith.constant 4 : i32
      %mul3A_999 = arith.muli %mul3A_873, %mul3A_998 : i32
      %add3A_1000 = arith.addi %mul3A_2, %mul3A_999 : i32
      %add3A_1001 = arith.constant 0 : i32
      %add3A_1002 = arith.addi %add3A_1000, %add3A_1001 : i32
      %dma_wait3A_1003 = arith.constant 0 : i32
      %dma_wait3A_1004 = arith.constant 0 : i32
      %dma_wait3A_1005 = tpu.memref_slice %arg6[%dma_wait3A_1003, %dma_wait3A_1004] : memref<400x128xf32, #tpu.memory_space<vmem>> -> memref<100x64xf32, #tpu.memory_space<vmem>>
      %dma_wait3A_1006 = arith.constant 0 : i32
      %dma_wait3A_1007 = arith.constant 0 : i32
      %dma_wait3A_1008 = tpu.memref_slice %arg4[%add3A_1002, %dma_wait3A_1006, %dma_wait3A_1007] : memref<4096x104x128xf32, #tpu.memory_space<hbm>> -> memref<1x100x64xf32, #tpu.memory_space<hbm>>
      %dma_wait3A_1009 = tpu.memref_squeeze %dma_wait3A_1008 : memref<1x100x64xf32, #tpu.memory_space<hbm>> -> memref<100x64xf32, #tpu.memory_space<hbm>>
      %dma_wait3A_1010 = arith.constant 0 : i32
      %dma_wait3A_1011 = arith.constant 0 : i32
      %dma_wait3A_1012 = tpu.memref_slice %arg4[%add3A_1002, %dma_wait3A_1010, %dma_wait3A_1011] : memref<4096x104x128xf32, #tpu.memory_space<hbm>> -> memref<1x100x64xf32, #tpu.memory_space<hbm>>
      %dma_wait3A_1013 = tpu.memref_squeeze %dma_wait3A_1012 : memref<1x100x64xf32, #tpu.memory_space<hbm>> -> memref<100x64xf32, #tpu.memory_space<hbm>>
      %dma_wait3A_1014 = arith.constant 0 : i32
      %dma_wait3A_1015 = arith.constant 0 : i32
      %dma_wait3A_1016 = tpu.memref_slice %arg6[%dma_wait3A_1014, %dma_wait3A_1015] : memref<400x128xf32, #tpu.memory_space<vmem>> -> memref<100x64xf32, #tpu.memory_space<vmem>>
      tpu.wait_dma2 semaphore(%arg10 : memref<!tpu.dma_semaphore, #tpu.memory_space<semaphore_mem>>) src(%dma_wait3A_1016 : memref<100x64xf32, #tpu.memory_space<vmem>>) dst(%dma_wait3A_1013 : memref<100x64xf32, #tpu.memory_space<hbm>>)
      %mul3A_1017 = arith.constant 4 : i32
      %mul3A_1018 = arith.muli %mul3A_873, %mul3A_1017 : i32
      %add3A_1019 = arith.addi %mul3A_2, %mul3A_1018 : i32
      %add3A_1020 = arith.constant 1 : i32
      %add3A_1021 = arith.addi %add3A_1019, %add3A_1020 : i32
      %dma_wait3A_1022 = arith.constant 100 : i32
      %dma_wait3A_1023 = arith.constant 0 : i32
      %dma_wait3A_1024 = tpu.memref_slice %arg6[%dma_wait3A_1022, %dma_wait3A_1023] : memref<400x128xf32, #tpu.memory_space<vmem>> -> memref<100x64xf32, #tpu.memory_space<vmem>>
      %dma_wait3A_1025 = arith.constant 0 : i32
      %dma_wait3A_1026 = arith.constant 0 : i32
      %dma_wait3A_1027 = tpu.memref_slice %arg4[%add3A_1021, %dma_wait3A_1025, %dma_wait3A_1026] : memref<4096x104x128xf32, #tpu.memory_space<hbm>> -> memref<1x100x64xf32, #tpu.memory_space<hbm>>
      %dma_wait3A_1028 = tpu.memref_squeeze %dma_wait3A_1027 : memref<1x100x64xf32, #tpu.memory_space<hbm>> -> memref<100x64xf32, #tpu.memory_space<hbm>>
      %dma_wait3A_1029 = arith.constant 0 : i32
      %dma_wait3A_1030 = arith.constant 0 : i32
      %dma_wait3A_1031 = tpu.memref_slice %arg4[%add3A_1021, %dma_wait3A_1029, %dma_wait3A_1030] : memref<4096x104x128xf32, #tpu.memory_space<hbm>> -> memref<1x100x64xf32, #tpu.memory_space<hbm>>
      %dma_wait3A_1032 = tpu.memref_squeeze %dma_wait3A_1031 : memref<1x100x64xf32, #tpu.memory_space<hbm>> -> memref<100x64xf32, #tpu.memory_space<hbm>>
      %dma_wait3A_1033 = arith.constant 100 : i32
      %dma_wait3A_1034 = arith.constant 0 : i32
      %dma_wait3A_1035 = tpu.memref_slice %arg6[%dma_wait3A_1033, %dma_wait3A_1034] : memref<400x128xf32, #tpu.memory_space<vmem>> -> memref<100x64xf32, #tpu.memory_space<vmem>>
      tpu.wait_dma2 semaphore(%arg10 : memref<!tpu.dma_semaphore, #tpu.memory_space<semaphore_mem>>) src(%dma_wait3A_1035 : memref<100x64xf32, #tpu.memory_space<vmem>>) dst(%dma_wait3A_1032 : memref<100x64xf32, #tpu.memory_space<hbm>>)
      %mul3A_1036 = arith.constant 4 : i32
      %mul3A_1037 = arith.muli %mul3A_873, %mul3A_1036 : i32
      %add3A_1038 = arith.addi %mul3A_2, %mul3A_1037 : i32
      %add3A_1039 = arith.constant 2 : i32
      %add3A_1040 = arith.addi %add3A_1038, %add3A_1039 : i32
      %dma_wait3A_1041 = arith.constant 200 : i32
      %dma_wait3A_1042 = arith.constant 0 : i32
      %dma_wait3A_1043 = tpu.memref_slice %arg6[%dma_wait3A_1041, %dma_wait3A_1042] : memref<400x128xf32, #tpu.memory_space<vmem>> -> memref<100x64xf32, #tpu.memory_space<vmem>>
      %dma_wait3A_1044 = arith.constant 0 : i32
      %dma_wait3A_1045 = arith.constant 0 : i32
      %dma_wait3A_1046 = tpu.memref_slice %arg4[%add3A_1040, %dma_wait3A_1044, %dma_wait3A_1045] : memref<4096x104x128xf32, #tpu.memory_space<hbm>> -> memref<1x100x64xf32, #tpu.memory_space<hbm>>
      %dma_wait3A_1047 = tpu.memref_squeeze %dma_wait3A_1046 : memref<1x100x64xf32, #tpu.memory_space<hbm>> -> memref<100x64xf32, #tpu.memory_space<hbm>>
      %dma_wait3A_1048 = arith.constant 0 : i32
      %dma_wait3A_1049 = arith.constant 0 : i32
      %dma_wait3A_1050 = tpu.memref_slice %arg4[%add3A_1040, %dma_wait3A_1048, %dma_wait3A_1049] : memref<4096x104x128xf32, #tpu.memory_space<hbm>> -> memref<1x100x64xf32, #tpu.memory_space<hbm>>
      %dma_wait3A_1051 = tpu.memref_squeeze %dma_wait3A_1050 : memref<1x100x64xf32, #tpu.memory_space<hbm>> -> memref<100x64xf32, #tpu.memory_space<hbm>>
      %dma_wait3A_1052 = arith.constant 200 : i32
      %dma_wait3A_1053 = arith.constant 0 : i32
      %dma_wait3A_1054 = tpu.memref_slice %arg6[%dma_wait3A_1052, %dma_wait3A_1053] : memref<400x128xf32, #tpu.memory_space<vmem>> -> memref<100x64xf32, #tpu.memory_space<vmem>>
      tpu.wait_dma2 semaphore(%arg10 : memref<!tpu.dma_semaphore, #tpu.memory_space<semaphore_mem>>) src(%dma_wait3A_1054 : memref<100x64xf32, #tpu.memory_space<vmem>>) dst(%dma_wait3A_1051 : memref<100x64xf32, #tpu.memory_space<hbm>>)
      %mul3A_1055 = arith.constant 4 : i32
      %mul3A_1056 = arith.muli %mul3A_873, %mul3A_1055 : i32
      %add3A_1057 = arith.addi %mul3A_2, %mul3A_1056 : i32
      %add3A_1058 = arith.constant 3 : i32
      %add3A_1059 = arith.addi %add3A_1057, %add3A_1058 : i32
      %dma_wait3A_1060 = arith.constant 300 : i32
      %dma_wait3A_1061 = arith.constant 0 : i32
      %dma_wait3A_1062 = tpu.memref_slice %arg6[%dma_wait3A_1060, %dma_wait3A_1061] : memref<400x128xf32, #tpu.memory_space<vmem>> -> memref<100x64xf32, #tpu.memory_space<vmem>>
      %dma_wait3A_1063 = arith.constant 0 : i32
      %dma_wait3A_1064 = arith.constant 0 : i32
      %dma_wait3A_1065 = tpu.memref_slice %arg4[%add3A_1059, %dma_wait3A_1063, %dma_wait3A_1064] : memref<4096x104x128xf32, #tpu.memory_space<hbm>> -> memref<1x100x64xf32, #tpu.memory_space<hbm>>
      %dma_wait3A_1066 = tpu.memref_squeeze %dma_wait3A_1065 : memref<1x100x64xf32, #tpu.memory_space<hbm>> -> memref<100x64xf32, #tpu.memory_space<hbm>>
      %dma_wait3A_1067 = arith.constant 0 : i32
      %dma_wait3A_1068 = arith.constant 0 : i32
      %dma_wait3A_1069 = tpu.memref_slice %arg4[%add3A_1059, %dma_wait3A_1067, %dma_wait3A_1068] : memref<4096x104x128xf32, #tpu.memory_space<hbm>> -> memref<1x100x64xf32, #tpu.memory_space<hbm>>
      %dma_wait3A_1070 = tpu.memref_squeeze %dma_wait3A_1069 : memref<1x100x64xf32, #tpu.memory_space<hbm>> -> memref<100x64xf32, #tpu.memory_space<hbm>>
      %dma_wait3A_1071 = arith.constant 300 : i32
      %dma_wait3A_1072 = arith.constant 0 : i32
      %dma_wait3A_1073 = tpu.memref_slice %arg6[%dma_wait3A_1071, %dma_wait3A_1072] : memref<400x128xf32, #tpu.memory_space<vmem>> -> memref<100x64xf32, #tpu.memory_space<vmem>>
      tpu.wait_dma2 semaphore(%arg10 : memref<!tpu.dma_semaphore, #tpu.memory_space<semaphore_mem>>) src(%dma_wait3A_1073 : memref<100x64xf32, #tpu.memory_space<vmem>>) dst(%dma_wait3A_1070 : memref<100x64xf32, #tpu.memory_space<hbm>>)
      %add3A_1074 = arith.constant 2 : i32
      %add3A_1075 = arith.addi %mul3A_873, %add3A_1074 : i32
      %mul3A_1076 = arith.constant 400 : i32
      %mul3A_1077 = arith.muli %add3A_1075, %mul3A_1076 : i32
      %add3A_1078 = arith.constant 0 : i32
      %add3A_1079 = arith.addi %mul3A_1077, %add3A_1078 : i32
      %multiple_of3A_1080 = tpu.assume_multiple %add3A_1079, 8 : i32
      %dma_start3A_1081 = arith.constant 0 : i32
      %dma_start3A_1082 = arith.constant 0 : i32
      %dma_start3A_1083 = tpu.memref_slice %arg6[%dma_start3A_1081, %dma_start3A_1082] : memref<400x128xf32, #tpu.memory_space<vmem>> -> memref<128x128xf32, #tpu.memory_space<vmem>>
      %dma_start3A_1084 = tpu.memref_slice %arg5[%multiple_of3A_1080] : memref<12800xi32, #tpu.memory_space<vmem>> -> memref<128xi32, #tpu.memory_space<vmem>>
      %dma_start3A_1085 = arith.constant 0 : i32
      %dma_start3A_1086 = arith.constant 0 : i32
      %dma_start3A_1087 = tpu.memref_slice %arg3[%dma_start3A_1085, %dma_start3A_1086] : memref<1000000x128xf32, #tpu.memory_space<hbm>> -> memref<1000000x128xf32, #tpu.memory_space<hbm>>
      tpu.enqueue_indirect_dma source(%dma_start3A_1087 : memref<1000000x128xf32, #tpu.memory_space<hbm>>) target(%dma_start3A_1083 : memref<128x128xf32, #tpu.memory_space<vmem>>) offsets(%dma_start3A_1084 : memref<128xi32, #tpu.memory_space<vmem>>) semaphore(%arg8 : memref<!tpu.dma_semaphore, #tpu.memory_space<semaphore_mem>>)
      %mul3A_1088 = arith.constant 400 : i32
      %mul3A_1089 = arith.muli %add3A_1075, %mul3A_1088 : i32
      %add3A_1090 = arith.constant 128 : i32
      %add3A_1091 = arith.addi %mul3A_1089, %add3A_1090 : i32
      %multiple_of3A_1092 = tpu.assume_multiple %add3A_1091, 8 : i32
      %dma_start3A_1093 = arith.constant 128 : i32
      %dma_start3A_1094 = arith.constant 0 : i32
      %dma_start3A_1095 = tpu.memref_slice %arg6[%dma_start3A_1093, %dma_start3A_1094] : memref<400x128xf32, #tpu.memory_space<vmem>> -> memref<128x128xf32, #tpu.memory_space<vmem>>
      %dma_start3A_1096 = tpu.memref_slice %arg5[%multiple_of3A_1092] : memref<12800xi32, #tpu.memory_space<vmem>> -> memref<128xi32, #tpu.memory_space<vmem>>
      %dma_start3A_1097 = arith.constant 0 : i32
      %dma_start3A_1098 = arith.constant 0 : i32
      %dma_start3A_1099 = tpu.memref_slice %arg3[%dma_start3A_1097, %dma_start3A_1098] : memref<1000000x128xf32, #tpu.memory_space<hbm>> -> memref<1000000x128xf32, #tpu.memory_space<hbm>>
      tpu.enqueue_indirect_dma source(%dma_start3A_1099 : memref<1000000x128xf32, #tpu.memory_space<hbm>>) target(%dma_start3A_1095 : memref<128x128xf32, #tpu.memory_space<vmem>>) offsets(%dma_start3A_1096 : memref<128xi32, #tpu.memory_space<vmem>>) semaphore(%arg8 : memref<!tpu.dma_semaphore, #tpu.memory_space<semaphore_mem>>)
      %mul3A_1100 = arith.constant 400 : i32
      %mul3A_1101 = arith.muli %add3A_1075, %mul3A_1100 : i32
      %add3A_1102 = arith.constant 256 : i32
      %add3A_1103 = arith.addi %mul3A_1101, %add3A_1102 : i32
      %multiple_of3A_1104 = tpu.assume_multiple %add3A_1103, 8 : i32
      %dma_start3A_1105 = arith.constant 256 : i32
      %dma_start3A_1106 = arith.constant 0 : i32
      %dma_start3A_1107 = tpu.memref_slice %arg6[%dma_start3A_1105, %dma_start3A_1106] : memref<400x128xf32, #tpu.memory_space<vmem>> -> memref<128x128xf32, #tpu.memory_space<vmem>>
      %dma_start3A_1108 = tpu.memref_slice %arg5[%multiple_of3A_1104] : memref<12800xi32, #tpu.memory_space<vmem>> -> memref<128xi32, #tpu.memory_space<vmem>>
      %dma_start3A_1109 = arith.constant 0 : i32
      %dma_start3A_1110 = arith.constant 0 : i32
      %dma_start3A_1111 = tpu.memref_slice %arg3[%dma_start3A_1109, %dma_start3A_1110] : memref<1000000x128xf32, #tpu.memory_space<hbm>> -> memref<1000000x128xf32, #tpu.memory_space<hbm>>
      tpu.enqueue_indirect_dma source(%dma_start3A_1111 : memref<1000000x128xf32, #tpu.memory_space<hbm>>) target(%dma_start3A_1107 : memref<128x128xf32, #tpu.memory_space<vmem>>) offsets(%dma_start3A_1108 : memref<128xi32, #tpu.memory_space<vmem>>) semaphore(%arg8 : memref<!tpu.dma_semaphore, #tpu.memory_space<semaphore_mem>>)
      %mul3A_1112 = arith.constant 400 : i32
      %mul3A_1113 = arith.muli %add3A_1075, %mul3A_1112 : i32
      %add3A_1114 = arith.constant 384 : i32
      %add3A_1115 = arith.addi %mul3A_1113, %add3A_1114 : i32
      %multiple_of3A_1116 = tpu.assume_multiple %add3A_1115, 8 : i32
      %dma_start3A_1117 = arith.constant 384 : i32
      %dma_start3A_1118 = arith.constant 0 : i32
      %dma_start3A_1119 = tpu.memref_slice %arg6[%dma_start3A_1117, %dma_start3A_1118] : memref<400x128xf32, #tpu.memory_space<vmem>> -> memref<16x128xf32, #tpu.memory_space<vmem>>
      %dma_start3A_1120 = tpu.memref_slice %arg5[%multiple_of3A_1116] : memref<12800xi32, #tpu.memory_space<vmem>> -> memref<16xi32, #tpu.memory_space<vmem>>
      %dma_start3A_1121 = arith.constant 0 : i32
      %dma_start3A_1122 = arith.constant 0 : i32
      %dma_start3A_1123 = tpu.memref_slice %arg3[%dma_start3A_1121, %dma_start3A_1122] : memref<1000000x128xf32, #tpu.memory_space<hbm>> -> memref<1000000x128xf32, #tpu.memory_space<hbm>>
      tpu.enqueue_indirect_dma source(%dma_start3A_1123 : memref<1000000x128xf32, #tpu.memory_space<hbm>>) target(%dma_start3A_1119 : memref<16x128xf32, #tpu.memory_space<vmem>>) offsets(%dma_start3A_1120 : memref<16xi32, #tpu.memory_space<vmem>>) semaphore(%arg8 : memref<!tpu.dma_semaphore, #tpu.memory_space<semaphore_mem>>)
      %add3A_1124 = arith.constant 1 : i32
      %add3A_1125 = arith.addi %mul3A_873, %add3A_1124 : i32
      %mul3A_1126 = arith.constant 400 : i32
      %mul3A_1127 = arith.muli %add3A_1125, %mul3A_1126 : i32
      %add3A_1128 = arith.constant 0 : i32
      %add3A_1129 = arith.addi %mul3A_1127, %add3A_1128 : i32
      %multiple_of3A_1130 = tpu.assume_multiple %add3A_1129, 8 : i32
      %dma_wait3A_1131 = arith.constant 0 : i32
      %dma_wait3A_1132 = arith.constant 0 : i32
      %dma_wait3A_1133 = tpu.memref_slice %arg7[%dma_wait3A_1131, %dma_wait3A_1132] : memref<400x128xf32, #tpu.memory_space<vmem>> -> memref<128x128xf32, #tpu.memory_space<vmem>>
      %dma_wait3A_1134 = tpu.memref_slice %arg5[%multiple_of3A_1130] : memref<12800xi32, #tpu.memory_space<vmem>> -> memref<128xi32, #tpu.memory_space<vmem>>
      %dma_wait3A_1135 = arith.constant 0 : i32
      %dma_wait3A_1136 = arith.constant 0 : i32
      %dma_wait3A_1137 = tpu.memref_slice %arg3[%dma_wait3A_1135, %dma_wait3A_1136] : memref<1000000x128xf32, #tpu.memory_space<hbm>> -> memref<1000000x128xf32, #tpu.memory_space<hbm>>
      tpu.wait_indirect_dma semaphore(%arg9 : memref<!tpu.dma_semaphore, #tpu.memory_space<semaphore_mem>>) src(%dma_wait3A_1137 : memref<1000000x128xf32, #tpu.memory_space<hbm>>) dst(%dma_wait3A_1133 : memref<128x128xf32, #tpu.memory_space<vmem>>)
      %mul3A_1138 = arith.constant 400 : i32
      %mul3A_1139 = arith.muli %add3A_1125, %mul3A_1138 : i32
      %add3A_1140 = arith.constant 128 : i32
      %add3A_1141 = arith.addi %mul3A_1139, %add3A_1140 : i32
      %multiple_of3A_1142 = tpu.assume_multiple %add3A_1141, 8 : i32
      %dma_wait3A_1143 = arith.constant 128 : i32
      %dma_wait3A_1144 = arith.constant 0 : i32
      %dma_wait3A_1145 = tpu.memref_slice %arg7[%dma_wait3A_1143, %dma_wait3A_1144] : memref<400x128xf32, #tpu.memory_space<vmem>> -> memref<128x128xf32, #tpu.memory_space<vmem>>
      %dma_wait3A_1146 = tpu.memref_slice %arg5[%multiple_of3A_1142] : memref<12800xi32, #tpu.memory_space<vmem>> -> memref<128xi32, #tpu.memory_space<vmem>>
      %dma_wait3A_1147 = arith.constant 0 : i32
      %dma_wait3A_1148 = arith.constant 0 : i32
      %dma_wait3A_1149 = tpu.memref_slice %arg3[%dma_wait3A_1147, %dma_wait3A_1148] : memref<1000000x128xf32, #tpu.memory_space<hbm>> -> memref<1000000x128xf32, #tpu.memory_space<hbm>>
      tpu.wait_indirect_dma semaphore(%arg9 : memref<!tpu.dma_semaphore, #tpu.memory_space<semaphore_mem>>) src(%dma_wait3A_1149 : memref<1000000x128xf32, #tpu.memory_space<hbm>>) dst(%dma_wait3A_1145 : memref<128x128xf32, #tpu.memory_space<vmem>>)
      %mul3A_1150 = arith.constant 400 : i32
      %mul3A_1151 = arith.muli %add3A_1125, %mul3A_1150 : i32
      %add3A_1152 = arith.constant 256 : i32
      %add3A_1153 = arith.addi %mul3A_1151, %add3A_1152 : i32
      %multiple_of3A_1154 = tpu.assume_multiple %add3A_1153, 8 : i32
      %dma_wait3A_1155 = arith.constant 256 : i32
      %dma_wait3A_1156 = arith.constant 0 : i32
      %dma_wait3A_1157 = tpu.memref_slice %arg7[%dma_wait3A_1155, %dma_wait3A_1156] : memref<400x128xf32, #tpu.memory_space<vmem>> -> memref<128x128xf32, #tpu.memory_space<vmem>>
      %dma_wait3A_1158 = tpu.memref_slice %arg5[%multiple_of3A_1154] : memref<12800xi32, #tpu.memory_space<vmem>> -> memref<128xi32, #tpu.memory_space<vmem>>
      %dma_wait3A_1159 = arith.constant 0 : i32
      %dma_wait3A_1160 = arith.constant 0 : i32
      %dma_wait3A_1161 = tpu.memref_slice %arg3[%dma_wait3A_1159, %dma_wait3A_1160] : memref<1000000x128xf32, #tpu.memory_space<hbm>> -> memref<1000000x128xf32, #tpu.memory_space<hbm>>
      tpu.wait_indirect_dma semaphore(%arg9 : memref<!tpu.dma_semaphore, #tpu.memory_space<semaphore_mem>>) src(%dma_wait3A_1161 : memref<1000000x128xf32, #tpu.memory_space<hbm>>) dst(%dma_wait3A_1157 : memref<128x128xf32, #tpu.memory_space<vmem>>)
      %mul3A_1162 = arith.constant 400 : i32
      %mul3A_1163 = arith.muli %add3A_1125, %mul3A_1162 : i32
      %add3A_1164 = arith.constant 384 : i32
      %add3A_1165 = arith.addi %mul3A_1163, %add3A_1164 : i32
      %multiple_of3A_1166 = tpu.assume_multiple %add3A_1165, 8 : i32
      %dma_wait3A_1167 = arith.constant 384 : i32
      %dma_wait3A_1168 = arith.constant 0 : i32
      %dma_wait3A_1169 = tpu.memref_slice %arg7[%dma_wait3A_1167, %dma_wait3A_1168] : memref<400x128xf32, #tpu.memory_space<vmem>> -> memref<16x128xf32, #tpu.memory_space<vmem>>
      %dma_wait3A_1170 = tpu.memref_slice %arg5[%multiple_of3A_1166] : memref<12800xi32, #tpu.memory_space<vmem>> -> memref<16xi32, #tpu.memory_space<vmem>>
      %dma_wait3A_1171 = arith.constant 0 : i32
      %dma_wait3A_1172 = arith.constant 0 : i32
      %dma_wait3A_1173 = tpu.memref_slice %arg3[%dma_wait3A_1171, %dma_wait3A_1172] : memref<1000000x128xf32, #tpu.memory_space<hbm>> -> memref<1000000x128xf32, #tpu.memory_space<hbm>>
      tpu.wait_indirect_dma semaphore(%arg9 : memref<!tpu.dma_semaphore, #tpu.memory_space<semaphore_mem>>) src(%dma_wait3A_1173 : memref<1000000x128xf32, #tpu.memory_space<hbm>>) dst(%dma_wait3A_1169 : memref<16x128xf32, #tpu.memory_space<vmem>>)
      %mul3A_1174 = arith.constant 4 : i32
      %mul3A_1175 = arith.muli %add3A_1125, %mul3A_1174 : i32
      %add3A_1176 = arith.addi %mul3A_2, %mul3A_1175 : i32
      %add3A_1177 = arith.constant 0 : i32
      %add3A_1178 = arith.addi %add3A_1176, %add3A_1177 : i32
      %dma_start3A_1179 = arith.constant 0 : i32
      %dma_start3A_1180 = arith.constant 0 : i32
      %dma_start3A_1181 = tpu.memref_slice %arg7[%dma_start3A_1179, %dma_start3A_1180] : memref<400x128xf32, #tpu.memory_space<vmem>> -> memref<100x64xf32, #tpu.memory_space<vmem>>
      %dma_start3A_1182 = arith.constant 0 : i32
      %dma_start3A_1183 = arith.constant 0 : i32
      %dma_start3A_1184 = tpu.memref_slice %arg4[%add3A_1178, %dma_start3A_1182, %dma_start3A_1183] : memref<4096x104x128xf32, #tpu.memory_space<hbm>> -> memref<1x100x64xf32, #tpu.memory_space<hbm>>
      %dma_start3A_1185 = tpu.memref_squeeze %dma_start3A_1184 : memref<1x100x64xf32, #tpu.memory_space<hbm>> -> memref<100x64xf32, #tpu.memory_space<hbm>>
      %dma_start3A_1186 = arith.constant 0 : i32
      %dma_start3A_1187 = arith.constant 0 : i32
      %dma_start3A_1188 = tpu.memref_slice %arg4[%add3A_1178, %dma_start3A_1186, %dma_start3A_1187] : memref<4096x104x128xf32, #tpu.memory_space<hbm>> -> memref<1x100x64xf32, #tpu.memory_space<hbm>>
      %dma_start3A_1189 = tpu.memref_squeeze %dma_start3A_1188 : memref<1x100x64xf32, #tpu.memory_space<hbm>> -> memref<100x64xf32, #tpu.memory_space<hbm>>
      %dma_start3A_1190 = arith.constant 0 : i32
      %dma_start3A_1191 = arith.constant 0 : i32
      %dma_start3A_1192 = tpu.memref_slice %arg7[%dma_start3A_1190, %dma_start3A_1191] : memref<400x128xf32, #tpu.memory_space<vmem>> -> memref<100x64xf32, #tpu.memory_space<vmem>>
      tpu.enqueue_dma source(%dma_start3A_1192 : memref<100x64xf32, #tpu.memory_space<vmem>>) target(%dma_start3A_1189 : memref<100x64xf32, #tpu.memory_space<hbm>>) target_semaphore(%arg11 : memref<!tpu.dma_semaphore, #tpu.memory_space<semaphore_mem>>)
      %mul3A_1193 = arith.constant 4 : i32
      %mul3A_1194 = arith.muli %add3A_1125, %mul3A_1193 : i32
      %add3A_1195 = arith.addi %mul3A_2, %mul3A_1194 : i32
      %add3A_1196 = arith.constant 1 : i32
      %add3A_1197 = arith.addi %add3A_1195, %add3A_1196 : i32
      %dma_start3A_1198 = arith.constant 100 : i32
      %dma_start3A_1199 = arith.constant 0 : i32
      %dma_start3A_1200 = tpu.memref_slice %arg7[%dma_start3A_1198, %dma_start3A_1199] : memref<400x128xf32, #tpu.memory_space<vmem>> -> memref<100x64xf32, #tpu.memory_space<vmem>>
      %dma_start3A_1201 = arith.constant 0 : i32
      %dma_start3A_1202 = arith.constant 0 : i32
      %dma_start3A_1203 = tpu.memref_slice %arg4[%add3A_1197, %dma_start3A_1201, %dma_start3A_1202] : memref<4096x104x128xf32, #tpu.memory_space<hbm>> -> memref<1x100x64xf32, #tpu.memory_space<hbm>>
      %dma_start3A_1204 = tpu.memref_squeeze %dma_start3A_1203 : memref<1x100x64xf32, #tpu.memory_space<hbm>> -> memref<100x64xf32, #tpu.memory_space<hbm>>
      %dma_start3A_1205 = arith.constant 0 : i32
      %dma_start3A_1206 = arith.constant 0 : i32
      %dma_start3A_1207 = tpu.memref_slice %arg4[%add3A_1197, %dma_start3A_1205, %dma_start3A_1206] : memref<4096x104x128xf32, #tpu.memory_space<hbm>> -> memref<1x100x64xf32, #tpu.memory_space<hbm>>
      %dma_start3A_1208 = tpu.memref_squeeze %dma_start3A_1207 : memref<1x100x64xf32, #tpu.memory_space<hbm>> -> memref<100x64xf32, #tpu.memory_space<hbm>>
      %dma_start3A_1209 = arith.constant 100 : i32
      %dma_start3A_1210 = arith.constant 0 : i32
      %dma_start3A_1211 = tpu.memref_slice %arg7[%dma_start3A_1209, %dma_start3A_1210] : memref<400x128xf32, #tpu.memory_space<vmem>> -> memref<100x64xf32, #tpu.memory_space<vmem>>
      tpu.enqueue_dma source(%dma_start3A_1211 : memref<100x64xf32, #tpu.memory_space<vmem>>) target(%dma_start3A_1208 : memref<100x64xf32, #tpu.memory_space<hbm>>) target_semaphore(%arg11 : memref<!tpu.dma_semaphore, #tpu.memory_space<semaphore_mem>>)
      %mul3A_1212 = arith.constant 4 : i32
      %mul3A_1213 = arith.muli %add3A_1125, %mul3A_1212 : i32
      %add3A_1214 = arith.addi %mul3A_2, %mul3A_1213 : i32
      %add3A_1215 = arith.constant 2 : i32
      %add3A_1216 = arith.addi %add3A_1214, %add3A_1215 : i32
      %dma_start3A_1217 = arith.constant 200 : i32
      %dma_start3A_1218 = arith.constant 0 : i32
      %dma_start3A_1219 = tpu.memref_slice %arg7[%dma_start3A_1217, %dma_start3A_1218] : memref<400x128xf32, #tpu.memory_space<vmem>> -> memref<100x64xf32, #tpu.memory_space<vmem>>
      %dma_start3A_1220 = arith.constant 0 : i32
      %dma_start3A_1221 = arith.constant 0 : i32
      %dma_start3A_1222 = tpu.memref_slice %arg4[%add3A_1216, %dma_start3A_1220, %dma_start3A_1221] : memref<4096x104x128xf32, #tpu.memory_space<hbm>> -> memref<1x100x64xf32, #tpu.memory_space<hbm>>
      %dma_start3A_1223 = tpu.memref_squeeze %dma_start3A_1222 : memref<1x100x64xf32, #tpu.memory_space<hbm>> -> memref<100x64xf32, #tpu.memory_space<hbm>>
      %dma_start3A_1224 = arith.constant 0 : i32
      %dma_start3A_1225 = arith.constant 0 : i32
      %dma_start3A_1226 = tpu.memref_slice %arg4[%add3A_1216, %dma_start3A_1224, %dma_start3A_1225] : memref<4096x104x128xf32, #tpu.memory_space<hbm>> -> memref<1x100x64xf32, #tpu.memory_space<hbm>>
      %dma_start3A_1227 = tpu.memref_squeeze %dma_start3A_1226 : memref<1x100x64xf32, #tpu.memory_space<hbm>> -> memref<100x64xf32, #tpu.memory_space<hbm>>
      %dma_start3A_1228 = arith.constant 200 : i32
      %dma_start3A_1229 = arith.constant 0 : i32
      %dma_start3A_1230 = tpu.memref_slice %arg7[%dma_start3A_1228, %dma_start3A_1229] : memref<400x128xf32, #tpu.memory_space<vmem>> -> memref<100x64xf32, #tpu.memory_space<vmem>>
      tpu.enqueue_dma source(%dma_start3A_1230 : memref<100x64xf32, #tpu.memory_space<vmem>>) target(%dma_start3A_1227 : memref<100x64xf32, #tpu.memory_space<hbm>>) target_semaphore(%arg11 : memref<!tpu.dma_semaphore, #tpu.memory_space<semaphore_mem>>)
      %mul3A_1231 = arith.constant 4 : i32
      %mul3A_1232 = arith.muli %add3A_1125, %mul3A_1231 : i32
      %add3A_1233 = arith.addi %mul3A_2, %mul3A_1232 : i32
      %add3A_1234 = arith.constant 3 : i32
      %add3A_1235 = arith.addi %add3A_1233, %add3A_1234 : i32
      %dma_start3A_1236 = arith.constant 300 : i32
      %dma_start3A_1237 = arith.constant 0 : i32
      %dma_start3A_1238 = tpu.memref_slice %arg7[%dma_start3A_1236, %dma_start3A_1237] : memref<400x128xf32, #tpu.memory_space<vmem>> -> memref<100x64xf32, #tpu.memory_space<vmem>>
      %dma_start3A_1239 = arith.constant 0 : i32
      %dma_start3A_1240 = arith.constant 0 : i32
      %dma_start3A_1241 = tpu.memref_slice %arg4[%add3A_1235, %dma_start3A_1239, %dma_start3A_1240] : memref<4096x104x128xf32, #tpu.memory_space<hbm>> -> memref<1x100x64xf32, #tpu.memory_space<hbm>>
      %dma_start3A_1242 = tpu.memref_squeeze %dma_start3A_1241 : memref<1x100x64xf32, #tpu.memory_space<hbm>> -> memref<100x64xf32, #tpu.memory_space<hbm>>
      %dma_start3A_1243 = arith.constant 0 : i32
      %dma_start3A_1244 = arith.constant 0 : i32
      %dma_start3A_1245 = tpu.memref_slice %arg4[%add3A_1235, %dma_start3A_1243, %dma_start3A_1244] : memref<4096x104x128xf32, #tpu.memory_space<hbm>> -> memref<1x100x64xf32, #tpu.memory_space<hbm>>
      %dma_start3A_1246 = tpu.memref_squeeze %dma_start3A_1245 : memref<1x100x64xf32, #tpu.memory_space<hbm>> -> memref<100x64xf32, #tpu.memory_space<hbm>>
      %dma_start3A_1247 = arith.constant 300 : i32
      %dma_start3A_1248 = arith.constant 0 : i32
      %dma_start3A_1249 = tpu.memref_slice %arg7[%dma_start3A_1247, %dma_start3A_1248] : memref<400x128xf32, #tpu.memory_space<vmem>> -> memref<100x64xf32, #tpu.memory_space<vmem>>
      tpu.enqueue_dma source(%dma_start3A_1249 : memref<100x64xf32, #tpu.memory_space<vmem>>) target(%dma_start3A_1246 : memref<100x64xf32, #tpu.memory_space<hbm>>) target_semaphore(%arg11 : memref<!tpu.dma_semaphore, #tpu.memory_space<semaphore_mem>>)
      %mul3A_1250 = arith.constant 4 : i32
      %mul3A_1251 = arith.muli %add3A_1125, %mul3A_1250 : i32
      %add3A_1252 = arith.addi %mul3A_2, %mul3A_1251 : i32
      %add3A_1253 = arith.constant 0 : i32
      %add3A_1254 = arith.addi %add3A_1252, %add3A_1253 : i32
      %dma_wait3A_1255 = arith.constant 0 : i32
      %dma_wait3A_1256 = arith.constant 0 : i32
      %dma_wait3A_1257 = tpu.memref_slice %arg7[%dma_wait3A_1255, %dma_wait3A_1256] : memref<400x128xf32, #tpu.memory_space<vmem>> -> memref<100x64xf32, #tpu.memory_space<vmem>>
      %dma_wait3A_1258 = arith.constant 0 : i32
      %dma_wait3A_1259 = arith.constant 0 : i32
      %dma_wait3A_1260 = tpu.memref_slice %arg4[%add3A_1254, %dma_wait3A_1258, %dma_wait3A_1259] : memref<4096x104x128xf32, #tpu.memory_space<hbm>> -> memref<1x100x64xf32, #tpu.memory_space<hbm>>
      %dma_wait3A_1261 = tpu.memref_squeeze %dma_wait3A_1260 : memref<1x100x64xf32, #tpu.memory_space<hbm>> -> memref<100x64xf32, #tpu.memory_space<hbm>>
      %dma_wait3A_1262 = arith.constant 0 : i32
      %dma_wait3A_1263 = arith.constant 0 : i32
      %dma_wait3A_1264 = tpu.memref_slice %arg4[%add3A_1254, %dma_wait3A_1262, %dma_wait3A_1263] : memref<4096x104x128xf32, #tpu.memory_space<hbm>> -> memref<1x100x64xf32, #tpu.memory_space<hbm>>
      %dma_wait3A_1265 = tpu.memref_squeeze %dma_wait3A_1264 : memref<1x100x64xf32, #tpu.memory_space<hbm>> -> memref<100x64xf32, #tpu.memory_space<hbm>>
      %dma_wait3A_1266 = arith.constant 0 : i32
      %dma_wait3A_1267 = arith.constant 0 : i32
      %dma_wait3A_1268 = tpu.memref_slice %arg7[%dma_wait3A_1266, %dma_wait3A_1267] : memref<400x128xf32, #tpu.memory_space<vmem>> -> memref<100x64xf32, #tpu.memory_space<vmem>>
      tpu.wait_dma2 semaphore(%arg11 : memref<!tpu.dma_semaphore, #tpu.memory_space<semaphore_mem>>) src(%dma_wait3A_1268 : memref<100x64xf32, #tpu.memory_space<vmem>>) dst(%dma_wait3A_1265 : memref<100x64xf32, #tpu.memory_space<hbm>>)
      %mul3A_1269 = arith.constant 4 : i32
      %mul3A_1270 = arith.muli %add3A_1125, %mul3A_1269 : i32
      %add3A_1271 = arith.addi %mul3A_2, %mul3A_1270 : i32
      %add3A_1272 = arith.constant 1 : i32
      %add3A_1273 = arith.addi %add3A_1271, %add3A_1272 : i32
      %dma_wait3A_1274 = arith.constant 100 : i32
      %dma_wait3A_1275 = arith.constant 0 : i32
      %dma_wait3A_1276 = tpu.memref_slice %arg7[%dma_wait3A_1274, %dma_wait3A_1275] : memref<400x128xf32, #tpu.memory_space<vmem>> -> memref<100x64xf32, #tpu.memory_space<vmem>>
      %dma_wait3A_1277 = arith.constant 0 : i32
      %dma_wait3A_1278 = arith.constant 0 : i32
      %dma_wait3A_1279 = tpu.memref_slice %arg4[%add3A_1273, %dma_wait3A_1277, %dma_wait3A_1278] : memref<4096x104x128xf32, #tpu.memory_space<hbm>> -> memref<1x100x64xf32, #tpu.memory_space<hbm>>
      %dma_wait3A_1280 = tpu.memref_squeeze %dma_wait3A_1279 : memref<1x100x64xf32, #tpu.memory_space<hbm>> -> memref<100x64xf32, #tpu.memory_space<hbm>>
      %dma_wait3A_1281 = arith.constant 0 : i32
      %dma_wait3A_1282 = arith.constant 0 : i32
      %dma_wait3A_1283 = tpu.memref_slice %arg4[%add3A_1273, %dma_wait3A_1281, %dma_wait3A_1282] : memref<4096x104x128xf32, #tpu.memory_space<hbm>> -> memref<1x100x64xf32, #tpu.memory_space<hbm>>
      %dma_wait3A_1284 = tpu.memref_squeeze %dma_wait3A_1283 : memref<1x100x64xf32, #tpu.memory_space<hbm>> -> memref<100x64xf32, #tpu.memory_space<hbm>>
      %dma_wait3A_1285 = arith.constant 100 : i32
      %dma_wait3A_1286 = arith.constant 0 : i32
      %dma_wait3A_1287 = tpu.memref_slice %arg7[%dma_wait3A_1285, %dma_wait3A_1286] : memref<400x128xf32, #tpu.memory_space<vmem>> -> memref<100x64xf32, #tpu.memory_space<vmem>>
      tpu.wait_dma2 semaphore(%arg11 : memref<!tpu.dma_semaphore, #tpu.memory_space<semaphore_mem>>) src(%dma_wait3A_1287 : memref<100x64xf32, #tpu.memory_space<vmem>>) dst(%dma_wait3A_1284 : memref<100x64xf32, #tpu.memory_space<hbm>>)
      %mul3A_1288 = arith.constant 4 : i32
      %mul3A_1289 = arith.muli %add3A_1125, %mul3A_1288 : i32
      %add3A_1290 = arith.addi %mul3A_2, %mul3A_1289 : i32
      %add3A_1291 = arith.constant 2 : i32
      %add3A_1292 = arith.addi %add3A_1290, %add3A_1291 : i32
      %dma_wait3A_1293 = arith.constant 200 : i32
      %dma_wait3A_1294 = arith.constant 0 : i32
      %dma_wait3A_1295 = tpu.memref_slice %arg7[%dma_wait3A_1293, %dma_wait3A_1294] : memref<400x128xf32, #tpu.memory_space<vmem>> -> memref<100x64xf32, #tpu.memory_space<vmem>>
      %dma_wait3A_1296 = arith.constant 0 : i32
      %dma_wait3A_1297 = arith.constant 0 : i32
      %dma_wait3A_1298 = tpu.memref_slice %arg4[%add3A_1292, %dma_wait3A_1296, %dma_wait3A_1297] : memref<4096x104x128xf32, #tpu.memory_space<hbm>> -> memref<1x100x64xf32, #tpu.memory_space<hbm>>
      %dma_wait3A_1299 = tpu.memref_squeeze %dma_wait3A_1298 : memref<1x100x64xf32, #tpu.memory_space<hbm>> -> memref<100x64xf32, #tpu.memory_space<hbm>>
      %dma_wait3A_1300 = arith.constant 0 : i32
      %dma_wait3A_1301 = arith.constant 0 : i32
      %dma_wait3A_1302 = tpu.memref_slice %arg4[%add3A_1292, %dma_wait3A_1300, %dma_wait3A_1301] : memref<4096x104x128xf32, #tpu.memory_space<hbm>> -> memref<1x100x64xf32, #tpu.memory_space<hbm>>
      %dma_wait3A_1303 = tpu.memref_squeeze %dma_wait3A_1302 : memref<1x100x64xf32, #tpu.memory_space<hbm>> -> memref<100x64xf32, #tpu.memory_space<hbm>>
      %dma_wait3A_1304 = arith.constant 200 : i32
      %dma_wait3A_1305 = arith.constant 0 : i32
      %dma_wait3A_1306 = tpu.memref_slice %arg7[%dma_wait3A_1304, %dma_wait3A_1305] : memref<400x128xf32, #tpu.memory_space<vmem>> -> memref<100x64xf32, #tpu.memory_space<vmem>>
      tpu.wait_dma2 semaphore(%arg11 : memref<!tpu.dma_semaphore, #tpu.memory_space<semaphore_mem>>) src(%dma_wait3A_1306 : memref<100x64xf32, #tpu.memory_space<vmem>>) dst(%dma_wait3A_1303 : memref<100x64xf32, #tpu.memory_space<hbm>>)
      %mul3A_1307 = arith.constant 4 : i32
      %mul3A_1308 = arith.muli %add3A_1125, %mul3A_1307 : i32
      %add3A_1309 = arith.addi %mul3A_2, %mul3A_1308 : i32
      %add3A_1310 = arith.constant 3 : i32
      %add3A_1311 = arith.addi %add3A_1309, %add3A_1310 : i32
      %dma_wait3A_1312 = arith.constant 300 : i32
      %dma_wait3A_1313 = arith.constant 0 : i32
      %dma_wait3A_1314 = tpu.memref_slice %arg7[%dma_wait3A_1312, %dma_wait3A_1313] : memref<400x128xf32, #tpu.memory_space<vmem>> -> memref<100x64xf32, #tpu.memory_space<vmem>>
      %dma_wait3A_1315 = arith.constant 0 : i32
      %dma_wait3A_1316 = arith.constant 0 : i32
      %dma_wait3A_1317 = tpu.memref_slice %arg4[%add3A_1311, %dma_wait3A_1315, %dma_wait3A_1316] : memref<4096x104x128xf32, #tpu.memory_space<hbm>> -> memref<1x100x64xf32, #tpu.memory_space<hbm>>
      %dma_wait3A_1318 = tpu.memref_squeeze %dma_wait3A_1317 : memref<1x100x64xf32, #tpu.memory_space<hbm>> -> memref<100x64xf32, #tpu.memory_space<hbm>>
      %dma_wait3A_1319 = arith.constant 0 : i32
      %dma_wait3A_1320 = arith.constant 0 : i32
      %dma_wait3A_1321 = tpu.memref_slice %arg4[%add3A_1311, %dma_wait3A_1319, %dma_wait3A_1320] : memref<4096x104x128xf32, #tpu.memory_space<hbm>> -> memref<1x100x64xf32, #tpu.memory_space<hbm>>
      %dma_wait3A_1322 = tpu.memref_squeeze %dma_wait3A_1321 : memref<1x100x64xf32, #tpu.memory_space<hbm>> -> memref<100x64xf32, #tpu.memory_space<hbm>>
      %dma_wait3A_1323 = arith.constant 300 : i32
      %dma_wait3A_1324 = arith.constant 0 : i32
      %dma_wait3A_1325 = tpu.memref_slice %arg7[%dma_wait3A_1323, %dma_wait3A_1324] : memref<400x128xf32, #tpu.memory_space<vmem>> -> memref<100x64xf32, #tpu.memory_space<vmem>>
      tpu.wait_dma2 semaphore(%arg11 : memref<!tpu.dma_semaphore, #tpu.memory_space<semaphore_mem>>) src(%dma_wait3A_1325 : memref<100x64xf32, #tpu.memory_space<vmem>>) dst(%dma_wait3A_1322 : memref<100x64xf32, #tpu.memory_space<hbm>>)
      %add3A_1326 = arith.constant 2 : i32
      %add3A_1327 = arith.addi %add3A_1125, %add3A_1326 : i32
      %mul3A_1328 = arith.constant 400 : i32
      %mul3A_1329 = arith.muli %add3A_1327, %mul3A_1328 : i32
      %add3A_1330 = arith.constant 0 : i32
      %add3A_1331 = arith.addi %mul3A_1329, %add3A_1330 : i32
      %multiple_of3A_1332 = tpu.assume_multiple %add3A_1331, 8 : i32
      %dma_start3A_1333 = arith.constant 0 : i32
      %dma_start3A_1334 = arith.constant 0 : i32
      %dma_start3A_1335 = tpu.memref_slice %arg7[%dma_start3A_1333, %dma_start3A_1334] : memref<400x128xf32, #tpu.memory_space<vmem>> -> memref<128x128xf32, #tpu.memory_space<vmem>>
      %dma_start3A_1336 = tpu.memref_slice %arg5[%multiple_of3A_1332] : memref<12800xi32, #tpu.memory_space<vmem>> -> memref<128xi32, #tpu.memory_space<vmem>>
      %dma_start3A_1337 = arith.constant 0 : i32
      %dma_start3A_1338 = arith.constant 0 : i32
      %dma_start3A_1339 = tpu.memref_slice %arg3[%dma_start3A_1337, %dma_start3A_1338] : memref<1000000x128xf32, #tpu.memory_space<hbm>> -> memref<1000000x128xf32, #tpu.memory_space<hbm>>
      tpu.enqueue_indirect_dma source(%dma_start3A_1339 : memref<1000000x128xf32, #tpu.memory_space<hbm>>) target(%dma_start3A_1335 : memref<128x128xf32, #tpu.memory_space<vmem>>) offsets(%dma_start3A_1336 : memref<128xi32, #tpu.memory_space<vmem>>) semaphore(%arg9 : memref<!tpu.dma_semaphore, #tpu.memory_space<semaphore_mem>>)
      %mul3A_1340 = arith.constant 400 : i32
      %mul3A_1341 = arith.muli %add3A_1327, %mul3A_1340 : i32
      %add3A_1342 = arith.constant 128 : i32
      %add3A_1343 = arith.addi %mul3A_1341, %add3A_1342 : i32
      %multiple_of3A_1344 = tpu.assume_multiple %add3A_1343, 8 : i32
      %dma_start3A_1345 = arith.constant 128 : i32
      %dma_start3A_1346 = arith.constant 0 : i32
      %dma_start3A_1347 = tpu.memref_slice %arg7[%dma_start3A_1345, %dma_start3A_1346] : memref<400x128xf32, #tpu.memory_space<vmem>> -> memref<128x128xf32, #tpu.memory_space<vmem>>
      %dma_start3A_1348 = tpu.memref_slice %arg5[%multiple_of3A_1344] : memref<12800xi32, #tpu.memory_space<vmem>> -> memref<128xi32, #tpu.memory_space<vmem>>
      %dma_start3A_1349 = arith.constant 0 : i32
      %dma_start3A_1350 = arith.constant 0 : i32
      %dma_start3A_1351 = tpu.memref_slice %arg3[%dma_start3A_1349, %dma_start3A_1350] : memref<1000000x128xf32, #tpu.memory_space<hbm>> -> memref<1000000x128xf32, #tpu.memory_space<hbm>>
      tpu.enqueue_indirect_dma source(%dma_start3A_1351 : memref<1000000x128xf32, #tpu.memory_space<hbm>>) target(%dma_start3A_1347 : memref<128x128xf32, #tpu.memory_space<vmem>>) offsets(%dma_start3A_1348 : memref<128xi32, #tpu.memory_space<vmem>>) semaphore(%arg9 : memref<!tpu.dma_semaphore, #tpu.memory_space<semaphore_mem>>)
      %mul3A_1352 = arith.constant 400 : i32
      %mul3A_1353 = arith.muli %add3A_1327, %mul3A_1352 : i32
      %add3A_1354 = arith.constant 256 : i32
      %add3A_1355 = arith.addi %mul3A_1353, %add3A_1354 : i32
      %multiple_of3A_1356 = tpu.assume_multiple %add3A_1355, 8 : i32
      %dma_start3A_1357 = arith.constant 256 : i32
      %dma_start3A_1358 = arith.constant 0 : i32
      %dma_start3A_1359 = tpu.memref_slice %arg7[%dma_start3A_1357, %dma_start3A_1358] : memref<400x128xf32, #tpu.memory_space<vmem>> -> memref<128x128xf32, #tpu.memory_space<vmem>>
      %dma_start3A_1360 = tpu.memref_slice %arg5[%multiple_of3A_1356] : memref<12800xi32, #tpu.memory_space<vmem>> -> memref<128xi32, #tpu.memory_space<vmem>>
      %dma_start3A_1361 = arith.constant 0 : i32
      %dma_start3A_1362 = arith.constant 0 : i32
      %dma_start3A_1363 = tpu.memref_slice %arg3[%dma_start3A_1361, %dma_start3A_1362] : memref<1000000x128xf32, #tpu.memory_space<hbm>> -> memref<1000000x128xf32, #tpu.memory_space<hbm>>
      tpu.enqueue_indirect_dma source(%dma_start3A_1363 : memref<1000000x128xf32, #tpu.memory_space<hbm>>) target(%dma_start3A_1359 : memref<128x128xf32, #tpu.memory_space<vmem>>) offsets(%dma_start3A_1360 : memref<128xi32, #tpu.memory_space<vmem>>) semaphore(%arg9 : memref<!tpu.dma_semaphore, #tpu.memory_space<semaphore_mem>>)
      %mul3A_1364 = arith.constant 400 : i32
      %mul3A_1365 = arith.muli %add3A_1327, %mul3A_1364 : i32
      %add3A_1366 = arith.constant 384 : i32
      %add3A_1367 = arith.addi %mul3A_1365, %add3A_1366 : i32
      %multiple_of3A_1368 = tpu.assume_multiple %add3A_1367, 8 : i32
      %dma_start3A_1369 = arith.constant 384 : i32
      %dma_start3A_1370 = arith.constant 0 : i32
      %dma_start3A_1371 = tpu.memref_slice %arg7[%dma_start3A_1369, %dma_start3A_1370] : memref<400x128xf32, #tpu.memory_space<vmem>> -> memref<16x128xf32, #tpu.memory_space<vmem>>
      %dma_start3A_1372 = tpu.memref_slice %arg5[%multiple_of3A_1368] : memref<12800xi32, #tpu.memory_space<vmem>> -> memref<16xi32, #tpu.memory_space<vmem>>
      %dma_start3A_1373 = arith.constant 0 : i32
      %dma_start3A_1374 = arith.constant 0 : i32
      %dma_start3A_1375 = tpu.memref_slice %arg3[%dma_start3A_1373, %dma_start3A_1374] : memref<1000000x128xf32, #tpu.memory_space<hbm>> -> memref<1000000x128xf32, #tpu.memory_space<hbm>>
      tpu.enqueue_indirect_dma source(%dma_start3A_1375 : memref<1000000x128xf32, #tpu.memory_space<hbm>>) target(%dma_start3A_1371 : memref<16x128xf32, #tpu.memory_space<vmem>>) offsets(%dma_start3A_1372 : memref<16xi32, #tpu.memory_space<vmem>>) semaphore(%arg9 : memref<!tpu.dma_semaphore, #tpu.memory_space<semaphore_mem>>)
    }
    %scan3A_79 = arith.constant 14 : i32
    %multiple_of3A_80 = arith.constant 11200 : i32
    %multiple_of3A_81 = tpu.assume_multiple %multiple_of3A_80, 8 : i32
    %dma_wait3A = arith.constant 0 : i32
    %dma_wait3A_82 = arith.constant 0 : i32
    %dma_wait3A_83 = tpu.memref_slice %arg6[%dma_wait3A, %dma_wait3A_82] : memref<400x128xf32, #tpu.memory_space<vmem>> -> memref<128x128xf32, #tpu.memory_space<vmem>>
    %dma_wait3A_84 = tpu.memref_slice %arg5[%multiple_of3A_81] : memref<12800xi32, #tpu.memory_space<vmem>> -> memref<128xi32, #tpu.memory_space<vmem>>
    %dma_wait3A_85 = arith.constant 0 : i32
    %dma_wait3A_86 = arith.constant 0 : i32
    %dma_wait3A_87 = tpu.memref_slice %arg3[%dma_wait3A_85, %dma_wait3A_86] : memref<1000000x128xf32, #tpu.memory_space<hbm>> -> memref<1000000x128xf32, #tpu.memory_space<hbm>>
    tpu.wait_indirect_dma semaphore(%arg8 : memref<!tpu.dma_semaphore, #tpu.memory_space<semaphore_mem>>) src(%dma_wait3A_87 : memref<1000000x128xf32, #tpu.memory_space<hbm>>) dst(%dma_wait3A_83 : memref<128x128xf32, #tpu.memory_space<vmem>>)
    %multiple_of3A_88 = arith.constant 11328 : i32
    %multiple_of3A_89 = tpu.assume_multiple %multiple_of3A_88, 8 : i32
    %dma_wait3A_90 = arith.constant 128 : i32
    %dma_wait3A_91 = arith.constant 0 : i32
    %dma_wait3A_92 = tpu.memref_slice %arg6[%dma_wait3A_90, %dma_wait3A_91] : memref<400x128xf32, #tpu.memory_space<vmem>> -> memref<128x128xf32, #tpu.memory_space<vmem>>
    %dma_wait3A_93 = tpu.memref_slice %arg5[%multiple_of3A_89] : memref<12800xi32, #tpu.memory_space<vmem>> -> memref<128xi32, #tpu.memory_space<vmem>>
    %dma_wait3A_94 = arith.constant 0 : i32
    %dma_wait3A_95 = arith.constant 0 : i32
    %dma_wait3A_96 = tpu.memref_slice %arg3[%dma_wait3A_94, %dma_wait3A_95] : memref<1000000x128xf32, #tpu.memory_space<hbm>> -> memref<1000000x128xf32, #tpu.memory_space<hbm>>
    tpu.wait_indirect_dma semaphore(%arg8 : memref<!tpu.dma_semaphore, #tpu.memory_space<semaphore_mem>>) src(%dma_wait3A_96 : memref<1000000x128xf32, #tpu.memory_space<hbm>>) dst(%dma_wait3A_92 : memref<128x128xf32, #tpu.memory_space<vmem>>)
    %multiple_of3A_97 = arith.constant 11456 : i32
    %multiple_of3A_98 = tpu.assume_multiple %multiple_of3A_97, 8 : i32
    %dma_wait3A_99 = arith.constant 256 : i32
    %dma_wait3A_100 = arith.constant 0 : i32
    %dma_wait3A_101 = tpu.memref_slice %arg6[%dma_wait3A_99, %dma_wait3A_100] : memref<400x128xf32, #tpu.memory_space<vmem>> -> memref<128x128xf32, #tpu.memory_space<vmem>>
    %dma_wait3A_102 = tpu.memref_slice %arg5[%multiple_of3A_98] : memref<12800xi32, #tpu.memory_space<vmem>> -> memref<128xi32, #tpu.memory_space<vmem>>
    %dma_wait3A_103 = arith.constant 0 : i32
    %dma_wait3A_104 = arith.constant 0 : i32
    %dma_wait3A_105 = tpu.memref_slice %arg3[%dma_wait3A_103, %dma_wait3A_104] : memref<1000000x128xf32, #tpu.memory_space<hbm>> -> memref<1000000x128xf32, #tpu.memory_space<hbm>>
    tpu.wait_indirect_dma semaphore(%arg8 : memref<!tpu.dma_semaphore, #tpu.memory_space<semaphore_mem>>) src(%dma_wait3A_105 : memref<1000000x128xf32, #tpu.memory_space<hbm>>) dst(%dma_wait3A_101 : memref<128x128xf32, #tpu.memory_space<vmem>>)
    %multiple_of3A_106 = arith.constant 11584 : i32
    %multiple_of3A_107 = tpu.assume_multiple %multiple_of3A_106, 8 : i32
    %dma_wait3A_108 = arith.constant 384 : i32
    %dma_wait3A_109 = arith.constant 0 : i32
    %dma_wait3A_110 = tpu.memref_slice %arg6[%dma_wait3A_108, %dma_wait3A_109] : memref<400x128xf32, #tpu.memory_space<vmem>> -> memref<16x128xf32, #tpu.memory_space<vmem>>
    %dma_wait3A_111 = tpu.memref_slice %arg5[%multiple_of3A_107] : memref<12800xi32, #tpu.memory_space<vmem>> -> memref<16xi32, #tpu.memory_space<vmem>>
    %dma_wait3A_112 = arith.constant 0 : i32
    %dma_wait3A_113 = arith.constant 0 : i32
    %dma_wait3A_114 = tpu.memref_slice %arg3[%dma_wait3A_112, %dma_wait3A_113] : memref<1000000x128xf32, #tpu.memory_space<hbm>> -> memref<1000000x128xf32, #tpu.memory_space<hbm>>
    tpu.wait_indirect_dma semaphore(%arg8 : memref<!tpu.dma_semaphore, #tpu.memory_space<semaphore_mem>>) src(%dma_wait3A_114 : memref<1000000x128xf32, #tpu.memory_space<hbm>>) dst(%dma_wait3A_110 : memref<16x128xf32, #tpu.memory_space<vmem>>)
    %add3A_115 = arith.constant 112 : i32
    %add3A_116 = arith.addi %mul3A_2, %add3A_115 : i32
    %add3A_117 = arith.constant 0 : i32
    %add3A_118 = arith.addi %add3A_116, %add3A_117 : i32
    %dma_start3A_119 = arith.constant 0 : i32
    %dma_start3A_120 = arith.constant 0 : i32
    %dma_start3A_121 = tpu.memref_slice %arg6[%dma_start3A_119, %dma_start3A_120] : memref<400x128xf32, #tpu.memory_space<vmem>> -> memref<100x64xf32, #tpu.memory_space<vmem>>
    %dma_start3A_122 = arith.constant 0 : i32
    %dma_start3A_123 = arith.constant 0 : i32
    %dma_start3A_124 = tpu.memref_slice %arg4[%add3A_118, %dma_start3A_122, %dma_start3A_123] : memref<4096x104x128xf32, #tpu.memory_space<hbm>> -> memref<1x100x64xf32, #tpu.memory_space<hbm>>
    %dma_start3A_125 = tpu.memref_squeeze %dma_start3A_124 : memref<1x100x64xf32, #tpu.memory_space<hbm>> -> memref<100x64xf32, #tpu.memory_space<hbm>>
    %dma_start3A_126 = arith.constant 0 : i32
    %dma_start3A_127 = arith.constant 0 : i32
    %dma_start3A_128 = tpu.memref_slice %arg4[%add3A_118, %dma_start3A_126, %dma_start3A_127] : memref<4096x104x128xf32, #tpu.memory_space<hbm>> -> memref<1x100x64xf32, #tpu.memory_space<hbm>>
    %dma_start3A_129 = tpu.memref_squeeze %dma_start3A_128 : memref<1x100x64xf32, #tpu.memory_space<hbm>> -> memref<100x64xf32, #tpu.memory_space<hbm>>
    %dma_start3A_130 = arith.constant 0 : i32
    %dma_start3A_131 = arith.constant 0 : i32
    %dma_start3A_132 = tpu.memref_slice %arg6[%dma_start3A_130, %dma_start3A_131] : memref<400x128xf32, #tpu.memory_space<vmem>> -> memref<100x64xf32, #tpu.memory_space<vmem>>
    tpu.enqueue_dma source(%dma_start3A_132 : memref<100x64xf32, #tpu.memory_space<vmem>>) target(%dma_start3A_129 : memref<100x64xf32, #tpu.memory_space<hbm>>) target_semaphore(%arg10 : memref<!tpu.dma_semaphore, #tpu.memory_space<semaphore_mem>>)
    %add3A_133 = arith.constant 112 : i32
    %add3A_134 = arith.addi %mul3A_2, %add3A_133 : i32
    %add3A_135 = arith.constant 1 : i32
    %add3A_136 = arith.addi %add3A_134, %add3A_135 : i32
    %dma_start3A_137 = arith.constant 100 : i32
    %dma_start3A_138 = arith.constant 0 : i32
    %dma_start3A_139 = tpu.memref_slice %arg6[%dma_start3A_137, %dma_start3A_138] : memref<400x128xf32, #tpu.memory_space<vmem>> -> memref<100x64xf32, #tpu.memory_space<vmem>>
    %dma_start3A_140 = arith.constant 0 : i32
    %dma_start3A_141 = arith.constant 0 : i32
    %dma_start3A_142 = tpu.memref_slice %arg4[%add3A_136, %dma_start3A_140, %dma_start3A_141] : memref<4096x104x128xf32, #tpu.memory_space<hbm>> -> memref<1x100x64xf32, #tpu.memory_space<hbm>>
    %dma_start3A_143 = tpu.memref_squeeze %dma_start3A_142 : memref<1x100x64xf32, #tpu.memory_space<hbm>> -> memref<100x64xf32, #tpu.memory_space<hbm>>
    %dma_start3A_144 = arith.constant 0 : i32
    %dma_start3A_145 = arith.constant 0 : i32
    %dma_start3A_146 = tpu.memref_slice %arg4[%add3A_136, %dma_start3A_144, %dma_start3A_145] : memref<4096x104x128xf32, #tpu.memory_space<hbm>> -> memref<1x100x64xf32, #tpu.memory_space<hbm>>
    %dma_start3A_147 = tpu.memref_squeeze %dma_start3A_146 : memref<1x100x64xf32, #tpu.memory_space<hbm>> -> memref<100x64xf32, #tpu.memory_space<hbm>>
    %dma_start3A_148 = arith.constant 100 : i32
    %dma_start3A_149 = arith.constant 0 : i32
    %dma_start3A_150 = tpu.memref_slice %arg6[%dma_start3A_148, %dma_start3A_149] : memref<400x128xf32, #tpu.memory_space<vmem>> -> memref<100x64xf32, #tpu.memory_space<vmem>>
    tpu.enqueue_dma source(%dma_start3A_150 : memref<100x64xf32, #tpu.memory_space<vmem>>) target(%dma_start3A_147 : memref<100x64xf32, #tpu.memory_space<hbm>>) target_semaphore(%arg10 : memref<!tpu.dma_semaphore, #tpu.memory_space<semaphore_mem>>)
    %add3A_151 = arith.constant 112 : i32
    %add3A_152 = arith.addi %mul3A_2, %add3A_151 : i32
    %add3A_153 = arith.constant 2 : i32
    %add3A_154 = arith.addi %add3A_152, %add3A_153 : i32
    %dma_start3A_155 = arith.constant 200 : i32
    %dma_start3A_156 = arith.constant 0 : i32
    %dma_start3A_157 = tpu.memref_slice %arg6[%dma_start3A_155, %dma_start3A_156] : memref<400x128xf32, #tpu.memory_space<vmem>> -> memref<100x64xf32, #tpu.memory_space<vmem>>
    %dma_start3A_158 = arith.constant 0 : i32
    %dma_start3A_159 = arith.constant 0 : i32
    %dma_start3A_160 = tpu.memref_slice %arg4[%add3A_154, %dma_start3A_158, %dma_start3A_159] : memref<4096x104x128xf32, #tpu.memory_space<hbm>> -> memref<1x100x64xf32, #tpu.memory_space<hbm>>
    %dma_start3A_161 = tpu.memref_squeeze %dma_start3A_160 : memref<1x100x64xf32, #tpu.memory_space<hbm>> -> memref<100x64xf32, #tpu.memory_space<hbm>>
    %dma_start3A_162 = arith.constant 0 : i32
    %dma_start3A_163 = arith.constant 0 : i32
    %dma_start3A_164 = tpu.memref_slice %arg4[%add3A_154, %dma_start3A_162, %dma_start3A_163] : memref<4096x104x128xf32, #tpu.memory_space<hbm>> -> memref<1x100x64xf32, #tpu.memory_space<hbm>>
    %dma_start3A_165 = tpu.memref_squeeze %dma_start3A_164 : memref<1x100x64xf32, #tpu.memory_space<hbm>> -> memref<100x64xf32, #tpu.memory_space<hbm>>
    %dma_start3A_166 = arith.constant 200 : i32
    %dma_start3A_167 = arith.constant 0 : i32
    %dma_start3A_168 = tpu.memref_slice %arg6[%dma_start3A_166, %dma_start3A_167] : memref<400x128xf32, #tpu.memory_space<vmem>> -> memref<100x64xf32, #tpu.memory_space<vmem>>
    tpu.enqueue_dma source(%dma_start3A_168 : memref<100x64xf32, #tpu.memory_space<vmem>>) target(%dma_start3A_165 : memref<100x64xf32, #tpu.memory_space<hbm>>) target_semaphore(%arg10 : memref<!tpu.dma_semaphore, #tpu.memory_space<semaphore_mem>>)
    %add3A_169 = arith.constant 112 : i32
    %add3A_170 = arith.addi %mul3A_2, %add3A_169 : i32
    %add3A_171 = arith.constant 3 : i32
    %add3A_172 = arith.addi %add3A_170, %add3A_171 : i32
    %dma_start3A_173 = arith.constant 300 : i32
    %dma_start3A_174 = arith.constant 0 : i32
    %dma_start3A_175 = tpu.memref_slice %arg6[%dma_start3A_173, %dma_start3A_174] : memref<400x128xf32, #tpu.memory_space<vmem>> -> memref<100x64xf32, #tpu.memory_space<vmem>>
    %dma_start3A_176 = arith.constant 0 : i32
    %dma_start3A_177 = arith.constant 0 : i32
    %dma_start3A_178 = tpu.memref_slice %arg4[%add3A_172, %dma_start3A_176, %dma_start3A_177] : memref<4096x104x128xf32, #tpu.memory_space<hbm>> -> memref<1x100x64xf32, #tpu.memory_space<hbm>>
    %dma_start3A_179 = tpu.memref_squeeze %dma_start3A_178 : memref<1x100x64xf32, #tpu.memory_space<hbm>> -> memref<100x64xf32, #tpu.memory_space<hbm>>
    %dma_start3A_180 = arith.constant 0 : i32
    %dma_start3A_181 = arith.constant 0 : i32
    %dma_start3A_182 = tpu.memref_slice %arg4[%add3A_172, %dma_start3A_180, %dma_start3A_181] : memref<4096x104x128xf32, #tpu.memory_space<hbm>> -> memref<1x100x64xf32, #tpu.memory_space<hbm>>
    %dma_start3A_183 = tpu.memref_squeeze %dma_start3A_182 : memref<1x100x64xf32, #tpu.memory_space<hbm>> -> memref<100x64xf32, #tpu.memory_space<hbm>>
    %dma_start3A_184 = arith.constant 300 : i32
    %dma_start3A_185 = arith.constant 0 : i32
    %dma_start3A_186 = tpu.memref_slice %arg6[%dma_start3A_184, %dma_start3A_185] : memref<400x128xf32, #tpu.memory_space<vmem>> -> memref<100x64xf32, #tpu.memory_space<vmem>>
    tpu.enqueue_dma source(%dma_start3A_186 : memref<100x64xf32, #tpu.memory_space<vmem>>) target(%dma_start3A_183 : memref<100x64xf32, #tpu.memory_space<hbm>>) target_semaphore(%arg10 : memref<!tpu.dma_semaphore, #tpu.memory_space<semaphore_mem>>)
    %add3A_187 = arith.constant 112 : i32
    %add3A_188 = arith.addi %mul3A_2, %add3A_187 : i32
    %add3A_189 = arith.constant 0 : i32
    %add3A_190 = arith.addi %add3A_188, %add3A_189 : i32
    %dma_wait3A_191 = arith.constant 0 : i32
    %dma_wait3A_192 = arith.constant 0 : i32
    %dma_wait3A_193 = tpu.memref_slice %arg6[%dma_wait3A_191, %dma_wait3A_192] : memref<400x128xf32, #tpu.memory_space<vmem>> -> memref<100x64xf32, #tpu.memory_space<vmem>>
    %dma_wait3A_194 = arith.constant 0 : i32
    %dma_wait3A_195 = arith.constant 0 : i32
    %dma_wait3A_196 = tpu.memref_slice %arg4[%add3A_190, %dma_wait3A_194, %dma_wait3A_195] : memref<4096x104x128xf32, #tpu.memory_space<hbm>> -> memref<1x100x64xf32, #tpu.memory_space<hbm>>
    %dma_wait3A_197 = tpu.memref_squeeze %dma_wait3A_196 : memref<1x100x64xf32, #tpu.memory_space<hbm>> -> memref<100x64xf32, #tpu.memory_space<hbm>>
    %dma_wait3A_198 = arith.constant 0 : i32
    %dma_wait3A_199 = arith.constant 0 : i32
    %dma_wait3A_200 = tpu.memref_slice %arg4[%add3A_190, %dma_wait3A_198, %dma_wait3A_199] : memref<4096x104x128xf32, #tpu.memory_space<hbm>> -> memref<1x100x64xf32, #tpu.memory_space<hbm>>
    %dma_wait3A_201 = tpu.memref_squeeze %dma_wait3A_200 : memref<1x100x64xf32, #tpu.memory_space<hbm>> -> memref<100x64xf32, #tpu.memory_space<hbm>>
    %dma_wait3A_202 = arith.constant 0 : i32
    %dma_wait3A_203 = arith.constant 0 : i32
    %dma_wait3A_204 = tpu.memref_slice %arg6[%dma_wait3A_202, %dma_wait3A_203] : memref<400x128xf32, #tpu.memory_space<vmem>> -> memref<100x64xf32, #tpu.memory_space<vmem>>
    tpu.wait_dma2 semaphore(%arg10 : memref<!tpu.dma_semaphore, #tpu.memory_space<semaphore_mem>>) src(%dma_wait3A_204 : memref<100x64xf32, #tpu.memory_space<vmem>>) dst(%dma_wait3A_201 : memref<100x64xf32, #tpu.memory_space<hbm>>)
    %add3A_205 = arith.constant 112 : i32
    %add3A_206 = arith.addi %mul3A_2, %add3A_205 : i32
    %add3A_207 = arith.constant 1 : i32
    %add3A_208 = arith.addi %add3A_206, %add3A_207 : i32
    %dma_wait3A_209 = arith.constant 100 : i32
    %dma_wait3A_210 = arith.constant 0 : i32
    %dma_wait3A_211 = tpu.memref_slice %arg6[%dma_wait3A_209, %dma_wait3A_210] : memref<400x128xf32, #tpu.memory_space<vmem>> -> memref<100x64xf32, #tpu.memory_space<vmem>>
    %dma_wait3A_212 = arith.constant 0 : i32
    %dma_wait3A_213 = arith.constant 0 : i32
    %dma_wait3A_214 = tpu.memref_slice %arg4[%add3A_208, %dma_wait3A_212, %dma_wait3A_213] : memref<4096x104x128xf32, #tpu.memory_space<hbm>> -> memref<1x100x64xf32, #tpu.memory_space<hbm>>
    %dma_wait3A_215 = tpu.memref_squeeze %dma_wait3A_214 : memref<1x100x64xf32, #tpu.memory_space<hbm>> -> memref<100x64xf32, #tpu.memory_space<hbm>>
    %dma_wait3A_216 = arith.constant 0 : i32
    %dma_wait3A_217 = arith.constant 0 : i32
    %dma_wait3A_218 = tpu.memref_slice %arg4[%add3A_208, %dma_wait3A_216, %dma_wait3A_217] : memref<4096x104x128xf32, #tpu.memory_space<hbm>> -> memref<1x100x64xf32, #tpu.memory_space<hbm>>
    %dma_wait3A_219 = tpu.memref_squeeze %dma_wait3A_218 : memref<1x100x64xf32, #tpu.memory_space<hbm>> -> memref<100x64xf32, #tpu.memory_space<hbm>>
    %dma_wait3A_220 = arith.constant 100 : i32
    %dma_wait3A_221 = arith.constant 0 : i32
    %dma_wait3A_222 = tpu.memref_slice %arg6[%dma_wait3A_220, %dma_wait3A_221] : memref<400x128xf32, #tpu.memory_space<vmem>> -> memref<100x64xf32, #tpu.memory_space<vmem>>
    tpu.wait_dma2 semaphore(%arg10 : memref<!tpu.dma_semaphore, #tpu.memory_space<semaphore_mem>>) src(%dma_wait3A_222 : memref<100x64xf32, #tpu.memory_space<vmem>>) dst(%dma_wait3A_219 : memref<100x64xf32, #tpu.memory_space<hbm>>)
    %add3A_223 = arith.constant 112 : i32
    %add3A_224 = arith.addi %mul3A_2, %add3A_223 : i32
    %add3A_225 = arith.constant 2 : i32
    %add3A_226 = arith.addi %add3A_224, %add3A_225 : i32
    %dma_wait3A_227 = arith.constant 200 : i32
    %dma_wait3A_228 = arith.constant 0 : i32
    %dma_wait3A_229 = tpu.memref_slice %arg6[%dma_wait3A_227, %dma_wait3A_228] : memref<400x128xf32, #tpu.memory_space<vmem>> -> memref<100x64xf32, #tpu.memory_space<vmem>>
    %dma_wait3A_230 = arith.constant 0 : i32
    %dma_wait3A_231 = arith.constant 0 : i32
    %dma_wait3A_232 = tpu.memref_slice %arg4[%add3A_226, %dma_wait3A_230, %dma_wait3A_231] : memref<4096x104x128xf32, #tpu.memory_space<hbm>> -> memref<1x100x64xf32, #tpu.memory_space<hbm>>
    %dma_wait3A_233 = tpu.memref_squeeze %dma_wait3A_232 : memref<1x100x64xf32, #tpu.memory_space<hbm>> -> memref<100x64xf32, #tpu.memory_space<hbm>>
    %dma_wait3A_234 = arith.constant 0 : i32
    %dma_wait3A_235 = arith.constant 0 : i32
    %dma_wait3A_236 = tpu.memref_slice %arg4[%add3A_226, %dma_wait3A_234, %dma_wait3A_235] : memref<4096x104x128xf32, #tpu.memory_space<hbm>> -> memref<1x100x64xf32, #tpu.memory_space<hbm>>
    %dma_wait3A_237 = tpu.memref_squeeze %dma_wait3A_236 : memref<1x100x64xf32, #tpu.memory_space<hbm>> -> memref<100x64xf32, #tpu.memory_space<hbm>>
    %dma_wait3A_238 = arith.constant 200 : i32
    %dma_wait3A_239 = arith.constant 0 : i32
    %dma_wait3A_240 = tpu.memref_slice %arg6[%dma_wait3A_238, %dma_wait3A_239] : memref<400x128xf32, #tpu.memory_space<vmem>> -> memref<100x64xf32, #tpu.memory_space<vmem>>
    tpu.wait_dma2 semaphore(%arg10 : memref<!tpu.dma_semaphore, #tpu.memory_space<semaphore_mem>>) src(%dma_wait3A_240 : memref<100x64xf32, #tpu.memory_space<vmem>>) dst(%dma_wait3A_237 : memref<100x64xf32, #tpu.memory_space<hbm>>)
    %add3A_241 = arith.constant 112 : i32
    %add3A_242 = arith.addi %mul3A_2, %add3A_241 : i32
    %add3A_243 = arith.constant 3 : i32
    %add3A_244 = arith.addi %add3A_242, %add3A_243 : i32
    %dma_wait3A_245 = arith.constant 300 : i32
    %dma_wait3A_246 = arith.constant 0 : i32
    %dma_wait3A_247 = tpu.memref_slice %arg6[%dma_wait3A_245, %dma_wait3A_246] : memref<400x128xf32, #tpu.memory_space<vmem>> -> memref<100x64xf32, #tpu.memory_space<vmem>>
    %dma_wait3A_248 = arith.constant 0 : i32
    %dma_wait3A_249 = arith.constant 0 : i32
    %dma_wait3A_250 = tpu.memref_slice %arg4[%add3A_244, %dma_wait3A_248, %dma_wait3A_249] : memref<4096x104x128xf32, #tpu.memory_space<hbm>> -> memref<1x100x64xf32, #tpu.memory_space<hbm>>
    %dma_wait3A_251 = tpu.memref_squeeze %dma_wait3A_250 : memref<1x100x64xf32, #tpu.memory_space<hbm>> -> memref<100x64xf32, #tpu.memory_space<hbm>>
    %dma_wait3A_252 = arith.constant 0 : i32
    %dma_wait3A_253 = arith.constant 0 : i32
    %dma_wait3A_254 = tpu.memref_slice %arg4[%add3A_244, %dma_wait3A_252, %dma_wait3A_253] : memref<4096x104x128xf32, #tpu.memory_space<hbm>> -> memref<1x100x64xf32, #tpu.memory_space<hbm>>
    %dma_wait3A_255 = tpu.memref_squeeze %dma_wait3A_254 : memref<1x100x64xf32, #tpu.memory_space<hbm>> -> memref<100x64xf32, #tpu.memory_space<hbm>>
    %dma_wait3A_256 = arith.constant 300 : i32
    %dma_wait3A_257 = arith.constant 0 : i32
    %dma_wait3A_258 = tpu.memref_slice %arg6[%dma_wait3A_256, %dma_wait3A_257] : memref<400x128xf32, #tpu.memory_space<vmem>> -> memref<100x64xf32, #tpu.memory_space<vmem>>
    tpu.wait_dma2 semaphore(%arg10 : memref<!tpu.dma_semaphore, #tpu.memory_space<semaphore_mem>>) src(%dma_wait3A_258 : memref<100x64xf32, #tpu.memory_space<vmem>>) dst(%dma_wait3A_255 : memref<100x64xf32, #tpu.memory_space<hbm>>)
    %multiple_of3A_259 = arith.constant 12000 : i32
    %multiple_of3A_260 = tpu.assume_multiple %multiple_of3A_259, 8 : i32
    %dma_start3A_261 = arith.constant 0 : i32
    %dma_start3A_262 = arith.constant 0 : i32
    %dma_start3A_263 = tpu.memref_slice %arg6[%dma_start3A_261, %dma_start3A_262] : memref<400x128xf32, #tpu.memory_space<vmem>> -> memref<128x128xf32, #tpu.memory_space<vmem>>
    %dma_start3A_264 = tpu.memref_slice %arg5[%multiple_of3A_260] : memref<12800xi32, #tpu.memory_space<vmem>> -> memref<128xi32, #tpu.memory_space<vmem>>
    %dma_start3A_265 = arith.constant 0 : i32
    %dma_start3A_266 = arith.constant 0 : i32
    %dma_start3A_267 = tpu.memref_slice %arg3[%dma_start3A_265, %dma_start3A_266] : memref<1000000x128xf32, #tpu.memory_space<hbm>> -> memref<1000000x128xf32, #tpu.memory_space<hbm>>
    tpu.enqueue_indirect_dma source(%dma_start3A_267 : memref<1000000x128xf32, #tpu.memory_space<hbm>>) target(%dma_start3A_263 : memref<128x128xf32, #tpu.memory_space<vmem>>) offsets(%dma_start3A_264 : memref<128xi32, #tpu.memory_space<vmem>>) semaphore(%arg8 : memref<!tpu.dma_semaphore, #tpu.memory_space<semaphore_mem>>)
    %multiple_of3A_268 = arith.constant 12128 : i32
    %multiple_of3A_269 = tpu.assume_multiple %multiple_of3A_268, 8 : i32
    %dma_start3A_270 = arith.constant 128 : i32
    %dma_start3A_271 = arith.constant 0 : i32
    %dma_start3A_272 = tpu.memref_slice %arg6[%dma_start3A_270, %dma_start3A_271] : memref<400x128xf32, #tpu.memory_space<vmem>> -> memref<128x128xf32, #tpu.memory_space<vmem>>
    %dma_start3A_273 = tpu.memref_slice %arg5[%multiple_of3A_269] : memref<12800xi32, #tpu.memory_space<vmem>> -> memref<128xi32, #tpu.memory_space<vmem>>
    %dma_start3A_274 = arith.constant 0 : i32
    %dma_start3A_275 = arith.constant 0 : i32
    %dma_start3A_276 = tpu.memref_slice %arg3[%dma_start3A_274, %dma_start3A_275] : memref<1000000x128xf32, #tpu.memory_space<hbm>> -> memref<1000000x128xf32, #tpu.memory_space<hbm>>
    tpu.enqueue_indirect_dma source(%dma_start3A_276 : memref<1000000x128xf32, #tpu.memory_space<hbm>>) target(%dma_start3A_272 : memref<128x128xf32, #tpu.memory_space<vmem>>) offsets(%dma_start3A_273 : memref<128xi32, #tpu.memory_space<vmem>>) semaphore(%arg8 : memref<!tpu.dma_semaphore, #tpu.memory_space<semaphore_mem>>)
    %multiple_of3A_277 = arith.constant 12256 : i32
    %multiple_of3A_278 = tpu.assume_multiple %multiple_of3A_277, 8 : i32
    %dma_start3A_279 = arith.constant 256 : i32
    %dma_start3A_280 = arith.constant 0 : i32
    %dma_start3A_281 = tpu.memref_slice %arg6[%dma_start3A_279, %dma_start3A_280] : memref<400x128xf32, #tpu.memory_space<vmem>> -> memref<128x128xf32, #tpu.memory_space<vmem>>
    %dma_start3A_282 = tpu.memref_slice %arg5[%multiple_of3A_278] : memref<12800xi32, #tpu.memory_space<vmem>> -> memref<128xi32, #tpu.memory_space<vmem>>
    %dma_start3A_283 = arith.constant 0 : i32
    %dma_start3A_284 = arith.constant 0 : i32
    %dma_start3A_285 = tpu.memref_slice %arg3[%dma_start3A_283, %dma_start3A_284] : memref<1000000x128xf32, #tpu.memory_space<hbm>> -> memref<1000000x128xf32, #tpu.memory_space<hbm>>
    tpu.enqueue_indirect_dma source(%dma_start3A_285 : memref<1000000x128xf32, #tpu.memory_space<hbm>>) target(%dma_start3A_281 : memref<128x128xf32, #tpu.memory_space<vmem>>) offsets(%dma_start3A_282 : memref<128xi32, #tpu.memory_space<vmem>>) semaphore(%arg8 : memref<!tpu.dma_semaphore, #tpu.memory_space<semaphore_mem>>)
    %multiple_of3A_286 = arith.constant 12384 : i32
    %multiple_of3A_287 = tpu.assume_multiple %multiple_of3A_286, 8 : i32
    %dma_start3A_288 = arith.constant 384 : i32
    %dma_start3A_289 = arith.constant 0 : i32
    %dma_start3A_290 = tpu.memref_slice %arg6[%dma_start3A_288, %dma_start3A_289] : memref<400x128xf32, #tpu.memory_space<vmem>> -> memref<16x128xf32, #tpu.memory_space<vmem>>
    %dma_start3A_291 = tpu.memref_slice %arg5[%multiple_of3A_287] : memref<12800xi32, #tpu.memory_space<vmem>> -> memref<16xi32, #tpu.memory_space<vmem>>
    %dma_start3A_292 = arith.constant 0 : i32
    %dma_start3A_293 = arith.constant 0 : i32
    %dma_start3A_294 = tpu.memref_slice %arg3[%dma_start3A_292, %dma_start3A_293] : memref<1000000x128xf32, #tpu.memory_space<hbm>> -> memref<1000000x128xf32, #tpu.memory_space<hbm>>
    tpu.enqueue_indirect_dma source(%dma_start3A_294 : memref<1000000x128xf32, #tpu.memory_space<hbm>>) target(%dma_start3A_290 : memref<16x128xf32, #tpu.memory_space<vmem>>) offsets(%dma_start3A_291 : memref<16xi32, #tpu.memory_space<vmem>>) semaphore(%arg8 : memref<!tpu.dma_semaphore, #tpu.memory_space<semaphore_mem>>)
    %multiple_of3A_295 = arith.constant 11600 : i32
    %multiple_of3A_296 = tpu.assume_multiple %multiple_of3A_295, 8 : i32
    %dma_wait3A_297 = arith.constant 0 : i32
    %dma_wait3A_298 = arith.constant 0 : i32
    %dma_wait3A_299 = tpu.memref_slice %arg7[%dma_wait3A_297, %dma_wait3A_298] : memref<400x128xf32, #tpu.memory_space<vmem>> -> memref<128x128xf32, #tpu.memory_space<vmem>>
    %dma_wait3A_300 = tpu.memref_slice %arg5[%multiple_of3A_296] : memref<12800xi32, #tpu.memory_space<vmem>> -> memref<128xi32, #tpu.memory_space<vmem>>
    %dma_wait3A_301 = arith.constant 0 : i32
    %dma_wait3A_302 = arith.constant 0 : i32
    %dma_wait3A_303 = tpu.memref_slice %arg3[%dma_wait3A_301, %dma_wait3A_302] : memref<1000000x128xf32, #tpu.memory_space<hbm>> -> memref<1000000x128xf32, #tpu.memory_space<hbm>>
    tpu.wait_indirect_dma semaphore(%arg9 : memref<!tpu.dma_semaphore, #tpu.memory_space<semaphore_mem>>) src(%dma_wait3A_303 : memref<1000000x128xf32, #tpu.memory_space<hbm>>) dst(%dma_wait3A_299 : memref<128x128xf32, #tpu.memory_space<vmem>>)
    %multiple_of3A_304 = arith.constant 11728 : i32
    %multiple_of3A_305 = tpu.assume_multiple %multiple_of3A_304, 8 : i32
    %dma_wait3A_306 = arith.constant 128 : i32
    %dma_wait3A_307 = arith.constant 0 : i32
    %dma_wait3A_308 = tpu.memref_slice %arg7[%dma_wait3A_306, %dma_wait3A_307] : memref<400x128xf32, #tpu.memory_space<vmem>> -> memref<128x128xf32, #tpu.memory_space<vmem>>
    %dma_wait3A_309 = tpu.memref_slice %arg5[%multiple_of3A_305] : memref<12800xi32, #tpu.memory_space<vmem>> -> memref<128xi32, #tpu.memory_space<vmem>>
    %dma_wait3A_310 = arith.constant 0 : i32
    %dma_wait3A_311 = arith.constant 0 : i32
    %dma_wait3A_312 = tpu.memref_slice %arg3[%dma_wait3A_310, %dma_wait3A_311] : memref<1000000x128xf32, #tpu.memory_space<hbm>> -> memref<1000000x128xf32, #tpu.memory_space<hbm>>
    tpu.wait_indirect_dma semaphore(%arg9 : memref<!tpu.dma_semaphore, #tpu.memory_space<semaphore_mem>>) src(%dma_wait3A_312 : memref<1000000x128xf32, #tpu.memory_space<hbm>>) dst(%dma_wait3A_308 : memref<128x128xf32, #tpu.memory_space<vmem>>)
    %multiple_of3A_313 = arith.constant 11856 : i32
    %multiple_of3A_314 = tpu.assume_multiple %multiple_of3A_313, 8 : i32
    %dma_wait3A_315 = arith.constant 256 : i32
    %dma_wait3A_316 = arith.constant 0 : i32
    %dma_wait3A_317 = tpu.memref_slice %arg7[%dma_wait3A_315, %dma_wait3A_316] : memref<400x128xf32, #tpu.memory_space<vmem>> -> memref<128x128xf32, #tpu.memory_space<vmem>>
    %dma_wait3A_318 = tpu.memref_slice %arg5[%multiple_of3A_314] : memref<12800xi32, #tpu.memory_space<vmem>> -> memref<128xi32, #tpu.memory_space<vmem>>
    %dma_wait3A_319 = arith.constant 0 : i32
    %dma_wait3A_320 = arith.constant 0 : i32
    %dma_wait3A_321 = tpu.memref_slice %arg3[%dma_wait3A_319, %dma_wait3A_320] : memref<1000000x128xf32, #tpu.memory_space<hbm>> -> memref<1000000x128xf32, #tpu.memory_space<hbm>>
    tpu.wait_indirect_dma semaphore(%arg9 : memref<!tpu.dma_semaphore, #tpu.memory_space<semaphore_mem>>) src(%dma_wait3A_321 : memref<1000000x128xf32, #tpu.memory_space<hbm>>) dst(%dma_wait3A_317 : memref<128x128xf32, #tpu.memory_space<vmem>>)
    %multiple_of3A_322 = arith.constant 11984 : i32
    %multiple_of3A_323 = tpu.assume_multiple %multiple_of3A_322, 8 : i32
    %dma_wait3A_324 = arith.constant 384 : i32
    %dma_wait3A_325 = arith.constant 0 : i32
    %dma_wait3A_326 = tpu.memref_slice %arg7[%dma_wait3A_324, %dma_wait3A_325] : memref<400x128xf32, #tpu.memory_space<vmem>> -> memref<16x128xf32, #tpu.memory_space<vmem>>
    %dma_wait3A_327 = tpu.memref_slice %arg5[%multiple_of3A_323] : memref<12800xi32, #tpu.memory_space<vmem>> -> memref<16xi32, #tpu.memory_space<vmem>>
    %dma_wait3A_328 = arith.constant 0 : i32
    %dma_wait3A_329 = arith.constant 0 : i32
    %dma_wait3A_330 = tpu.memref_slice %arg3[%dma_wait3A_328, %dma_wait3A_329] : memref<1000000x128xf32, #tpu.memory_space<hbm>> -> memref<1000000x128xf32, #tpu.memory_space<hbm>>
    tpu.wait_indirect_dma semaphore(%arg9 : memref<!tpu.dma_semaphore, #tpu.memory_space<semaphore_mem>>) src(%dma_wait3A_330 : memref<1000000x128xf32, #tpu.memory_space<hbm>>) dst(%dma_wait3A_326 : memref<16x128xf32, #tpu.memory_space<vmem>>)
    %add3A_331 = arith.constant 116 : i32
    %add3A_332 = arith.addi %mul3A_2, %add3A_331 : i32
    %add3A_333 = arith.constant 0 : i32
    %add3A_334 = arith.addi %add3A_332, %add3A_333 : i32
    %dma_start3A_335 = arith.constant 0 : i32
    %dma_start3A_336 = arith.constant 0 : i32
    %dma_start3A_337 = tpu.memref_slice %arg7[%dma_start3A_335, %dma_start3A_336] : memref<400x128xf32, #tpu.memory_space<vmem>> -> memref<100x64xf32, #tpu.memory_space<vmem>>
    %dma_start3A_338 = arith.constant 0 : i32
    %dma_start3A_339 = arith.constant 0 : i32
    %dma_start3A_340 = tpu.memref_slice %arg4[%add3A_334, %dma_start3A_338, %dma_start3A_339] : memref<4096x104x128xf32, #tpu.memory_space<hbm>> -> memref<1x100x64xf32, #tpu.memory_space<hbm>>
    %dma_start3A_341 = tpu.memref_squeeze %dma_start3A_340 : memref<1x100x64xf32, #tpu.memory_space<hbm>> -> memref<100x64xf32, #tpu.memory_space<hbm>>
    %dma_start3A_342 = arith.constant 0 : i32
    %dma_start3A_343 = arith.constant 0 : i32
    %dma_start3A_344 = tpu.memref_slice %arg4[%add3A_334, %dma_start3A_342, %dma_start3A_343] : memref<4096x104x128xf32, #tpu.memory_space<hbm>> -> memref<1x100x64xf32, #tpu.memory_space<hbm>>
    %dma_start3A_345 = tpu.memref_squeeze %dma_start3A_344 : memref<1x100x64xf32, #tpu.memory_space<hbm>> -> memref<100x64xf32, #tpu.memory_space<hbm>>
    %dma_start3A_346 = arith.constant 0 : i32
    %dma_start3A_347 = arith.constant 0 : i32
    %dma_start3A_348 = tpu.memref_slice %arg7[%dma_start3A_346, %dma_start3A_347] : memref<400x128xf32, #tpu.memory_space<vmem>> -> memref<100x64xf32, #tpu.memory_space<vmem>>
    tpu.enqueue_dma source(%dma_start3A_348 : memref<100x64xf32, #tpu.memory_space<vmem>>) target(%dma_start3A_345 : memref<100x64xf32, #tpu.memory_space<hbm>>) target_semaphore(%arg11 : memref<!tpu.dma_semaphore, #tpu.memory_space<semaphore_mem>>)
    %add3A_349 = arith.constant 116 : i32
    %add3A_350 = arith.addi %mul3A_2, %add3A_349 : i32
    %add3A_351 = arith.constant 1 : i32
    %add3A_352 = arith.addi %add3A_350, %add3A_351 : i32
    %dma_start3A_353 = arith.constant 100 : i32
    %dma_start3A_354 = arith.constant 0 : i32
    %dma_start3A_355 = tpu.memref_slice %arg7[%dma_start3A_353, %dma_start3A_354] : memref<400x128xf32, #tpu.memory_space<vmem>> -> memref<100x64xf32, #tpu.memory_space<vmem>>
    %dma_start3A_356 = arith.constant 0 : i32
    %dma_start3A_357 = arith.constant 0 : i32
    %dma_start3A_358 = tpu.memref_slice %arg4[%add3A_352, %dma_start3A_356, %dma_start3A_357] : memref<4096x104x128xf32, #tpu.memory_space<hbm>> -> memref<1x100x64xf32, #tpu.memory_space<hbm>>
    %dma_start3A_359 = tpu.memref_squeeze %dma_start3A_358 : memref<1x100x64xf32, #tpu.memory_space<hbm>> -> memref<100x64xf32, #tpu.memory_space<hbm>>
    %dma_start3A_360 = arith.constant 0 : i32
    %dma_start3A_361 = arith.constant 0 : i32
    %dma_start3A_362 = tpu.memref_slice %arg4[%add3A_352, %dma_start3A_360, %dma_start3A_361] : memref<4096x104x128xf32, #tpu.memory_space<hbm>> -> memref<1x100x64xf32, #tpu.memory_space<hbm>>
    %dma_start3A_363 = tpu.memref_squeeze %dma_start3A_362 : memref<1x100x64xf32, #tpu.memory_space<hbm>> -> memref<100x64xf32, #tpu.memory_space<hbm>>
    %dma_start3A_364 = arith.constant 100 : i32
    %dma_start3A_365 = arith.constant 0 : i32
    %dma_start3A_366 = tpu.memref_slice %arg7[%dma_start3A_364, %dma_start3A_365] : memref<400x128xf32, #tpu.memory_space<vmem>> -> memref<100x64xf32, #tpu.memory_space<vmem>>
    tpu.enqueue_dma source(%dma_start3A_366 : memref<100x64xf32, #tpu.memory_space<vmem>>) target(%dma_start3A_363 : memref<100x64xf32, #tpu.memory_space<hbm>>) target_semaphore(%arg11 : memref<!tpu.dma_semaphore, #tpu.memory_space<semaphore_mem>>)
    %add3A_367 = arith.constant 116 : i32
    %add3A_368 = arith.addi %mul3A_2, %add3A_367 : i32
    %add3A_369 = arith.constant 2 : i32
    %add3A_370 = arith.addi %add3A_368, %add3A_369 : i32
    %dma_start3A_371 = arith.constant 200 : i32
    %dma_start3A_372 = arith.constant 0 : i32
    %dma_start3A_373 = tpu.memref_slice %arg7[%dma_start3A_371, %dma_start3A_372] : memref<400x128xf32, #tpu.memory_space<vmem>> -> memref<100x64xf32, #tpu.memory_space<vmem>>
    %dma_start3A_374 = arith.constant 0 : i32
    %dma_start3A_375 = arith.constant 0 : i32
    %dma_start3A_376 = tpu.memref_slice %arg4[%add3A_370, %dma_start3A_374, %dma_start3A_375] : memref<4096x104x128xf32, #tpu.memory_space<hbm>> -> memref<1x100x64xf32, #tpu.memory_space<hbm>>
    %dma_start3A_377 = tpu.memref_squeeze %dma_start3A_376 : memref<1x100x64xf32, #tpu.memory_space<hbm>> -> memref<100x64xf32, #tpu.memory_space<hbm>>
    %dma_start3A_378 = arith.constant 0 : i32
    %dma_start3A_379 = arith.constant 0 : i32
    %dma_start3A_380 = tpu.memref_slice %arg4[%add3A_370, %dma_start3A_378, %dma_start3A_379] : memref<4096x104x128xf32, #tpu.memory_space<hbm>> -> memref<1x100x64xf32, #tpu.memory_space<hbm>>
    %dma_start3A_381 = tpu.memref_squeeze %dma_start3A_380 : memref<1x100x64xf32, #tpu.memory_space<hbm>> -> memref<100x64xf32, #tpu.memory_space<hbm>>
    %dma_start3A_382 = arith.constant 200 : i32
    %dma_start3A_383 = arith.constant 0 : i32
    %dma_start3A_384 = tpu.memref_slice %arg7[%dma_start3A_382, %dma_start3A_383] : memref<400x128xf32, #tpu.memory_space<vmem>> -> memref<100x64xf32, #tpu.memory_space<vmem>>
    tpu.enqueue_dma source(%dma_start3A_384 : memref<100x64xf32, #tpu.memory_space<vmem>>) target(%dma_start3A_381 : memref<100x64xf32, #tpu.memory_space<hbm>>) target_semaphore(%arg11 : memref<!tpu.dma_semaphore, #tpu.memory_space<semaphore_mem>>)
    %add3A_385 = arith.constant 116 : i32
    %add3A_386 = arith.addi %mul3A_2, %add3A_385 : i32
    %add3A_387 = arith.constant 3 : i32
    %add3A_388 = arith.addi %add3A_386, %add3A_387 : i32
    %dma_start3A_389 = arith.constant 300 : i32
    %dma_start3A_390 = arith.constant 0 : i32
    %dma_start3A_391 = tpu.memref_slice %arg7[%dma_start3A_389, %dma_start3A_390] : memref<400x128xf32, #tpu.memory_space<vmem>> -> memref<100x64xf32, #tpu.memory_space<vmem>>
    %dma_start3A_392 = arith.constant 0 : i32
    %dma_start3A_393 = arith.constant 0 : i32
    %dma_start3A_394 = tpu.memref_slice %arg4[%add3A_388, %dma_start3A_392, %dma_start3A_393] : memref<4096x104x128xf32, #tpu.memory_space<hbm>> -> memref<1x100x64xf32, #tpu.memory_space<hbm>>
    %dma_start3A_395 = tpu.memref_squeeze %dma_start3A_394 : memref<1x100x64xf32, #tpu.memory_space<hbm>> -> memref<100x64xf32, #tpu.memory_space<hbm>>
    %dma_start3A_396 = arith.constant 0 : i32
    %dma_start3A_397 = arith.constant 0 : i32
    %dma_start3A_398 = tpu.memref_slice %arg4[%add3A_388, %dma_start3A_396, %dma_start3A_397] : memref<4096x104x128xf32, #tpu.memory_space<hbm>> -> memref<1x100x64xf32, #tpu.memory_space<hbm>>
    %dma_start3A_399 = tpu.memref_squeeze %dma_start3A_398 : memref<1x100x64xf32, #tpu.memory_space<hbm>> -> memref<100x64xf32, #tpu.memory_space<hbm>>
    %dma_start3A_400 = arith.constant 300 : i32
    %dma_start3A_401 = arith.constant 0 : i32
    %dma_start3A_402 = tpu.memref_slice %arg7[%dma_start3A_400, %dma_start3A_401] : memref<400x128xf32, #tpu.memory_space<vmem>> -> memref<100x64xf32, #tpu.memory_space<vmem>>
    tpu.enqueue_dma source(%dma_start3A_402 : memref<100x64xf32, #tpu.memory_space<vmem>>) target(%dma_start3A_399 : memref<100x64xf32, #tpu.memory_space<hbm>>) target_semaphore(%arg11 : memref<!tpu.dma_semaphore, #tpu.memory_space<semaphore_mem>>)
    %add3A_403 = arith.constant 116 : i32
    %add3A_404 = arith.addi %mul3A_2, %add3A_403 : i32
    %add3A_405 = arith.constant 0 : i32
    %add3A_406 = arith.addi %add3A_404, %add3A_405 : i32
    %dma_wait3A_407 = arith.constant 0 : i32
    %dma_wait3A_408 = arith.constant 0 : i32
    %dma_wait3A_409 = tpu.memref_slice %arg7[%dma_wait3A_407, %dma_wait3A_408] : memref<400x128xf32, #tpu.memory_space<vmem>> -> memref<100x64xf32, #tpu.memory_space<vmem>>
    %dma_wait3A_410 = arith.constant 0 : i32
    %dma_wait3A_411 = arith.constant 0 : i32
    %dma_wait3A_412 = tpu.memref_slice %arg4[%add3A_406, %dma_wait3A_410, %dma_wait3A_411] : memref<4096x104x128xf32, #tpu.memory_space<hbm>> -> memref<1x100x64xf32, #tpu.memory_space<hbm>>
    %dma_wait3A_413 = tpu.memref_squeeze %dma_wait3A_412 : memref<1x100x64xf32, #tpu.memory_space<hbm>> -> memref<100x64xf32, #tpu.memory_space<hbm>>
    %dma_wait3A_414 = arith.constant 0 : i32
    %dma_wait3A_415 = arith.constant 0 : i32
    %dma_wait3A_416 = tpu.memref_slice %arg4[%add3A_406, %dma_wait3A_414, %dma_wait3A_415] : memref<4096x104x128xf32, #tpu.memory_space<hbm>> -> memref<1x100x64xf32, #tpu.memory_space<hbm>>
    %dma_wait3A_417 = tpu.memref_squeeze %dma_wait3A_416 : memref<1x100x64xf32, #tpu.memory_space<hbm>> -> memref<100x64xf32, #tpu.memory_space<hbm>>
    %dma_wait3A_418 = arith.constant 0 : i32
    %dma_wait3A_419 = arith.constant 0 : i32
    %dma_wait3A_420 = tpu.memref_slice %arg7[%dma_wait3A_418, %dma_wait3A_419] : memref<400x128xf32, #tpu.memory_space<vmem>> -> memref<100x64xf32, #tpu.memory_space<vmem>>
    tpu.wait_dma2 semaphore(%arg11 : memref<!tpu.dma_semaphore, #tpu.memory_space<semaphore_mem>>) src(%dma_wait3A_420 : memref<100x64xf32, #tpu.memory_space<vmem>>) dst(%dma_wait3A_417 : memref<100x64xf32, #tpu.memory_space<hbm>>)
    %add3A_421 = arith.constant 116 : i32
    %add3A_422 = arith.addi %mul3A_2, %add3A_421 : i32
    %add3A_423 = arith.constant 1 : i32
    %add3A_424 = arith.addi %add3A_422, %add3A_423 : i32
    %dma_wait3A_425 = arith.constant 100 : i32
    %dma_wait3A_426 = arith.constant 0 : i32
    %dma_wait3A_427 = tpu.memref_slice %arg7[%dma_wait3A_425, %dma_wait3A_426] : memref<400x128xf32, #tpu.memory_space<vmem>> -> memref<100x64xf32, #tpu.memory_space<vmem>>
    %dma_wait3A_428 = arith.constant 0 : i32
    %dma_wait3A_429 = arith.constant 0 : i32
    %dma_wait3A_430 = tpu.memref_slice %arg4[%add3A_424, %dma_wait3A_428, %dma_wait3A_429] : memref<4096x104x128xf32, #tpu.memory_space<hbm>> -> memref<1x100x64xf32, #tpu.memory_space<hbm>>
    %dma_wait3A_431 = tpu.memref_squeeze %dma_wait3A_430 : memref<1x100x64xf32, #tpu.memory_space<hbm>> -> memref<100x64xf32, #tpu.memory_space<hbm>>
    %dma_wait3A_432 = arith.constant 0 : i32
    %dma_wait3A_433 = arith.constant 0 : i32
    %dma_wait3A_434 = tpu.memref_slice %arg4[%add3A_424, %dma_wait3A_432, %dma_wait3A_433] : memref<4096x104x128xf32, #tpu.memory_space<hbm>> -> memref<1x100x64xf32, #tpu.memory_space<hbm>>
    %dma_wait3A_435 = tpu.memref_squeeze %dma_wait3A_434 : memref<1x100x64xf32, #tpu.memory_space<hbm>> -> memref<100x64xf32, #tpu.memory_space<hbm>>
    %dma_wait3A_436 = arith.constant 100 : i32
    %dma_wait3A_437 = arith.constant 0 : i32
    %dma_wait3A_438 = tpu.memref_slice %arg7[%dma_wait3A_436, %dma_wait3A_437] : memref<400x128xf32, #tpu.memory_space<vmem>> -> memref<100x64xf32, #tpu.memory_space<vmem>>
    tpu.wait_dma2 semaphore(%arg11 : memref<!tpu.dma_semaphore, #tpu.memory_space<semaphore_mem>>) src(%dma_wait3A_438 : memref<100x64xf32, #tpu.memory_space<vmem>>) dst(%dma_wait3A_435 : memref<100x64xf32, #tpu.memory_space<hbm>>)
    %add3A_439 = arith.constant 116 : i32
    %add3A_440 = arith.addi %mul3A_2, %add3A_439 : i32
    %add3A_441 = arith.constant 2 : i32
    %add3A_442 = arith.addi %add3A_440, %add3A_441 : i32
    %dma_wait3A_443 = arith.constant 200 : i32
    %dma_wait3A_444 = arith.constant 0 : i32
    %dma_wait3A_445 = tpu.memref_slice %arg7[%dma_wait3A_443, %dma_wait3A_444] : memref<400x128xf32, #tpu.memory_space<vmem>> -> memref<100x64xf32, #tpu.memory_space<vmem>>
    %dma_wait3A_446 = arith.constant 0 : i32
    %dma_wait3A_447 = arith.constant 0 : i32
    %dma_wait3A_448 = tpu.memref_slice %arg4[%add3A_442, %dma_wait3A_446, %dma_wait3A_447] : memref<4096x104x128xf32, #tpu.memory_space<hbm>> -> memref<1x100x64xf32, #tpu.memory_space<hbm>>
    %dma_wait3A_449 = tpu.memref_squeeze %dma_wait3A_448 : memref<1x100x64xf32, #tpu.memory_space<hbm>> -> memref<100x64xf32, #tpu.memory_space<hbm>>
    %dma_wait3A_450 = arith.constant 0 : i32
    %dma_wait3A_451 = arith.constant 0 : i32
    %dma_wait3A_452 = tpu.memref_slice %arg4[%add3A_442, %dma_wait3A_450, %dma_wait3A_451] : memref<4096x104x128xf32, #tpu.memory_space<hbm>> -> memref<1x100x64xf32, #tpu.memory_space<hbm>>
    %dma_wait3A_453 = tpu.memref_squeeze %dma_wait3A_452 : memref<1x100x64xf32, #tpu.memory_space<hbm>> -> memref<100x64xf32, #tpu.memory_space<hbm>>
    %dma_wait3A_454 = arith.constant 200 : i32
    %dma_wait3A_455 = arith.constant 0 : i32
    %dma_wait3A_456 = tpu.memref_slice %arg7[%dma_wait3A_454, %dma_wait3A_455] : memref<400x128xf32, #tpu.memory_space<vmem>> -> memref<100x64xf32, #tpu.memory_space<vmem>>
    tpu.wait_dma2 semaphore(%arg11 : memref<!tpu.dma_semaphore, #tpu.memory_space<semaphore_mem>>) src(%dma_wait3A_456 : memref<100x64xf32, #tpu.memory_space<vmem>>) dst(%dma_wait3A_453 : memref<100x64xf32, #tpu.memory_space<hbm>>)
    %add3A_457 = arith.constant 116 : i32
    %add3A_458 = arith.addi %mul3A_2, %add3A_457 : i32
    %add3A_459 = arith.constant 3 : i32
    %add3A_460 = arith.addi %add3A_458, %add3A_459 : i32
    %dma_wait3A_461 = arith.constant 300 : i32
    %dma_wait3A_462 = arith.constant 0 : i32
    %dma_wait3A_463 = tpu.memref_slice %arg7[%dma_wait3A_461, %dma_wait3A_462] : memref<400x128xf32, #tpu.memory_space<vmem>> -> memref<100x64xf32, #tpu.memory_space<vmem>>
    %dma_wait3A_464 = arith.constant 0 : i32
    %dma_wait3A_465 = arith.constant 0 : i32
    %dma_wait3A_466 = tpu.memref_slice %arg4[%add3A_460, %dma_wait3A_464, %dma_wait3A_465] : memref<4096x104x128xf32, #tpu.memory_space<hbm>> -> memref<1x100x64xf32, #tpu.memory_space<hbm>>
    %dma_wait3A_467 = tpu.memref_squeeze %dma_wait3A_466 : memref<1x100x64xf32, #tpu.memory_space<hbm>> -> memref<100x64xf32, #tpu.memory_space<hbm>>
    %dma_wait3A_468 = arith.constant 0 : i32
    %dma_wait3A_469 = arith.constant 0 : i32
    %dma_wait3A_470 = tpu.memref_slice %arg4[%add3A_460, %dma_wait3A_468, %dma_wait3A_469] : memref<4096x104x128xf32, #tpu.memory_space<hbm>> -> memref<1x100x64xf32, #tpu.memory_space<hbm>>
    %dma_wait3A_471 = tpu.memref_squeeze %dma_wait3A_470 : memref<1x100x64xf32, #tpu.memory_space<hbm>> -> memref<100x64xf32, #tpu.memory_space<hbm>>
    %dma_wait3A_472 = arith.constant 300 : i32
    %dma_wait3A_473 = arith.constant 0 : i32
    %dma_wait3A_474 = tpu.memref_slice %arg7[%dma_wait3A_472, %dma_wait3A_473] : memref<400x128xf32, #tpu.memory_space<vmem>> -> memref<100x64xf32, #tpu.memory_space<vmem>>
    tpu.wait_dma2 semaphore(%arg11 : memref<!tpu.dma_semaphore, #tpu.memory_space<semaphore_mem>>) src(%dma_wait3A_474 : memref<100x64xf32, #tpu.memory_space<vmem>>) dst(%dma_wait3A_471 : memref<100x64xf32, #tpu.memory_space<hbm>>)
    %multiple_of3A_475 = arith.constant 12400 : i32
    %multiple_of3A_476 = tpu.assume_multiple %multiple_of3A_475, 8 : i32
    %dma_start3A_477 = arith.constant 0 : i32
    %dma_start3A_478 = arith.constant 0 : i32
    %dma_start3A_479 = tpu.memref_slice %arg7[%dma_start3A_477, %dma_start3A_478] : memref<400x128xf32, #tpu.memory_space<vmem>> -> memref<128x128xf32, #tpu.memory_space<vmem>>
    %dma_start3A_480 = tpu.memref_slice %arg5[%multiple_of3A_476] : memref<12800xi32, #tpu.memory_space<vmem>> -> memref<128xi32, #tpu.memory_space<vmem>>
    %dma_start3A_481 = arith.constant 0 : i32
    %dma_start3A_482 = arith.constant 0 : i32
    %dma_start3A_483 = tpu.memref_slice %arg3[%dma_start3A_481, %dma_start3A_482] : memref<1000000x128xf32, #tpu.memory_space<hbm>> -> memref<1000000x128xf32, #tpu.memory_space<hbm>>
    tpu.enqueue_indirect_dma source(%dma_start3A_483 : memref<1000000x128xf32, #tpu.memory_space<hbm>>) target(%dma_start3A_479 : memref<128x128xf32, #tpu.memory_space<vmem>>) offsets(%dma_start3A_480 : memref<128xi32, #tpu.memory_space<vmem>>) semaphore(%arg9 : memref<!tpu.dma_semaphore, #tpu.memory_space<semaphore_mem>>)
    %multiple_of3A_484 = arith.constant 12528 : i32
    %multiple_of3A_485 = tpu.assume_multiple %multiple_of3A_484, 8 : i32
    %dma_start3A_486 = arith.constant 128 : i32
    %dma_start3A_487 = arith.constant 0 : i32
    %dma_start3A_488 = tpu.memref_slice %arg7[%dma_start3A_486, %dma_start3A_487] : memref<400x128xf32, #tpu.memory_space<vmem>> -> memref<128x128xf32, #tpu.memory_space<vmem>>
    %dma_start3A_489 = tpu.memref_slice %arg5[%multiple_of3A_485] : memref<12800xi32, #tpu.memory_space<vmem>> -> memref<128xi32, #tpu.memory_space<vmem>>
    %dma_start3A_490 = arith.constant 0 : i32
    %dma_start3A_491 = arith.constant 0 : i32
    %dma_start3A_492 = tpu.memref_slice %arg3[%dma_start3A_490, %dma_start3A_491] : memref<1000000x128xf32, #tpu.memory_space<hbm>> -> memref<1000000x128xf32, #tpu.memory_space<hbm>>
    tpu.enqueue_indirect_dma source(%dma_start3A_492 : memref<1000000x128xf32, #tpu.memory_space<hbm>>) target(%dma_start3A_488 : memref<128x128xf32, #tpu.memory_space<vmem>>) offsets(%dma_start3A_489 : memref<128xi32, #tpu.memory_space<vmem>>) semaphore(%arg9 : memref<!tpu.dma_semaphore, #tpu.memory_space<semaphore_mem>>)
    %multiple_of3A_493 = arith.constant 12656 : i32
    %multiple_of3A_494 = tpu.assume_multiple %multiple_of3A_493, 8 : i32
    %dma_start3A_495 = arith.constant 256 : i32
    %dma_start3A_496 = arith.constant 0 : i32
    %dma_start3A_497 = tpu.memref_slice %arg7[%dma_start3A_495, %dma_start3A_496] : memref<400x128xf32, #tpu.memory_space<vmem>> -> memref<128x128xf32, #tpu.memory_space<vmem>>
    %dma_start3A_498 = tpu.memref_slice %arg5[%multiple_of3A_494] : memref<12800xi32, #tpu.memory_space<vmem>> -> memref<128xi32, #tpu.memory_space<vmem>>
    %dma_start3A_499 = arith.constant 0 : i32
    %dma_start3A_500 = arith.constant 0 : i32
    %dma_start3A_501 = tpu.memref_slice %arg3[%dma_start3A_499, %dma_start3A_500] : memref<1000000x128xf32, #tpu.memory_space<hbm>> -> memref<1000000x128xf32, #tpu.memory_space<hbm>>
    tpu.enqueue_indirect_dma source(%dma_start3A_501 : memref<1000000x128xf32, #tpu.memory_space<hbm>>) target(%dma_start3A_497 : memref<128x128xf32, #tpu.memory_space<vmem>>) offsets(%dma_start3A_498 : memref<128xi32, #tpu.memory_space<vmem>>) semaphore(%arg9 : memref<!tpu.dma_semaphore, #tpu.memory_space<semaphore_mem>>)
    %multiple_of3A_502 = arith.constant 12784 : i32
    %multiple_of3A_503 = tpu.assume_multiple %multiple_of3A_502, 8 : i32
    %dma_start3A_504 = arith.constant 384 : i32
    %dma_start3A_505 = arith.constant 0 : i32
    %dma_start3A_506 = tpu.memref_slice %arg7[%dma_start3A_504, %dma_start3A_505] : memref<400x128xf32, #tpu.memory_space<vmem>> -> memref<16x128xf32, #tpu.memory_space<vmem>>
    %dma_start3A_507 = tpu.memref_slice %arg5[%multiple_of3A_503] : memref<12800xi32, #tpu.memory_space<vmem>> -> memref<16xi32, #tpu.memory_space<vmem>>
    %dma_start3A_508 = arith.constant 0 : i32
    %dma_start3A_509 = arith.constant 0 : i32
    %dma_start3A_510 = tpu.memref_slice %arg3[%dma_start3A_508, %dma_start3A_509] : memref<1000000x128xf32, #tpu.memory_space<hbm>> -> memref<1000000x128xf32, #tpu.memory_space<hbm>>
    tpu.enqueue_indirect_dma source(%dma_start3A_510 : memref<1000000x128xf32, #tpu.memory_space<hbm>>) target(%dma_start3A_506 : memref<16x128xf32, #tpu.memory_space<vmem>>) offsets(%dma_start3A_507 : memref<16xi32, #tpu.memory_space<vmem>>) semaphore(%arg9 : memref<!tpu.dma_semaphore, #tpu.memory_space<semaphore_mem>>)
    %multiple_of3A_511 = arith.constant 12000 : i32
    %multiple_of3A_512 = tpu.assume_multiple %multiple_of3A_511, 8 : i32
    %dma_wait3A_513 = arith.constant 0 : i32
    %dma_wait3A_514 = arith.constant 0 : i32
    %dma_wait3A_515 = tpu.memref_slice %arg6[%dma_wait3A_513, %dma_wait3A_514] : memref<400x128xf32, #tpu.memory_space<vmem>> -> memref<128x128xf32, #tpu.memory_space<vmem>>
    %dma_wait3A_516 = tpu.memref_slice %arg5[%multiple_of3A_512] : memref<12800xi32, #tpu.memory_space<vmem>> -> memref<128xi32, #tpu.memory_space<vmem>>
    %dma_wait3A_517 = arith.constant 0 : i32
    %dma_wait3A_518 = arith.constant 0 : i32
    %dma_wait3A_519 = tpu.memref_slice %arg3[%dma_wait3A_517, %dma_wait3A_518] : memref<1000000x128xf32, #tpu.memory_space<hbm>> -> memref<1000000x128xf32, #tpu.memory_space<hbm>>
    tpu.wait_indirect_dma semaphore(%arg8 : memref<!tpu.dma_semaphore, #tpu.memory_space<semaphore_mem>>) src(%dma_wait3A_519 : memref<1000000x128xf32, #tpu.memory_space<hbm>>) dst(%dma_wait3A_515 : memref<128x128xf32, #tpu.memory_space<vmem>>)
    %multiple_of3A_520 = arith.constant 12128 : i32
    %multiple_of3A_521 = tpu.assume_multiple %multiple_of3A_520, 8 : i32
    %dma_wait3A_522 = arith.constant 128 : i32
    %dma_wait3A_523 = arith.constant 0 : i32
    %dma_wait3A_524 = tpu.memref_slice %arg6[%dma_wait3A_522, %dma_wait3A_523] : memref<400x128xf32, #tpu.memory_space<vmem>> -> memref<128x128xf32, #tpu.memory_space<vmem>>
    %dma_wait3A_525 = tpu.memref_slice %arg5[%multiple_of3A_521] : memref<12800xi32, #tpu.memory_space<vmem>> -> memref<128xi32, #tpu.memory_space<vmem>>
    %dma_wait3A_526 = arith.constant 0 : i32
    %dma_wait3A_527 = arith.constant 0 : i32
    %dma_wait3A_528 = tpu.memref_slice %arg3[%dma_wait3A_526, %dma_wait3A_527] : memref<1000000x128xf32, #tpu.memory_space<hbm>> -> memref<1000000x128xf32, #tpu.memory_space<hbm>>
    tpu.wait_indirect_dma semaphore(%arg8 : memref<!tpu.dma_semaphore, #tpu.memory_space<semaphore_mem>>) src(%dma_wait3A_528 : memref<1000000x128xf32, #tpu.memory_space<hbm>>) dst(%dma_wait3A_524 : memref<128x128xf32, #tpu.memory_space<vmem>>)
    %multiple_of3A_529 = arith.constant 12256 : i32
    %multiple_of3A_530 = tpu.assume_multiple %multiple_of3A_529, 8 : i32
    %dma_wait3A_531 = arith.constant 256 : i32
    %dma_wait3A_532 = arith.constant 0 : i32
    %dma_wait3A_533 = tpu.memref_slice %arg6[%dma_wait3A_531, %dma_wait3A_532] : memref<400x128xf32, #tpu.memory_space<vmem>> -> memref<128x128xf32, #tpu.memory_space<vmem>>
    %dma_wait3A_534 = tpu.memref_slice %arg5[%multiple_of3A_530] : memref<12800xi32, #tpu.memory_space<vmem>> -> memref<128xi32, #tpu.memory_space<vmem>>
    %dma_wait3A_535 = arith.constant 0 : i32
    %dma_wait3A_536 = arith.constant 0 : i32
    %dma_wait3A_537 = tpu.memref_slice %arg3[%dma_wait3A_535, %dma_wait3A_536] : memref<1000000x128xf32, #tpu.memory_space<hbm>> -> memref<1000000x128xf32, #tpu.memory_space<hbm>>
    tpu.wait_indirect_dma semaphore(%arg8 : memref<!tpu.dma_semaphore, #tpu.memory_space<semaphore_mem>>) src(%dma_wait3A_537 : memref<1000000x128xf32, #tpu.memory_space<hbm>>) dst(%dma_wait3A_533 : memref<128x128xf32, #tpu.memory_space<vmem>>)
    %multiple_of3A_538 = arith.constant 12384 : i32
    %multiple_of3A_539 = tpu.assume_multiple %multiple_of3A_538, 8 : i32
    %dma_wait3A_540 = arith.constant 384 : i32
    %dma_wait3A_541 = arith.constant 0 : i32
    %dma_wait3A_542 = tpu.memref_slice %arg6[%dma_wait3A_540, %dma_wait3A_541] : memref<400x128xf32, #tpu.memory_space<vmem>> -> memref<16x128xf32, #tpu.memory_space<vmem>>
    %dma_wait3A_543 = tpu.memref_slice %arg5[%multiple_of3A_539] : memref<12800xi32, #tpu.memory_space<vmem>> -> memref<16xi32, #tpu.memory_space<vmem>>
    %dma_wait3A_544 = arith.constant 0 : i32
    %dma_wait3A_545 = arith.constant 0 : i32
    %dma_wait3A_546 = tpu.memref_slice %arg3[%dma_wait3A_544, %dma_wait3A_545] : memref<1000000x128xf32, #tpu.memory_space<hbm>> -> memref<1000000x128xf32, #tpu.memory_space<hbm>>
    tpu.wait_indirect_dma semaphore(%arg8 : memref<!tpu.dma_semaphore, #tpu.memory_space<semaphore_mem>>) src(%dma_wait3A_546 : memref<1000000x128xf32, #tpu.memory_space<hbm>>) dst(%dma_wait3A_542 : memref<16x128xf32, #tpu.memory_space<vmem>>)
    %add3A_547 = arith.constant 120 : i32
    %add3A_548 = arith.addi %mul3A_2, %add3A_547 : i32
    %add3A_549 = arith.constant 0 : i32
    %add3A_550 = arith.addi %add3A_548, %add3A_549 : i32
    %dma_start3A_551 = arith.constant 0 : i32
    %dma_start3A_552 = arith.constant 0 : i32
    %dma_start3A_553 = tpu.memref_slice %arg6[%dma_start3A_551, %dma_start3A_552] : memref<400x128xf32, #tpu.memory_space<vmem>> -> memref<100x64xf32, #tpu.memory_space<vmem>>
    %dma_start3A_554 = arith.constant 0 : i32
    %dma_start3A_555 = arith.constant 0 : i32
    %dma_start3A_556 = tpu.memref_slice %arg4[%add3A_550, %dma_start3A_554, %dma_start3A_555] : memref<4096x104x128xf32, #tpu.memory_space<hbm>> -> memref<1x100x64xf32, #tpu.memory_space<hbm>>
    %dma_start3A_557 = tpu.memref_squeeze %dma_start3A_556 : memref<1x100x64xf32, #tpu.memory_space<hbm>> -> memref<100x64xf32, #tpu.memory_space<hbm>>
    %dma_start3A_558 = arith.constant 0 : i32
    %dma_start3A_559 = arith.constant 0 : i32
    %dma_start3A_560 = tpu.memref_slice %arg4[%add3A_550, %dma_start3A_558, %dma_start3A_559] : memref<4096x104x128xf32, #tpu.memory_space<hbm>> -> memref<1x100x64xf32, #tpu.memory_space<hbm>>
    %dma_start3A_561 = tpu.memref_squeeze %dma_start3A_560 : memref<1x100x64xf32, #tpu.memory_space<hbm>> -> memref<100x64xf32, #tpu.memory_space<hbm>>
    %dma_start3A_562 = arith.constant 0 : i32
    %dma_start3A_563 = arith.constant 0 : i32
    %dma_start3A_564 = tpu.memref_slice %arg6[%dma_start3A_562, %dma_start3A_563] : memref<400x128xf32, #tpu.memory_space<vmem>> -> memref<100x64xf32, #tpu.memory_space<vmem>>
    tpu.enqueue_dma source(%dma_start3A_564 : memref<100x64xf32, #tpu.memory_space<vmem>>) target(%dma_start3A_561 : memref<100x64xf32, #tpu.memory_space<hbm>>) target_semaphore(%arg10 : memref<!tpu.dma_semaphore, #tpu.memory_space<semaphore_mem>>)
    %add3A_565 = arith.constant 120 : i32
    %add3A_566 = arith.addi %mul3A_2, %add3A_565 : i32
    %add3A_567 = arith.constant 1 : i32
    %add3A_568 = arith.addi %add3A_566, %add3A_567 : i32
    %dma_start3A_569 = arith.constant 100 : i32
    %dma_start3A_570 = arith.constant 0 : i32
    %dma_start3A_571 = tpu.memref_slice %arg6[%dma_start3A_569, %dma_start3A_570] : memref<400x128xf32, #tpu.memory_space<vmem>> -> memref<100x64xf32, #tpu.memory_space<vmem>>
    %dma_start3A_572 = arith.constant 0 : i32
    %dma_start3A_573 = arith.constant 0 : i32
    %dma_start3A_574 = tpu.memref_slice %arg4[%add3A_568, %dma_start3A_572, %dma_start3A_573] : memref<4096x104x128xf32, #tpu.memory_space<hbm>> -> memref<1x100x64xf32, #tpu.memory_space<hbm>>
    %dma_start3A_575 = tpu.memref_squeeze %dma_start3A_574 : memref<1x100x64xf32, #tpu.memory_space<hbm>> -> memref<100x64xf32, #tpu.memory_space<hbm>>
    %dma_start3A_576 = arith.constant 0 : i32
    %dma_start3A_577 = arith.constant 0 : i32
    %dma_start3A_578 = tpu.memref_slice %arg4[%add3A_568, %dma_start3A_576, %dma_start3A_577] : memref<4096x104x128xf32, #tpu.memory_space<hbm>> -> memref<1x100x64xf32, #tpu.memory_space<hbm>>
    %dma_start3A_579 = tpu.memref_squeeze %dma_start3A_578 : memref<1x100x64xf32, #tpu.memory_space<hbm>> -> memref<100x64xf32, #tpu.memory_space<hbm>>
    %dma_start3A_580 = arith.constant 100 : i32
    %dma_start3A_581 = arith.constant 0 : i32
    %dma_start3A_582 = tpu.memref_slice %arg6[%dma_start3A_580, %dma_start3A_581] : memref<400x128xf32, #tpu.memory_space<vmem>> -> memref<100x64xf32, #tpu.memory_space<vmem>>
    tpu.enqueue_dma source(%dma_start3A_582 : memref<100x64xf32, #tpu.memory_space<vmem>>) target(%dma_start3A_579 : memref<100x64xf32, #tpu.memory_space<hbm>>) target_semaphore(%arg10 : memref<!tpu.dma_semaphore, #tpu.memory_space<semaphore_mem>>)
    %add3A_583 = arith.constant 120 : i32
    %add3A_584 = arith.addi %mul3A_2, %add3A_583 : i32
    %add3A_585 = arith.constant 2 : i32
    %add3A_586 = arith.addi %add3A_584, %add3A_585 : i32
    %dma_start3A_587 = arith.constant 200 : i32
    %dma_start3A_588 = arith.constant 0 : i32
    %dma_start3A_589 = tpu.memref_slice %arg6[%dma_start3A_587, %dma_start3A_588] : memref<400x128xf32, #tpu.memory_space<vmem>> -> memref<100x64xf32, #tpu.memory_space<vmem>>
    %dma_start3A_590 = arith.constant 0 : i32
    %dma_start3A_591 = arith.constant 0 : i32
    %dma_start3A_592 = tpu.memref_slice %arg4[%add3A_586, %dma_start3A_590, %dma_start3A_591] : memref<4096x104x128xf32, #tpu.memory_space<hbm>> -> memref<1x100x64xf32, #tpu.memory_space<hbm>>
    %dma_start3A_593 = tpu.memref_squeeze %dma_start3A_592 : memref<1x100x64xf32, #tpu.memory_space<hbm>> -> memref<100x64xf32, #tpu.memory_space<hbm>>
    %dma_start3A_594 = arith.constant 0 : i32
    %dma_start3A_595 = arith.constant 0 : i32
    %dma_start3A_596 = tpu.memref_slice %arg4[%add3A_586, %dma_start3A_594, %dma_start3A_595] : memref<4096x104x128xf32, #tpu.memory_space<hbm>> -> memref<1x100x64xf32, #tpu.memory_space<hbm>>
    %dma_start3A_597 = tpu.memref_squeeze %dma_start3A_596 : memref<1x100x64xf32, #tpu.memory_space<hbm>> -> memref<100x64xf32, #tpu.memory_space<hbm>>
    %dma_start3A_598 = arith.constant 200 : i32
    %dma_start3A_599 = arith.constant 0 : i32
    %dma_start3A_600 = tpu.memref_slice %arg6[%dma_start3A_598, %dma_start3A_599] : memref<400x128xf32, #tpu.memory_space<vmem>> -> memref<100x64xf32, #tpu.memory_space<vmem>>
    tpu.enqueue_dma source(%dma_start3A_600 : memref<100x64xf32, #tpu.memory_space<vmem>>) target(%dma_start3A_597 : memref<100x64xf32, #tpu.memory_space<hbm>>) target_semaphore(%arg10 : memref<!tpu.dma_semaphore, #tpu.memory_space<semaphore_mem>>)
    %add3A_601 = arith.constant 120 : i32
    %add3A_602 = arith.addi %mul3A_2, %add3A_601 : i32
    %add3A_603 = arith.constant 3 : i32
    %add3A_604 = arith.addi %add3A_602, %add3A_603 : i32
    %dma_start3A_605 = arith.constant 300 : i32
    %dma_start3A_606 = arith.constant 0 : i32
    %dma_start3A_607 = tpu.memref_slice %arg6[%dma_start3A_605, %dma_start3A_606] : memref<400x128xf32, #tpu.memory_space<vmem>> -> memref<100x64xf32, #tpu.memory_space<vmem>>
    %dma_start3A_608 = arith.constant 0 : i32
    %dma_start3A_609 = arith.constant 0 : i32
    %dma_start3A_610 = tpu.memref_slice %arg4[%add3A_604, %dma_start3A_608, %dma_start3A_609] : memref<4096x104x128xf32, #tpu.memory_space<hbm>> -> memref<1x100x64xf32, #tpu.memory_space<hbm>>
    %dma_start3A_611 = tpu.memref_squeeze %dma_start3A_610 : memref<1x100x64xf32, #tpu.memory_space<hbm>> -> memref<100x64xf32, #tpu.memory_space<hbm>>
    %dma_start3A_612 = arith.constant 0 : i32
    %dma_start3A_613 = arith.constant 0 : i32
    %dma_start3A_614 = tpu.memref_slice %arg4[%add3A_604, %dma_start3A_612, %dma_start3A_613] : memref<4096x104x128xf32, #tpu.memory_space<hbm>> -> memref<1x100x64xf32, #tpu.memory_space<hbm>>
    %dma_start3A_615 = tpu.memref_squeeze %dma_start3A_614 : memref<1x100x64xf32, #tpu.memory_space<hbm>> -> memref<100x64xf32, #tpu.memory_space<hbm>>
    %dma_start3A_616 = arith.constant 300 : i32
    %dma_start3A_617 = arith.constant 0 : i32
    %dma_start3A_618 = tpu.memref_slice %arg6[%dma_start3A_616, %dma_start3A_617] : memref<400x128xf32, #tpu.memory_space<vmem>> -> memref<100x64xf32, #tpu.memory_space<vmem>>
    tpu.enqueue_dma source(%dma_start3A_618 : memref<100x64xf32, #tpu.memory_space<vmem>>) target(%dma_start3A_615 : memref<100x64xf32, #tpu.memory_space<hbm>>) target_semaphore(%arg10 : memref<!tpu.dma_semaphore, #tpu.memory_space<semaphore_mem>>)
    %multiple_of3A_619 = arith.constant 12400 : i32
    %multiple_of3A_620 = tpu.assume_multiple %multiple_of3A_619, 8 : i32
    %dma_wait3A_621 = arith.constant 0 : i32
    %dma_wait3A_622 = arith.constant 0 : i32
    %dma_wait3A_623 = tpu.memref_slice %arg7[%dma_wait3A_621, %dma_wait3A_622] : memref<400x128xf32, #tpu.memory_space<vmem>> -> memref<128x128xf32, #tpu.memory_space<vmem>>
    %dma_wait3A_624 = tpu.memref_slice %arg5[%multiple_of3A_620] : memref<12800xi32, #tpu.memory_space<vmem>> -> memref<128xi32, #tpu.memory_space<vmem>>
    %dma_wait3A_625 = arith.constant 0 : i32
    %dma_wait3A_626 = arith.constant 0 : i32
    %dma_wait3A_627 = tpu.memref_slice %arg3[%dma_wait3A_625, %dma_wait3A_626] : memref<1000000x128xf32, #tpu.memory_space<hbm>> -> memref<1000000x128xf32, #tpu.memory_space<hbm>>
    tpu.wait_indirect_dma semaphore(%arg9 : memref<!tpu.dma_semaphore, #tpu.memory_space<semaphore_mem>>) src(%dma_wait3A_627 : memref<1000000x128xf32, #tpu.memory_space<hbm>>) dst(%dma_wait3A_623 : memref<128x128xf32, #tpu.memory_space<vmem>>)
    %multiple_of3A_628 = arith.constant 12528 : i32
    %multiple_of3A_629 = tpu.assume_multiple %multiple_of3A_628, 8 : i32
    %dma_wait3A_630 = arith.constant 128 : i32
    %dma_wait3A_631 = arith.constant 0 : i32
    %dma_wait3A_632 = tpu.memref_slice %arg7[%dma_wait3A_630, %dma_wait3A_631] : memref<400x128xf32, #tpu.memory_space<vmem>> -> memref<128x128xf32, #tpu.memory_space<vmem>>
    %dma_wait3A_633 = tpu.memref_slice %arg5[%multiple_of3A_629] : memref<12800xi32, #tpu.memory_space<vmem>> -> memref<128xi32, #tpu.memory_space<vmem>>
    %dma_wait3A_634 = arith.constant 0 : i32
    %dma_wait3A_635 = arith.constant 0 : i32
    %dma_wait3A_636 = tpu.memref_slice %arg3[%dma_wait3A_634, %dma_wait3A_635] : memref<1000000x128xf32, #tpu.memory_space<hbm>> -> memref<1000000x128xf32, #tpu.memory_space<hbm>>
    tpu.wait_indirect_dma semaphore(%arg9 : memref<!tpu.dma_semaphore, #tpu.memory_space<semaphore_mem>>) src(%dma_wait3A_636 : memref<1000000x128xf32, #tpu.memory_space<hbm>>) dst(%dma_wait3A_632 : memref<128x128xf32, #tpu.memory_space<vmem>>)
    %multiple_of3A_637 = arith.constant 12656 : i32
    %multiple_of3A_638 = tpu.assume_multiple %multiple_of3A_637, 8 : i32
    %dma_wait3A_639 = arith.constant 256 : i32
    %dma_wait3A_640 = arith.constant 0 : i32
    %dma_wait3A_641 = tpu.memref_slice %arg7[%dma_wait3A_639, %dma_wait3A_640] : memref<400x128xf32, #tpu.memory_space<vmem>> -> memref<128x128xf32, #tpu.memory_space<vmem>>
    %dma_wait3A_642 = tpu.memref_slice %arg5[%multiple_of3A_638] : memref<12800xi32, #tpu.memory_space<vmem>> -> memref<128xi32, #tpu.memory_space<vmem>>
    %dma_wait3A_643 = arith.constant 0 : i32
    %dma_wait3A_644 = arith.constant 0 : i32
    %dma_wait3A_645 = tpu.memref_slice %arg3[%dma_wait3A_643, %dma_wait3A_644] : memref<1000000x128xf32, #tpu.memory_space<hbm>> -> memref<1000000x128xf32, #tpu.memory_space<hbm>>
    tpu.wait_indirect_dma semaphore(%arg9 : memref<!tpu.dma_semaphore, #tpu.memory_space<semaphore_mem>>) src(%dma_wait3A_645 : memref<1000000x128xf32, #tpu.memory_space<hbm>>) dst(%dma_wait3A_641 : memref<128x128xf32, #tpu.memory_space<vmem>>)
    %multiple_of3A_646 = arith.constant 12784 : i32
    %multiple_of3A_647 = tpu.assume_multiple %multiple_of3A_646, 8 : i32
    %dma_wait3A_648 = arith.constant 384 : i32
    %dma_wait3A_649 = arith.constant 0 : i32
    %dma_wait3A_650 = tpu.memref_slice %arg7[%dma_wait3A_648, %dma_wait3A_649] : memref<400x128xf32, #tpu.memory_space<vmem>> -> memref<16x128xf32, #tpu.memory_space<vmem>>
    %dma_wait3A_651 = tpu.memref_slice %arg5[%multiple_of3A_647] : memref<12800xi32, #tpu.memory_space<vmem>> -> memref<16xi32, #tpu.memory_space<vmem>>
    %dma_wait3A_652 = arith.constant 0 : i32
    %dma_wait3A_653 = arith.constant 0 : i32
    %dma_wait3A_654 = tpu.memref_slice %arg3[%dma_wait3A_652, %dma_wait3A_653] : memref<1000000x128xf32, #tpu.memory_space<hbm>> -> memref<1000000x128xf32, #tpu.memory_space<hbm>>
    tpu.wait_indirect_dma semaphore(%arg9 : memref<!tpu.dma_semaphore, #tpu.memory_space<semaphore_mem>>) src(%dma_wait3A_654 : memref<1000000x128xf32, #tpu.memory_space<hbm>>) dst(%dma_wait3A_650 : memref<16x128xf32, #tpu.memory_space<vmem>>)
    %add3A_655 = arith.constant 124 : i32
    %add3A_656 = arith.addi %mul3A_2, %add3A_655 : i32
    %add3A_657 = arith.constant 0 : i32
    %add3A_658 = arith.addi %add3A_656, %add3A_657 : i32
    %dma_start3A_659 = arith.constant 0 : i32
    %dma_start3A_660 = arith.constant 0 : i32
    %dma_start3A_661 = tpu.memref_slice %arg7[%dma_start3A_659, %dma_start3A_660] : memref<400x128xf32, #tpu.memory_space<vmem>> -> memref<100x64xf32, #tpu.memory_space<vmem>>
    %dma_start3A_662 = arith.constant 0 : i32
    %dma_start3A_663 = arith.constant 0 : i32
    %dma_start3A_664 = tpu.memref_slice %arg4[%add3A_658, %dma_start3A_662, %dma_start3A_663] : memref<4096x104x128xf32, #tpu.memory_space<hbm>> -> memref<1x100x64xf32, #tpu.memory_space<hbm>>
    %dma_start3A_665 = tpu.memref_squeeze %dma_start3A_664 : memref<1x100x64xf32, #tpu.memory_space<hbm>> -> memref<100x64xf32, #tpu.memory_space<hbm>>
    %dma_start3A_666 = arith.constant 0 : i32
    %dma_start3A_667 = arith.constant 0 : i32
    %dma_start3A_668 = tpu.memref_slice %arg4[%add3A_658, %dma_start3A_666, %dma_start3A_667] : memref<4096x104x128xf32, #tpu.memory_space<hbm>> -> memref<1x100x64xf32, #tpu.memory_space<hbm>>
    %dma_start3A_669 = tpu.memref_squeeze %dma_start3A_668 : memref<1x100x64xf32, #tpu.memory_space<hbm>> -> memref<100x64xf32, #tpu.memory_space<hbm>>
    %dma_start3A_670 = arith.constant 0 : i32
    %dma_start3A_671 = arith.constant 0 : i32
    %dma_start3A_672 = tpu.memref_slice %arg7[%dma_start3A_670, %dma_start3A_671] : memref<400x128xf32, #tpu.memory_space<vmem>> -> memref<100x64xf32, #tpu.memory_space<vmem>>
    tpu.enqueue_dma source(%dma_start3A_672 : memref<100x64xf32, #tpu.memory_space<vmem>>) target(%dma_start3A_669 : memref<100x64xf32, #tpu.memory_space<hbm>>) target_semaphore(%arg11 : memref<!tpu.dma_semaphore, #tpu.memory_space<semaphore_mem>>)
    %add3A_673 = arith.constant 124 : i32
    %add3A_674 = arith.addi %mul3A_2, %add3A_673 : i32
    %add3A_675 = arith.constant 1 : i32
    %add3A_676 = arith.addi %add3A_674, %add3A_675 : i32
    %dma_start3A_677 = arith.constant 100 : i32
    %dma_start3A_678 = arith.constant 0 : i32
    %dma_start3A_679 = tpu.memref_slice %arg7[%dma_start3A_677, %dma_start3A_678] : memref<400x128xf32, #tpu.memory_space<vmem>> -> memref<100x64xf32, #tpu.memory_space<vmem>>
    %dma_start3A_680 = arith.constant 0 : i32
    %dma_start3A_681 = arith.constant 0 : i32
    %dma_start3A_682 = tpu.memref_slice %arg4[%add3A_676, %dma_start3A_680, %dma_start3A_681] : memref<4096x104x128xf32, #tpu.memory_space<hbm>> -> memref<1x100x64xf32, #tpu.memory_space<hbm>>
    %dma_start3A_683 = tpu.memref_squeeze %dma_start3A_682 : memref<1x100x64xf32, #tpu.memory_space<hbm>> -> memref<100x64xf32, #tpu.memory_space<hbm>>
    %dma_start3A_684 = arith.constant 0 : i32
    %dma_start3A_685 = arith.constant 0 : i32
    %dma_start3A_686 = tpu.memref_slice %arg4[%add3A_676, %dma_start3A_684, %dma_start3A_685] : memref<4096x104x128xf32, #tpu.memory_space<hbm>> -> memref<1x100x64xf32, #tpu.memory_space<hbm>>
    %dma_start3A_687 = tpu.memref_squeeze %dma_start3A_686 : memref<1x100x64xf32, #tpu.memory_space<hbm>> -> memref<100x64xf32, #tpu.memory_space<hbm>>
    %dma_start3A_688 = arith.constant 100 : i32
    %dma_start3A_689 = arith.constant 0 : i32
    %dma_start3A_690 = tpu.memref_slice %arg7[%dma_start3A_688, %dma_start3A_689] : memref<400x128xf32, #tpu.memory_space<vmem>> -> memref<100x64xf32, #tpu.memory_space<vmem>>
    tpu.enqueue_dma source(%dma_start3A_690 : memref<100x64xf32, #tpu.memory_space<vmem>>) target(%dma_start3A_687 : memref<100x64xf32, #tpu.memory_space<hbm>>) target_semaphore(%arg11 : memref<!tpu.dma_semaphore, #tpu.memory_space<semaphore_mem>>)
    %add3A_691 = arith.constant 124 : i32
    %add3A_692 = arith.addi %mul3A_2, %add3A_691 : i32
    %add3A_693 = arith.constant 2 : i32
    %add3A_694 = arith.addi %add3A_692, %add3A_693 : i32
    %dma_start3A_695 = arith.constant 200 : i32
    %dma_start3A_696 = arith.constant 0 : i32
    %dma_start3A_697 = tpu.memref_slice %arg7[%dma_start3A_695, %dma_start3A_696] : memref<400x128xf32, #tpu.memory_space<vmem>> -> memref<100x64xf32, #tpu.memory_space<vmem>>
    %dma_start3A_698 = arith.constant 0 : i32
    %dma_start3A_699 = arith.constant 0 : i32
    %dma_start3A_700 = tpu.memref_slice %arg4[%add3A_694, %dma_start3A_698, %dma_start3A_699] : memref<4096x104x128xf32, #tpu.memory_space<hbm>> -> memref<1x100x64xf32, #tpu.memory_space<hbm>>
    %dma_start3A_701 = tpu.memref_squeeze %dma_start3A_700 : memref<1x100x64xf32, #tpu.memory_space<hbm>> -> memref<100x64xf32, #tpu.memory_space<hbm>>
    %dma_start3A_702 = arith.constant 0 : i32
    %dma_start3A_703 = arith.constant 0 : i32
    %dma_start3A_704 = tpu.memref_slice %arg4[%add3A_694, %dma_start3A_702, %dma_start3A_703] : memref<4096x104x128xf32, #tpu.memory_space<hbm>> -> memref<1x100x64xf32, #tpu.memory_space<hbm>>
    %dma_start3A_705 = tpu.memref_squeeze %dma_start3A_704 : memref<1x100x64xf32, #tpu.memory_space<hbm>> -> memref<100x64xf32, #tpu.memory_space<hbm>>
    %dma_start3A_706 = arith.constant 200 : i32
    %dma_start3A_707 = arith.constant 0 : i32
    %dma_start3A_708 = tpu.memref_slice %arg7[%dma_start3A_706, %dma_start3A_707] : memref<400x128xf32, #tpu.memory_space<vmem>> -> memref<100x64xf32, #tpu.memory_space<vmem>>
    tpu.enqueue_dma source(%dma_start3A_708 : memref<100x64xf32, #tpu.memory_space<vmem>>) target(%dma_start3A_705 : memref<100x64xf32, #tpu.memory_space<hbm>>) target_semaphore(%arg11 : memref<!tpu.dma_semaphore, #tpu.memory_space<semaphore_mem>>)
    %add3A_709 = arith.constant 124 : i32
    %add3A_710 = arith.addi %mul3A_2, %add3A_709 : i32
    %add3A_711 = arith.constant 3 : i32
    %add3A_712 = arith.addi %add3A_710, %add3A_711 : i32
    %dma_start3A_713 = arith.constant 300 : i32
    %dma_start3A_714 = arith.constant 0 : i32
    %dma_start3A_715 = tpu.memref_slice %arg7[%dma_start3A_713, %dma_start3A_714] : memref<400x128xf32, #tpu.memory_space<vmem>> -> memref<100x64xf32, #tpu.memory_space<vmem>>
    %dma_start3A_716 = arith.constant 0 : i32
    %dma_start3A_717 = arith.constant 0 : i32
    %dma_start3A_718 = tpu.memref_slice %arg4[%add3A_712, %dma_start3A_716, %dma_start3A_717] : memref<4096x104x128xf32, #tpu.memory_space<hbm>> -> memref<1x100x64xf32, #tpu.memory_space<hbm>>
    %dma_start3A_719 = tpu.memref_squeeze %dma_start3A_718 : memref<1x100x64xf32, #tpu.memory_space<hbm>> -> memref<100x64xf32, #tpu.memory_space<hbm>>
    %dma_start3A_720 = arith.constant 0 : i32
    %dma_start3A_721 = arith.constant 0 : i32
    %dma_start3A_722 = tpu.memref_slice %arg4[%add3A_712, %dma_start3A_720, %dma_start3A_721] : memref<4096x104x128xf32, #tpu.memory_space<hbm>> -> memref<1x100x64xf32, #tpu.memory_space<hbm>>
    %dma_start3A_723 = tpu.memref_squeeze %dma_start3A_722 : memref<1x100x64xf32, #tpu.memory_space<hbm>> -> memref<100x64xf32, #tpu.memory_space<hbm>>
    %dma_start3A_724 = arith.constant 300 : i32
    %dma_start3A_725 = arith.constant 0 : i32
    %dma_start3A_726 = tpu.memref_slice %arg7[%dma_start3A_724, %dma_start3A_725] : memref<400x128xf32, #tpu.memory_space<vmem>> -> memref<100x64xf32, #tpu.memory_space<vmem>>
    tpu.enqueue_dma source(%dma_start3A_726 : memref<100x64xf32, #tpu.memory_space<vmem>>) target(%dma_start3A_723 : memref<100x64xf32, #tpu.memory_space<hbm>>) target_semaphore(%arg11 : memref<!tpu.dma_semaphore, #tpu.memory_space<semaphore_mem>>)
    %add3A_727 = arith.constant 120 : i32
    %add3A_728 = arith.addi %mul3A_2, %add3A_727 : i32
    %add3A_729 = arith.constant 0 : i32
    %add3A_730 = arith.addi %add3A_728, %add3A_729 : i32
    %dma_wait3A_731 = arith.constant 0 : i32
    %dma_wait3A_732 = arith.constant 0 : i32
    %dma_wait3A_733 = tpu.memref_slice %arg6[%dma_wait3A_731, %dma_wait3A_732] : memref<400x128xf32, #tpu.memory_space<vmem>> -> memref<100x64xf32, #tpu.memory_space<vmem>>
    %dma_wait3A_734 = arith.constant 0 : i32
    %dma_wait3A_735 = arith.constant 0 : i32
    %dma_wait3A_736 = tpu.memref_slice %arg4[%add3A_730, %dma_wait3A_734, %dma_wait3A_735] : memref<4096x104x128xf32, #tpu.memory_space<hbm>> -> memref<1x100x64xf32, #tpu.memory_space<hbm>>
    %dma_wait3A_737 = tpu.memref_squeeze %dma_wait3A_736 : memref<1x100x64xf32, #tpu.memory_space<hbm>> -> memref<100x64xf32, #tpu.memory_space<hbm>>
    %dma_wait3A_738 = arith.constant 0 : i32
    %dma_wait3A_739 = arith.constant 0 : i32
    %dma_wait3A_740 = tpu.memref_slice %arg4[%add3A_730, %dma_wait3A_738, %dma_wait3A_739] : memref<4096x104x128xf32, #tpu.memory_space<hbm>> -> memref<1x100x64xf32, #tpu.memory_space<hbm>>
    %dma_wait3A_741 = tpu.memref_squeeze %dma_wait3A_740 : memref<1x100x64xf32, #tpu.memory_space<hbm>> -> memref<100x64xf32, #tpu.memory_space<hbm>>
    %dma_wait3A_742 = arith.constant 0 : i32
    %dma_wait3A_743 = arith.constant 0 : i32
    %dma_wait3A_744 = tpu.memref_slice %arg6[%dma_wait3A_742, %dma_wait3A_743] : memref<400x128xf32, #tpu.memory_space<vmem>> -> memref<100x64xf32, #tpu.memory_space<vmem>>
    tpu.wait_dma2 semaphore(%arg10 : memref<!tpu.dma_semaphore, #tpu.memory_space<semaphore_mem>>) src(%dma_wait3A_744 : memref<100x64xf32, #tpu.memory_space<vmem>>) dst(%dma_wait3A_741 : memref<100x64xf32, #tpu.memory_space<hbm>>)
    %add3A_745 = arith.constant 120 : i32
    %add3A_746 = arith.addi %mul3A_2, %add3A_745 : i32
    %add3A_747 = arith.constant 1 : i32
    %add3A_748 = arith.addi %add3A_746, %add3A_747 : i32
    %dma_wait3A_749 = arith.constant 100 : i32
    %dma_wait3A_750 = arith.constant 0 : i32
    %dma_wait3A_751 = tpu.memref_slice %arg6[%dma_wait3A_749, %dma_wait3A_750] : memref<400x128xf32, #tpu.memory_space<vmem>> -> memref<100x64xf32, #tpu.memory_space<vmem>>
    %dma_wait3A_752 = arith.constant 0 : i32
    %dma_wait3A_753 = arith.constant 0 : i32
    %dma_wait3A_754 = tpu.memref_slice %arg4[%add3A_748, %dma_wait3A_752, %dma_wait3A_753] : memref<4096x104x128xf32, #tpu.memory_space<hbm>> -> memref<1x100x64xf32, #tpu.memory_space<hbm>>
    %dma_wait3A_755 = tpu.memref_squeeze %dma_wait3A_754 : memref<1x100x64xf32, #tpu.memory_space<hbm>> -> memref<100x64xf32, #tpu.memory_space<hbm>>
    %dma_wait3A_756 = arith.constant 0 : i32
    %dma_wait3A_757 = arith.constant 0 : i32
    %dma_wait3A_758 = tpu.memref_slice %arg4[%add3A_748, %dma_wait3A_756, %dma_wait3A_757] : memref<4096x104x128xf32, #tpu.memory_space<hbm>> -> memref<1x100x64xf32, #tpu.memory_space<hbm>>
    %dma_wait3A_759 = tpu.memref_squeeze %dma_wait3A_758 : memref<1x100x64xf32, #tpu.memory_space<hbm>> -> memref<100x64xf32, #tpu.memory_space<hbm>>
    %dma_wait3A_760 = arith.constant 100 : i32
    %dma_wait3A_761 = arith.constant 0 : i32
    %dma_wait3A_762 = tpu.memref_slice %arg6[%dma_wait3A_760, %dma_wait3A_761] : memref<400x128xf32, #tpu.memory_space<vmem>> -> memref<100x64xf32, #tpu.memory_space<vmem>>
    tpu.wait_dma2 semaphore(%arg10 : memref<!tpu.dma_semaphore, #tpu.memory_space<semaphore_mem>>) src(%dma_wait3A_762 : memref<100x64xf32, #tpu.memory_space<vmem>>) dst(%dma_wait3A_759 : memref<100x64xf32, #tpu.memory_space<hbm>>)
    %add3A_763 = arith.constant 120 : i32
    %add3A_764 = arith.addi %mul3A_2, %add3A_763 : i32
    %add3A_765 = arith.constant 2 : i32
    %add3A_766 = arith.addi %add3A_764, %add3A_765 : i32
    %dma_wait3A_767 = arith.constant 200 : i32
    %dma_wait3A_768 = arith.constant 0 : i32
    %dma_wait3A_769 = tpu.memref_slice %arg6[%dma_wait3A_767, %dma_wait3A_768] : memref<400x128xf32, #tpu.memory_space<vmem>> -> memref<100x64xf32, #tpu.memory_space<vmem>>
    %dma_wait3A_770 = arith.constant 0 : i32
    %dma_wait3A_771 = arith.constant 0 : i32
    %dma_wait3A_772 = tpu.memref_slice %arg4[%add3A_766, %dma_wait3A_770, %dma_wait3A_771] : memref<4096x104x128xf32, #tpu.memory_space<hbm>> -> memref<1x100x64xf32, #tpu.memory_space<hbm>>
    %dma_wait3A_773 = tpu.memref_squeeze %dma_wait3A_772 : memref<1x100x64xf32, #tpu.memory_space<hbm>> -> memref<100x64xf32, #tpu.memory_space<hbm>>
    %dma_wait3A_774 = arith.constant 0 : i32
    %dma_wait3A_775 = arith.constant 0 : i32
    %dma_wait3A_776 = tpu.memref_slice %arg4[%add3A_766, %dma_wait3A_774, %dma_wait3A_775] : memref<4096x104x128xf32, #tpu.memory_space<hbm>> -> memref<1x100x64xf32, #tpu.memory_space<hbm>>
    %dma_wait3A_777 = tpu.memref_squeeze %dma_wait3A_776 : memref<1x100x64xf32, #tpu.memory_space<hbm>> -> memref<100x64xf32, #tpu.memory_space<hbm>>
    %dma_wait3A_778 = arith.constant 200 : i32
    %dma_wait3A_779 = arith.constant 0 : i32
    %dma_wait3A_780 = tpu.memref_slice %arg6[%dma_wait3A_778, %dma_wait3A_779] : memref<400x128xf32, #tpu.memory_space<vmem>> -> memref<100x64xf32, #tpu.memory_space<vmem>>
    tpu.wait_dma2 semaphore(%arg10 : memref<!tpu.dma_semaphore, #tpu.memory_space<semaphore_mem>>) src(%dma_wait3A_780 : memref<100x64xf32, #tpu.memory_space<vmem>>) dst(%dma_wait3A_777 : memref<100x64xf32, #tpu.memory_space<hbm>>)
    %add3A_781 = arith.constant 120 : i32
    %add3A_782 = arith.addi %mul3A_2, %add3A_781 : i32
    %add3A_783 = arith.constant 3 : i32
    %add3A_784 = arith.addi %add3A_782, %add3A_783 : i32
    %dma_wait3A_785 = arith.constant 300 : i32
    %dma_wait3A_786 = arith.constant 0 : i32
    %dma_wait3A_787 = tpu.memref_slice %arg6[%dma_wait3A_785, %dma_wait3A_786] : memref<400x128xf32, #tpu.memory_space<vmem>> -> memref<100x64xf32, #tpu.memory_space<vmem>>
    %dma_wait3A_788 = arith.constant 0 : i32
    %dma_wait3A_789 = arith.constant 0 : i32
    %dma_wait3A_790 = tpu.memref_slice %arg4[%add3A_784, %dma_wait3A_788, %dma_wait3A_789] : memref<4096x104x128xf32, #tpu.memory_space<hbm>> -> memref<1x100x64xf32, #tpu.memory_space<hbm>>
    %dma_wait3A_791 = tpu.memref_squeeze %dma_wait3A_790 : memref<1x100x64xf32, #tpu.memory_space<hbm>> -> memref<100x64xf32, #tpu.memory_space<hbm>>
    %dma_wait3A_792 = arith.constant 0 : i32
    %dma_wait3A_793 = arith.constant 0 : i32
    %dma_wait3A_794 = tpu.memref_slice %arg4[%add3A_784, %dma_wait3A_792, %dma_wait3A_793] : memref<4096x104x128xf32, #tpu.memory_space<hbm>> -> memref<1x100x64xf32, #tpu.memory_space<hbm>>
    %dma_wait3A_795 = tpu.memref_squeeze %dma_wait3A_794 : memref<1x100x64xf32, #tpu.memory_space<hbm>> -> memref<100x64xf32, #tpu.memory_space<hbm>>
    %dma_wait3A_796 = arith.constant 300 : i32
    %dma_wait3A_797 = arith.constant 0 : i32
    %dma_wait3A_798 = tpu.memref_slice %arg6[%dma_wait3A_796, %dma_wait3A_797] : memref<400x128xf32, #tpu.memory_space<vmem>> -> memref<100x64xf32, #tpu.memory_space<vmem>>
    tpu.wait_dma2 semaphore(%arg10 : memref<!tpu.dma_semaphore, #tpu.memory_space<semaphore_mem>>) src(%dma_wait3A_798 : memref<100x64xf32, #tpu.memory_space<vmem>>) dst(%dma_wait3A_795 : memref<100x64xf32, #tpu.memory_space<hbm>>)
    %add3A_799 = arith.constant 124 : i32
    %add3A_800 = arith.addi %mul3A_2, %add3A_799 : i32
    %add3A_801 = arith.constant 0 : i32
    %add3A_802 = arith.addi %add3A_800, %add3A_801 : i32
    %dma_wait3A_803 = arith.constant 0 : i32
    %dma_wait3A_804 = arith.constant 0 : i32
    %dma_wait3A_805 = tpu.memref_slice %arg7[%dma_wait3A_803, %dma_wait3A_804] : memref<400x128xf32, #tpu.memory_space<vmem>> -> memref<100x64xf32, #tpu.memory_space<vmem>>
    %dma_wait3A_806 = arith.constant 0 : i32
    %dma_wait3A_807 = arith.constant 0 : i32
    %dma_wait3A_808 = tpu.memref_slice %arg4[%add3A_802, %dma_wait3A_806, %dma_wait3A_807] : memref<4096x104x128xf32, #tpu.memory_space<hbm>> -> memref<1x100x64xf32, #tpu.memory_space<hbm>>
    %dma_wait3A_809 = tpu.memref_squeeze %dma_wait3A_808 : memref<1x100x64xf32, #tpu.memory_space<hbm>> -> memref<100x64xf32, #tpu.memory_space<hbm>>
    %dma_wait3A_810 = arith.constant 0 : i32
    %dma_wait3A_811 = arith.constant 0 : i32
    %dma_wait3A_812 = tpu.memref_slice %arg4[%add3A_802, %dma_wait3A_810, %dma_wait3A_811] : memref<4096x104x128xf32, #tpu.memory_space<hbm>> -> memref<1x100x64xf32, #tpu.memory_space<hbm>>
    %dma_wait3A_813 = tpu.memref_squeeze %dma_wait3A_812 : memref<1x100x64xf32, #tpu.memory_space<hbm>> -> memref<100x64xf32, #tpu.memory_space<hbm>>
    %dma_wait3A_814 = arith.constant 0 : i32
    %dma_wait3A_815 = arith.constant 0 : i32
    %dma_wait3A_816 = tpu.memref_slice %arg7[%dma_wait3A_814, %dma_wait3A_815] : memref<400x128xf32, #tpu.memory_space<vmem>> -> memref<100x64xf32, #tpu.memory_space<vmem>>
    tpu.wait_dma2 semaphore(%arg11 : memref<!tpu.dma_semaphore, #tpu.memory_space<semaphore_mem>>) src(%dma_wait3A_816 : memref<100x64xf32, #tpu.memory_space<vmem>>) dst(%dma_wait3A_813 : memref<100x64xf32, #tpu.memory_space<hbm>>)
    %add3A_817 = arith.constant 124 : i32
    %add3A_818 = arith.addi %mul3A_2, %add3A_817 : i32
    %add3A_819 = arith.constant 1 : i32
    %add3A_820 = arith.addi %add3A_818, %add3A_819 : i32
    %dma_wait3A_821 = arith.constant 100 : i32
    %dma_wait3A_822 = arith.constant 0 : i32
    %dma_wait3A_823 = tpu.memref_slice %arg7[%dma_wait3A_821, %dma_wait3A_822] : memref<400x128xf32, #tpu.memory_space<vmem>> -> memref<100x64xf32, #tpu.memory_space<vmem>>
    %dma_wait3A_824 = arith.constant 0 : i32
    %dma_wait3A_825 = arith.constant 0 : i32
    %dma_wait3A_826 = tpu.memref_slice %arg4[%add3A_820, %dma_wait3A_824, %dma_wait3A_825] : memref<4096x104x128xf32, #tpu.memory_space<hbm>> -> memref<1x100x64xf32, #tpu.memory_space<hbm>>
    %dma_wait3A_827 = tpu.memref_squeeze %dma_wait3A_826 : memref<1x100x64xf32, #tpu.memory_space<hbm>> -> memref<100x64xf32, #tpu.memory_space<hbm>>
    %dma_wait3A_828 = arith.constant 0 : i32
    %dma_wait3A_829 = arith.constant 0 : i32
    %dma_wait3A_830 = tpu.memref_slice %arg4[%add3A_820, %dma_wait3A_828, %dma_wait3A_829] : memref<4096x104x128xf32, #tpu.memory_space<hbm>> -> memref<1x100x64xf32, #tpu.memory_space<hbm>>
    %dma_wait3A_831 = tpu.memref_squeeze %dma_wait3A_830 : memref<1x100x64xf32, #tpu.memory_space<hbm>> -> memref<100x64xf32, #tpu.memory_space<hbm>>
    %dma_wait3A_832 = arith.constant 100 : i32
    %dma_wait3A_833 = arith.constant 0 : i32
    %dma_wait3A_834 = tpu.memref_slice %arg7[%dma_wait3A_832, %dma_wait3A_833] : memref<400x128xf32, #tpu.memory_space<vmem>> -> memref<100x64xf32, #tpu.memory_space<vmem>>
    tpu.wait_dma2 semaphore(%arg11 : memref<!tpu.dma_semaphore, #tpu.memory_space<semaphore_mem>>) src(%dma_wait3A_834 : memref<100x64xf32, #tpu.memory_space<vmem>>) dst(%dma_wait3A_831 : memref<100x64xf32, #tpu.memory_space<hbm>>)
    %add3A_835 = arith.constant 124 : i32
    %add3A_836 = arith.addi %mul3A_2, %add3A_835 : i32
    %add3A_837 = arith.constant 2 : i32
    %add3A_838 = arith.addi %add3A_836, %add3A_837 : i32
    %dma_wait3A_839 = arith.constant 200 : i32
    %dma_wait3A_840 = arith.constant 0 : i32
    %dma_wait3A_841 = tpu.memref_slice %arg7[%dma_wait3A_839, %dma_wait3A_840] : memref<400x128xf32, #tpu.memory_space<vmem>> -> memref<100x64xf32, #tpu.memory_space<vmem>>
    %dma_wait3A_842 = arith.constant 0 : i32
    %dma_wait3A_843 = arith.constant 0 : i32
    %dma_wait3A_844 = tpu.memref_slice %arg4[%add3A_838, %dma_wait3A_842, %dma_wait3A_843] : memref<4096x104x128xf32, #tpu.memory_space<hbm>> -> memref<1x100x64xf32, #tpu.memory_space<hbm>>
    %dma_wait3A_845 = tpu.memref_squeeze %dma_wait3A_844 : memref<1x100x64xf32, #tpu.memory_space<hbm>> -> memref<100x64xf32, #tpu.memory_space<hbm>>
    %dma_wait3A_846 = arith.constant 0 : i32
    %dma_wait3A_847 = arith.constant 0 : i32
    %dma_wait3A_848 = tpu.memref_slice %arg4[%add3A_838, %dma_wait3A_846, %dma_wait3A_847] : memref<4096x104x128xf32, #tpu.memory_space<hbm>> -> memref<1x100x64xf32, #tpu.memory_space<hbm>>
    %dma_wait3A_849 = tpu.memref_squeeze %dma_wait3A_848 : memref<1x100x64xf32, #tpu.memory_space<hbm>> -> memref<100x64xf32, #tpu.memory_space<hbm>>
    %dma_wait3A_850 = arith.constant 200 : i32
    %dma_wait3A_851 = arith.constant 0 : i32
    %dma_wait3A_852 = tpu.memref_slice %arg7[%dma_wait3A_850, %dma_wait3A_851] : memref<400x128xf32, #tpu.memory_space<vmem>> -> memref<100x64xf32, #tpu.memory_space<vmem>>
    tpu.wait_dma2 semaphore(%arg11 : memref<!tpu.dma_semaphore, #tpu.memory_space<semaphore_mem>>) src(%dma_wait3A_852 : memref<100x64xf32, #tpu.memory_space<vmem>>) dst(%dma_wait3A_849 : memref<100x64xf32, #tpu.memory_space<hbm>>)
    %add3A_853 = arith.constant 124 : i32
    %add3A_854 = arith.addi %mul3A_2, %add3A_853 : i32
    %add3A_855 = arith.constant 3 : i32
    %add3A_856 = arith.addi %add3A_854, %add3A_855 : i32
    %dma_wait3A_857 = arith.constant 300 : i32
    %dma_wait3A_858 = arith.constant 0 : i32
    %dma_wait3A_859 = tpu.memref_slice %arg7[%dma_wait3A_857, %dma_wait3A_858] : memref<400x128xf32, #tpu.memory_space<vmem>> -> memref<100x64xf32, #tpu.memory_space<vmem>>
    %dma_wait3A_860 = arith.constant 0 : i32
    %dma_wait3A_861 = arith.constant 0 : i32
    %dma_wait3A_862 = tpu.memref_slice %arg4[%add3A_856, %dma_wait3A_860, %dma_wait3A_861] : memref<4096x104x128xf32, #tpu.memory_space<hbm>> -> memref<1x100x64xf32, #tpu.memory_space<hbm>>
    %dma_wait3A_863 = tpu.memref_squeeze %dma_wait3A_862 : memref<1x100x64xf32, #tpu.memory_space<hbm>> -> memref<100x64xf32, #tpu.memory_space<hbm>>
    %dma_wait3A_864 = arith.constant 0 : i32
    %dma_wait3A_865 = arith.constant 0 : i32
    %dma_wait3A_866 = tpu.memref_slice %arg4[%add3A_856, %dma_wait3A_864, %dma_wait3A_865] : memref<4096x104x128xf32, #tpu.memory_space<hbm>> -> memref<1x100x64xf32, #tpu.memory_space<hbm>>
    %dma_wait3A_867 = tpu.memref_squeeze %dma_wait3A_866 : memref<1x100x64xf32, #tpu.memory_space<hbm>> -> memref<100x64xf32, #tpu.memory_space<hbm>>
    %dma_wait3A_868 = arith.constant 300 : i32
    %dma_wait3A_869 = arith.constant 0 : i32
    %dma_wait3A_870 = tpu.memref_slice %arg7[%dma_wait3A_868, %dma_wait3A_869] : memref<400x128xf32, #tpu.memory_space<vmem>> -> memref<100x64xf32, #tpu.memory_space<vmem>>
    tpu.wait_dma2 semaphore(%arg11 : memref<!tpu.dma_semaphore, #tpu.memory_space<semaphore_mem>>) src(%dma_wait3A_870 : memref<100x64xf32, #tpu.memory_space<vmem>>) dst(%dma_wait3A_867 : memref<100x64xf32, #tpu.memory_space<hbm>>)
    return
  }
}

module attributes {stable_mosaic.version = 14 : i64} {
  func.func @body(%arg0: i32, %arg1: memref<64x16384xf32, #tpu.memory_space<vmem>>, %arg2: memref<16384x128xf32, #tpu.memory_space<vmem>>) attributes {dimension_semantics = [#tpu.dimension_semantics<arbitrary>], iteration_bounds = array<i64: 62>, scalar_prefetch = 0 : i64, scratch_operands = 0 : i64, tpu.core_type = #tpu.core_type<tc>, window_params = [{transform_indices = @transform_0, window_bounds = array<i64: 64, 16384>}, {transform_indices = @transform_1, window_bounds = array<i64: 16384, 128>}]} {
    %get3A = arith.constant 0 : index
    %get3A_0 = arith.constant 0 : index
    %get3A_1 = vector.load %arg1[%get3A, %get3A_0] : memref<64x16384xf32, #tpu.memory_space<vmem>>, vector<64x16384xf32>
    %transpose3A = tpu.transpose %get3A_1, [1, 0] : vector<64x16384xf32> -> vector<16384x64xf32>
    %swap3A = arith.constant 0 : index
    %swap3A_2 = arith.constant 0 : index
    %swap3A_3 = vector.load %arg2[%swap3A, %swap3A_2] : memref<16384x128xf32, #tpu.memory_space<vmem>>, vector<16384x64xf32>
    tpu.vector_store %arg2[%swap3A, %swap3A_2], %transpose3A {strides = array<i32>} : memref<16384x128xf32, #tpu.memory_space<vmem>>, vector<16384x64xf32>,
    return
  }
  func.func @transform_0(%arg0: i32) -> (i32, i32) {
    %c0_i32 = arith.constant 0 : i32
    %c0_i32_0 = arith.constant 0 : i32
    return %c0_i32, %arg0 : i32, i32
  }
  func.func @transform_1(%arg0: i32) -> (i32, i32) {
    %c0_i32 = arith.constant 0 : i32
    %c0_i32_0 = arith.constant 0 : i32
    return %arg0, %c0_i32 : i32, i32
  }
}

</mosaic_0001>

<sc_bundles>
// kernel: kernel.4.cloned.1.call-start
scs
__scs_entry_jumppad:
0x0: {  	(pc) =	sbr.rel $0x88, $3  }
0x1: {  	(tag) =	ssettag $0x0;
	lr =	simm.s32 $0x1  }
0x2: {  	[smem:$0x3F9F] =	sst lr;
	_ =	strace $0xD0000000  }
0x3: {  	_ = 	snop  }
0x4: {  	_ = 	snop  }
0x5: {  	_ = 	snop  }
0x6: {  	_ = 	snop  }
0x7: {  	_ = 	snop  }
__scs_overlays_trampoline_lowered:
0x8: {  	[smem:$0x3FAE] =	sst s0  }
0x9: {  	[smem:$0x3FAF] =	sst s1  }
0xa: {  	[smem:$0x3FB0] =	sst s2  }
0xb: {  	[smem:$0x3FB1] =	sst s3  }
0xc: {  	[smem:$0x3FB2] =	sst s4  }
0xd: {  	[smem:$0x3FB3] =	sst s5  }
0xe: {  	[smem:$0x3FB4] =	sst s6  }
0xf: {  	[smem:$0x3FB5] =	sst s7  }
0x10: {  	[smem:$0x3FB6] =	sst s8  }
0x11: {  	[smem:$0x3FB7] =	sst s9;
	s0 =	simm.s32 @!p0 $0x0  }
0x12: {  	s1 =	sld [smem:$0x3F9D];
	s0 =	simm.s32 @p0 $0x1  }
0x13: {  	[smem:$0x3FB8] =	sst s0;
	s0 =	simm.s32 @!p1 $0x0  }
0x14: {  	s2 =	sld [smem:$0x3F9C];
	s0 =	simm.s32 @p1 $0x1  }
0x15: {  	[smem:$0x3FB9] =	sst s0;
	s0 =	simm.s32 @!p2 $0x0  }
0x16: {  	s3 =	sld [smem:$0x3FDB];
	s0 =	simm.s32 @p2 $0x1  }
0x17: {  	s4 =	simm.s32 $0x1BF5;
	[smem:$0x3FBB] =	sst s0  }
0x18: {  	s0 =	sld [smem:$0x3F9E];
	_ =	swait.ge [sflag:s4], $0x0  }
0x19: {  	s7 =	sld [smem:$0x3F9F]  }
0x1a: {  	s8 =	sadd.s32 $0xFFFFE003, lr  }
0x1b: {  	s9 =	sadd.s32 $0xFFFFFEF7, lr;
	s5 =	simm.s32 $0xFFFFFFFF;
	p2 =	slt.u32 s8, $0xFFFFF086  }
0x1c: {  	p1 =	slt.u32 s9, $0xF7A;
	s5 =	simm.s32 @!p2 $0x0  }
0x1d: {  	s5 =	simm.s32 @p1 $0x1;
	p0 =	seq.s32 s7, s2  }
0x1e: {  	s7 =	smul.u32 @!p0 $0xF7A, s2;
	p2 =	seq.s32 @!p0 s5, $0x0  }
0x1f: {  	s9 =	smul.u32 $0xF7A, s1;
	s8 =	simm.s32 @!p0 $0x1BF5;
	p2 =	por !p2, p0  }
0x20: {  	[sflag:s8] =	ssyncset.s32 @!p0 $0xFFFFF086;
	s6 =	sadd.s32 @!p0 s3, s7;
	s7 =	simm.s32 @!p0 $0x108  }
0x21: {  	s3 =	sadd.s32 s3, s9;
	s6 =	sadd.s32 @!p0 $0x88, s6;
	s7 =	simm.s32 @p2 $0x1082  }
0x22: {  	[simem:s7], [sflag:s8] =	dma.local @!p0 [hbm:s6], $0xF7A  }
0x23: {  	s9 =	sor.u32 $0xD0000000, s2;
	s6 =	simm.s32 $0x108;
	_ =	swait.ge @!p0 [sflag:s8], $0x0  }
0x24: {  	s3 =	sadd.s32 $0x88, s3;
	s6 =	simm.s32 @!p1 $0x1082;
	[sflag:s4] =	ssyncset.s32 $0xFFFFF086  }
0x25: {  	[simem:s6], [sflag:s4] =	dma.local [hbm:s3], $0xF7A  }
0x26: {  	[smem:$0x3F9F] =	sst s1;
	(tag) =	ssettag s2;
	_ =	strace s9  }
0x27: {  	s1 =	sld [smem:$0x3FAF]  }
0x28: {  	s2 =	sld [smem:$0x3FB0]  }
0x29: {  	s4 =	sld [smem:$0x3FB2]  }
0x2a: {  	p0 =	seq.s32 s5, $0x0;
	s5 =	sld [smem:$0x3FB3]  }
0x2b: {  	s6 =	sld [smem:$0x3FB4]  }
0x2c: {  	s7 =	sld [smem:$0x3FB5]  }
0x2d: {  	s3 =	simm.s32 $0x108;
	s8 =	sld [smem:$0x3FB6]  }
0x2e: {  	s3 =	simm.s32 @!p0 $0x1082;
	s9 =	sld [smem:$0x3FB7]  }
0x2f: {  	lr =	sadd.s32 s0, s3;
	s0 =	sld [smem:$0x3FAE]  }
0x30: {  	s3 =	sld [smem:$0x3FB1]  }
0x31: {  	[smem:$0x3FBA] =	sst s10  }
0x32: {  	s10 =	sld [smem:$0x3FB8];
	_ =	sdelay $0x3  }
0x33: {  	p0 =	seq.s32 s10, $0x1;
	s10 =	sld [smem:$0x3FBA];
	_ =	sdelay $0x3  }
0x34: {  	[smem:$0x3FBA] =	sst s10  }
0x35: {  	s10 =	sld [smem:$0x3FB9];
	_ =	sdelay $0x3  }
0x36: {  	p1 =	seq.s32 s10, $0x1;
	s10 =	sld [smem:$0x3FBA];
	_ =	sdelay $0x3  }
0x37: {  	[smem:$0x3FBA] =	sst s10  }
0x38: {  	s10 =	sld [smem:$0x3FBB]  }
0x39: {  	_ = 	snop;
	(pc) =	sbr.ind lr, $3  }
0x3a: {  	_ = 	snop  }
0x3b: {  	_ = 	snop  }
0x3c: {  	p2 =	seq.s32 s10, $0x1;
	s10 =	sld [smem:$0x3FBA]  }
0x3d: {  	_ =	shalt  }
0x3e: {  	_ =	shalt  }
0x3f: {  	_ =	shalt  }
0x40: {  	_ =	shalt  }
0x41: {  	_ =	shalt  }
0x42: {  	_ =	shalt  }
0x43: {  	_ =	shalt  }
0x44: {  	_ =	shalt  }
0x45: {  	_ =	shalt  }
0x46: {  	_ =	shalt  }
0x47: {  	_ =	shalt  }
0x48: {  	_ =	shalt  }
0x49: {  	_ =	shalt  }
0x4a: {  	_ =	shalt  }
0x4b: {  	_ =	shalt  }
0x4c: {  	_ =	shalt  }
0x4d: {  	_ =	shalt  }
0x4e: {  	_ =	shalt  }
0x4f: {  	_ =	shalt  }
0x50: {  	_ =	shalt  }
0x51: {  	_ =	shalt  }
0x52: {  	_ =	shalt  }
0x53: {  	_ =	shalt  }
0x54: {  	_ =	shalt  }
0x55: {  	_ =	shalt  }
0x56: {  	_ =	shalt  }
0x57: {  	_ =	shalt  }
0x58: {  	_ =	shalt  }
0x59: {  	_ =	shalt  }
0x5a: {  	_ =	shalt  }
0x5b: {  	_ =	shalt  }
0x5c: {  	_ =	shalt  }
0x5d: {  	_ =	shalt  }
0x5e: {  	_ =	shalt  }
0x5f: {  	_ =	shalt  }
0x60: {  	_ =	shalt  }
0x61: {  	_ =	shalt  }
0x62: {  	_ =	shalt  }
0x63: {  	_ =	shalt  }
0x64: {  	_ =	shalt  }
0x65: {  	_ =	shalt  }
0x66: {  	_ =	shalt  }
0x67: {  	_ =	shalt  }
0x68: {  	_ =	shalt  }
0x69: {  	_ =	shalt  }
0x6a: {  	_ =	shalt  }
0x6b: {  	_ =	shalt  }
0x6c: {  	_ =	shalt  }
0x6d: {  	_ =	shalt  }
0x6e: {  	_ =	shalt  }
0x6f: {  	_ =	shalt  }
0x70: {  	_ =	shalt  }
0x71: {  	_ =	shalt  }
0x72: {  	_ =	shalt  }
0x73: {  	_ =	shalt  }
0x74: {  	_ =	shalt  }
0x75: {  	_ =	shalt  }
0x76: {  	_ =	shalt  }
0x77: {  	_ =	shalt  }
0x78: {  	_ =	shalt  }
0x79: {  	_ =	shalt  }
0x7a: {  	_ =	shalt  }
0x7b: {  	_ =	shalt  }
0x7c: {  	_ =	shalt  }
0x7d: {  	_ =	shalt  }
0x7e: {  	_ =	shalt  }
0x7f: {  	_ =	shalt  }
0x80: {  	_ =	shalt  }
0x81: {  	_ =	shalt  }
0x82: {  	_ =	shalt  }
0x83: {  	_ =	shalt  }
0x84: {  	_ =	shalt  }
0x85: {  	_ =	shalt  }
0x86: {  	_ =	shalt  }
0x87: {  	_ =	shalt  }
.Lfunc_end0:
.L_simem_size_0:
called_computation.1_lowered:
.L_overlay_start_0:
0x88: {  	s2 =	sld [smem:$0x3FD9]  }
0x89: {  	s3 =	sld [smem:$0x3FFE];
	_ =	sdelay $0x1  }
0x8a: {  	s1 =	srdreg.scid  }
0x8b: {  	s0 =	sand.u32 $0x1, s1  }
0x8c: {  	s17 =	sshll.u32 s0, $0xA;
	s2 =	sadd.s32 s3, s2  }
0x8d: {  	s2 =	sadd.s32 s2, s17  }
0x8e: {  	[smem:$0x3FC6] =	sst s2  }
0x8f: {  	_ = 	snop  }
0x90: {  	s2 =	sld [smem:$0x3FD0];
	(tm) =	ssettm $0x1  }
0x91: {  	s18 =	sld [smem:$0x3FFB];
	_ =	sdelay $0x3  }
0x92: {  	_ =	strace s18  }
0x93: {  	s3 =	sld [smem:$0x3FFC];
	_ =	sdelay $0x3  }
0x94: {  	_ =	strace s3  }
0x95: {  	s3 =	sld [smem:$0x3FFD];
	_ =	sdelay $0x3  }
0x96: {  	_ =	strace s3  }
0x97: {  	_ =	strace $0x8FFFFFFF  }
0x98: {  	s19 =	sld [smem:$0x3FDB];
	_ =	sdelay $0x1  }
0x99: {  	s4 =	simm.s32 $_scs_section_size  }
0x9a: {  	s5 =	simm.s32 $_size__tile_overlayer_lowered;
	s6 =	simm.s32 $_tile_overlayer_lowered  }
0x9b: {  	s22 =	simm.s32 $0x1BFF;
	s21 =	sshll.u32 s6, $0x1;
	s3 =	sadd.s32 s4, s19  }
0x9c: {  	s7 =	simm.s32 $0x0;
	s20 =	sshll.u32 s5, $0x1;
	s5 =	sadd.s32 s21, s3  }
0x9d: {  	[timem:s7], [sflag:s22] =	dma.local [hbm:s5], s20  }
0x9e: {  	_ =	swait.ge [sflag:s22], s20  }
0x9f: {  	s4 =	ssub.s32 $0x0, s20;
	[sflag:s22] =	ssyncset.done $0x0  }
0xa0: {  	[sflag:s22] =	ssyncadd.s32 s4;
	_ =	sdelay $0x1  }
0xa1: {  	s23 =	simm.s32 $0x1B8B  }
0xa2: {  	_ =	swait.ge [sflag:s23], $0x1  }
0xa3: {  	[sflag:s23] =	ssyncset.done $0x0  }
0xa4: {  	s25 =	simm.s32 $0x1B8E;
	s24 =	sld [smem:$0x3FFE];
	[sflag:s23] =	ssyncadd.s32 $0xFFFFFFFF  }
0xa5: {  	s26 =	simm.s32 $execute0_lowered;
	[smem:$0x3FD2] =	sst s25  }
0xa6: {  	s5 =	sshll.u32 s26, $0x1;
	_ =	strace $0x80000046;
	[dreg:$0x1] =	wrdreg $0xFFFFFFFF  }
0xa7: {  	s28 =	simm.s32 $_size_execute0_lowered;
	s3 =	sadd.s32 s3, s5;
	[dreg:$0x0] =	wrdreg $0x0  }
0xa8: {  	s5 =	sshll.u32 s28, $0x1;
	[dreg:$0x2] =	wrdreg s3  }
0xa9: {  	[dreg:$0x3] =	wrdreg s5  }
0xaa: {  	[dreg:$0x4] =	wrdreg $0xC0  }
0xab: {  	_ =	task [dreg:s7], $0x5FFFF  }
0xac: {  	[dreg:$0x1] =	wrdreg $0xFFFFFFFF  }
0xad: {  	[dreg:$0x0] =	wrdreg $0x60  }
0xae: {  	[dreg:$0x2] =	wrdreg s2  }
0xaf: {  	[dreg:$0x3] =	wrdreg s24  }
0xb0: {  	[dreg:$0x4] =	wrdreg $0x9  }
0xb1: {  	_ =	task.clear_ibuf [dreg:s7], $0x5FFFF;
	_ =	strace $0x90000046  }
0xb2: {  	s29 =	simm.s32 $0x9;
	_ =	strace $0x80000048  }
0xb3: {  	_ =	swait.ge [sflag:s29], $0x1  }
0xb4: {  	[sflag:s29] =	ssyncadd.s32 $0xFFFFFFFF  }
0xb5: {  	_ =	strace $0x90000048  }
0xb6: {  	_ =	sfence  }
0xb7: {  	s30 =	sld [smem:$0x0];
	_ =	sdelay $0x2  }
0xb8: {  	s31 =	sshll.u32 s1, $0xD;
	s1 =	sshrl.u32 s1, $0x2  }
0xb9: {  	s3 =	sand.u32 $0x4000, s31;
	s1 =	sadd.s32 s1, s30  }
0xba: {  	s0 =	sor.u32 s3, s0;
	s1 =	sshll.u32 s1, $0x11  }
0xbb: {  	s0 =	sor.u32 s1, s0  }
0xbc: {  	s0 =	sadd.s32 $0x8F2B, s0  }
0xbd: {  	[sflag:s0] =	ssyncadd.remote.s32 $0x1  }
0xbe: {  	_ =	sfence.sel $0xFFFF  }
0xbf: {  	[dreg:$0x0] =	wrdreg $0xFFFFFFFF;
	(pc) =	sbr.abs _section_cstart, $3  }
0xc0: {  	[dreg:$0x1] =	wrdreg $0xFFFFFFFF  }
0xc1: {  	_ =	task.clear_ibuf [dreg:s7], $0x2FFFF;
	_ =	strace $0x9FFFFFFF  }
0xc2: {  	(tm) =	ssettm $0x7FFFFFFF  }
0xc3: {  	_ =	shalt  }
tec
execute0_lowered:
.L_overlay_start_1:
0x0: {  	(tag) =	ssettag $0x1  }
0x1: {  	s0 =	rddreg [dreg:$0x0]  }
0x2: {  	s1 =	rddreg [dreg:$0x1]  }
0x3: {  	s3 =	srdreg.scid;
	s4 =	stileid.u32  }
0x4: {  	s2 =	simm.s32 $0x0;
	s28 =	simm.s32 $0x2;
	s30 =	simm.s32 $0x4  }
0x5: {  	s5 =	sand.u32 $0x1, s3;
	s24 =	sshll.u32 s4, $0x1;
	[smem:$0x7FF] =	sst s2  }
0x6: {  	s3 =	sadd.s32 $0x800, s1;
	s4 =	sadd.s32 $0xF42C00, s1;
	s6 =	sor.u32 s5, s24  }
0x7: {  	_ =	strace $0x80000047;
	s25 =	ssub.s32 $0x2, s5;
	s7 =	smul.u32 $0x1A0000, s6  }
0x8: {  	s5 =	sshrl.u32 s25, $0x1;
	s8 =	smul.u32 $0x640, s6;
	s26 =	sshll.u32 s6, $0x7  }
0x9: {  	s24 =	simm.s32 $0x1;
	s1 =	ssub.s32 s25, s5;
	[dreg:$0x3] =	wrdreg s26  }
0xa: {  	s26 =	simm.s32 $0x3;
	s7 =	sshrl.u32 s7, $0x3;
	s0 =	sadd.s32 s0, s8  }
0xb: {  	s31 =	smax.u32 s1, $0x1;
	s29 =	sadd.s32 s4, s7;
	[dreg:$0x4] =	wrdreg s0  }
0xc: {  	s1 =	simm.s32 $0x0;
	[dreg:$0x5] =	wrdreg s31;
	s7 =	sadd.s32 $0x2D800, s29  }
0xd: {  	s8 =	sadd.s32 $0x2DE80, s29;
	s9 =	sadd.s32 $0x2E500, s29;
	s10 =	sadd.s32 $0x2EB80, s29  }
0xe: {  	s11 =	sadd.s32 $0x2F200, s29;
	s12 =	sadd.s32 $0x2F880, s29;
	s13 =	sadd.s32 $0x2FF00, s29  }
0xf: {  	s14 =	sadd.s32 $0x30580, s29;
	s15 =	sadd.s32 $0x30C00, s29;
	s16 =	sadd.s32 $0x31280, s29  }
0x10: {  	s17 =	sadd.s32 $0x31900, s29;
	s18 =	sadd.s32 $0x31F80, s29;
	s19 =	sadd.s32 $0x32600, s29  }
0x11: {  	s20 =	sadd.s32 $0x32C80, s29;
	s21 =	sadd.s32 $0x33300, s29;
	s22 =	sadd.s32 $0x33980, s29  }
.LBB2_1:
0x12: {  	[dreg:$0x6] =	wrdreg s1  }
0x13: {  	s0 =	rddreg [dreg:$0x4];
	s6 =	simm.s32 $0x5  }
0x14: {  	[tilespmem:s2], [sflag:$0x5] =	stream.linear.gather [hbm4b:s0+s2], $0x3200, $0x38;
	[tilespmem:$0x1C200] =	vst v63  }
0x15: {  	_ =	swait.ge [sflag:s6], $0x3200  }
0x16: {  	[sflag:s6] =	ssyncset.done $0x0  }
0x17: {  	s23 =	simm.s32 $0x3200;
	s0 =	simm.s32 $0x80;
	[sflag:s6] =	ssyncadd.s32 $0xFFFFCE00  }
0x18: {  	[tilespmem:s23], [sflag:$0x1] =	stream.indirect.gather [hbm4b:s3+s0], $0x80, s2, s0, $0xb8;
	[tilespmem:$0x1C200] =	vst v63  }
0x19: {  	s25 =	simm.s32 $0x7200  }
0x1a: {  	[tilespmem:s25], [sflag:$0x1] =	stream.indirect.gather [hbm4b:s3+s0], $0x80, s0, s0, $0xb8;
	[tilespmem:$0x1C200] =	vst v63  }
0x1b: {  	s29 =	simm.s32 $0x100;
	s5 =	simm.s32 $0xB200  }
0x1c: {  	[tilespmem:s5], [sflag:$0x1] =	stream.indirect.gather [hbm4b:s3+s0], $0x80, s29, s0, $0xb8;
	[tilespmem:$0x1C200] =	vst v63  }
0x1d: {  	s1 =	simm.s32 $0x10;
	s31 =	simm.s32 $0x180;
	s6 =	simm.s32 $0xF200  }
0x1e: {  	[tilespmem:s6], [sflag:$0x1] =	stream.indirect.gather [hbm4b:s3+s1], $0x80, s31, s1, $0xb8;
	[tilespmem:$0x1C200] =	vst v63  }
0x1f: {  	s23 =	simm.s32 $0x190;
	s25 =	simm.s32 $0xFA00  }
0x20: {  	[tilespmem:s25], [sflag:$0x2] =	stream.indirect.gather [hbm4b:s3+s0], $0x80, s23, s0, $0xb8;
	[tilespmem:$0x1C200] =	vst v63  }
0x21: {  	s29 =	simm.s32 $0x210;
	s31 =	simm.s32 $0x13A00  }
0x22: {  	[tilespmem:s31], [sflag:$0x2] =	stream.indirect.gather [hbm4b:s3+s0], $0x80, s29, s0, $0xb8;
	[tilespmem:$0x1C200] =	vst v63  }
0x23: {  	s23 =	simm.s32 $0x290;
	s25 =	simm.s32 $0x17A00  }
0x24: {  	[tilespmem:s25], [sflag:$0x2] =	stream.indirect.gather [hbm4b:s3+s0], $0x80, s23, s0, $0xb8;
	[tilespmem:$0x1C200] =	vst v63  }
0x25: {  	s29 =	simm.s32 $0x310;
	s31 =	simm.s32 $0x1BA00  }
0x26: {  	[tilespmem:s31], [sflag:$0x2] =	stream.indirect.gather [hbm4b:s3+s1], $0x80, s29, s1, $0xb8;
	[tilespmem:$0x1C200] =	vst v63  }
0x27: {  	s1 =	simm.s32 $0x0  }
.LBB2_2:
0x28: {  	_ =	swait.ge [sflag:s24], $0x4000  }
0x29: {  	[sflag:s24] =	ssyncset.done $0x0  }
0x2a: {  	[sflag:s24] =	ssyncadd.s32 $0xFFFFC000  }
0x2b: {  	_ =	swait.ge [sflag:s24], $0x4000  }
0x2c: {  	[sflag:s24] =	ssyncset.done $0x0  }
0x2d: {  	[sflag:s24] =	ssyncadd.s32 $0xFFFFC000  }
0x2e: {  	_ =	swait.ge [sflag:s24], $0x4000  }
0x2f: {  	s0 =	sshll.u32 s1, $0x3;
	s5 =	rddreg [dreg:$0x3]  }
0x30: {  	[sflag:s24] =	ssyncset.done $0x0;
	s29 =	sor.u32 s5, s0  }
0x31: {  	[sflag:s24] =	ssyncadd.s32 $0xFFFFC000;
	s0 =	smul.u32 $0x680, s29  }
0x32: {  	s6 =	simm.s32 $0x3200;
	_ =	swait.ge [sflag:s24], $0x800  }
0x33: {  	s23 =	simm.s32 $0x10;
	[sflag:s24] =	ssyncset.done $0x0;
	s0 =	sadd.s32 s4, s0  }
0x34: {  	s5 =	simm.s32 $0x3280;
	[sflag:s24] =	ssyncadd.s32 $0xFFFFF800;
	s31 =	sadd.s32 $0x0, s0  }
.LBB2_3:
0x35: {  	[hbm4b:s31+s2] =	stream.linear.scatter [tilespmem:s6], [sflag:$0x3], $0x40, $0x38;
	[tilespmem:$0x1C200] =	vst v63  }
0x36: {  	s25 =	smov.u32 s23;
	s6 =	smov.u32 s5;
	p0 =	sne.s32 s23, $0x630  }
.Ltmp0:
0x37: {  	s23 =	sadd.s32 $0x10, s23;
	(pc) =	sbr.rel @p0 .LBB2_3-.Ltmp0, $2  }
0x38: {  	_ =	sdelay $0x2  }
0x39: {  	s5 =	sadd.s32 $0x80, s5;
	s31 =	sadd.s32 s25, s0  }
0x3a: {  	s0 =	smul.u32 $0x3400, s29  }
0x3b: {  	[hbm4b:s31+s2] =	stream.linear.scatter [tilespmem:s6], [sflag:$0x3], $0x40, $0x38;
	[tilespmem:$0x1C200] =	vst v63  }
0x3c: {  	s0 =	sshrl.u32 s0, $0x3  }
0x3d: {  	s0 =	sadd.s32 s4, s0  }
0x3e: {  	s23 =	simm.s32 $0x6400;
	s6 =	sadd.s32 $0x680, s0  }
0x3f: {  	s5 =	simm.s32 $0x10;
	s31 =	simm.s32 $0x6480;
	s25 =	sadd.s32 $0x0, s6  }
.LBB2_5:
0x40: {  	[hbm4b:s25+s2] =	stream.linear.scatter [tilespmem:s23], [sflag:$0x3], $0x40, $0x38;
	[tilespmem:$0x1C200] =	vst v63  }
0x41: {  	s25 =	smov.u32 s5;
	s23 =	smov.u32 s31;
	p0 =	sne.s32 s5, $0x630  }
.Ltmp1:
0x42: {  	s5 =	sadd.s32 $0x10, s5;
	(pc) =	sbr.rel @p0 .LBB2_5-.Ltmp1, $2  }
0x43: {  	_ =	sdelay $0x2  }
0x44: {  	s31 =	sadd.s32 $0x80, s31;
	s25 =	sadd.s32 s25, s6  }
0x45: {  	[hbm4b:s25+s2] =	stream.linear.scatter [tilespmem:s23], [sflag:$0x3], $0x40, $0x38;
	[tilespmem:$0x1C200] =	vst v63  }
0x46: {  	s6 =	sadd.s32 $0xD00, s0;
	s23 =	simm.s32 $0x9600  }
0x47: {  	s5 =	simm.s32 $0x10;
	s31 =	simm.s32 $0x9680;
	s25 =	sadd.s32 $0x0, s6  }
.LBB2_7:
0x48: {  	[hbm4b:s25+s2] =	stream.linear.scatter [tilespmem:s23], [sflag:$0x3], $0x40, $0x38;
	[tilespmem:$0x1C200] =	vst v63  }
0x49: {  	s25 =	smov.u32 s5;
	s23 =	smov.u32 s31;
	p0 =	sne.s32 s5, $0x630  }
.Ltmp2:
0x4a: {  	s5 =	sadd.s32 $0x10, s5;
	(pc) =	sbr.rel @p0 .LBB2_7-.Ltmp2, $2  }
0x4b: {  	_ =	sdelay $0x2  }
0x4c: {  	s31 =	sadd.s32 $0x80, s31;
	s25 =	sadd.s32 s25, s6  }
0x4d: {  	[hbm4b:s25+s2] =	stream.linear.scatter [tilespmem:s23], [sflag:$0x3], $0x40, $0x38;
	[tilespmem:$0x1C200] =	vst v63  }
0x4e: {  	s0 =	sadd.s32 $0x1380, s0;
	s6 =	simm.s32 $0xC800  }
0x4f: {  	s5 =	simm.s32 $0x10;
	s23 =	simm.s32 $0xC880;
	s25 =	sadd.s32 $0x0, s0  }
.LBB2_9:
0x50: {  	[hbm4b:s25+s2] =	stream.linear.scatter [tilespmem:s6], [sflag:$0x3], $0x40, $0x38;
	[tilespmem:$0x1C200] =	vst v63  }
0x51: {  	s25 =	smov.u32 s5;
	s6 =	smov.u32 s23;
	p0 =	sne.s32 s5, $0x630  }
.Ltmp3:
0x52: {  	s5 =	sadd.s32 $0x10, s5;
	(pc) =	sbr.rel @p0 .LBB2_9-.Ltmp3, $2  }
0x53: {  	_ =	sdelay $0x2  }
0x54: {  	s23 =	sadd.s32 $0x80, s23;
	s25 =	sadd.s32 s25, s0  }
0x55: {  	[hbm4b:s25+s2] =	stream.linear.scatter [tilespmem:s6], [sflag:$0x3], $0x40, $0x38;
	[tilespmem:$0x1C200] =	vst v63  }
0x56: {  	_ =	swait.ge [sflag:s26], $0x1900  }
0x57: {  	[sflag:s26] =	ssyncset.done $0x0  }
0x58: {  	[sflag:s26] =	ssyncadd.s32 $0xFFFFE700  }
0x59: {  	_ =	swait.ge [sflag:s26], $0x1900  }
0x5a: {  	[sflag:s26] =	ssyncset.done $0x0  }
0x5b: {  	[sflag:s26] =	ssyncadd.s32 $0xFFFFE700  }
0x5c: {  	_ =	swait.ge [sflag:s26], $0x1900  }
0x5d: {  	[sflag:s26] =	ssyncset.done $0x0  }
0x5e: {  	s0 =	smul.u32 $0xC80, s1;
	[sflag:s26] =	ssyncadd.s32 $0xFFFFE700  }
0x5f: {  	_ =	swait.ge [sflag:s26], $0x1900  }
0x60: {  	s6 =	simm.s32 $0x80;
	s0 =	sshra.s32 s0, $0x2;
	[sflag:s26] =	ssyncset.done $0x0  }
0x61: {  	s23 =	simm.s32 $0x3200;
	s5 =	sadd.s32 $0x320, s0;
	[sflag:s26] =	ssyncadd.s32 $0xFFFFE700  }
0x62: {  	[tilespmem:s23], [sflag:$0x1] =	stream.indirect.gather [hbm4b:s3+s6], $0x80, s5, s6, $0xb8;
	[tilespmem:$0x1C200] =	vst v63  }
0x63: {  	s25 =	simm.s32 $0x7200;
	s23 =	sadd.s32 $0x3A0, s0  }
0x64: {  	[tilespmem:s25], [sflag:$0x1] =	stream.indirect.gather [hbm4b:s3+s6], $0x80, s23, s6, $0xb8;
	[tilespmem:$0x1C200] =	vst v63  }
0x65: {  	s23 =	sadd.s32 $0x420, s0;
	s25 =	simm.s32 $0xB200  }
0x66: {  	[tilespmem:s25], [sflag:$0x1] =	stream.indirect.gather [hbm4b:s3+s6], $0x80, s23, s6, $0xb8;
	[tilespmem:$0x1C200] =	vst v63  }
0x67: {  	s6 =	sadd.s32 $0x4A0, s0;
	s23 =	simm.s32 $0x10;
	s25 =	simm.s32 $0xF200  }
0x68: {  	[tilespmem:s25], [sflag:$0x1] =	stream.indirect.gather [hbm4b:s3+s23], $0x80, s6, s23, $0xb8;
	[tilespmem:$0x1C200] =	vst v63  }
0x69: {  	_ =	swait.ge [sflag:s28], $0x4000  }
0x6a: {  	[sflag:s28] =	ssyncset.done $0x0  }
0x6b: {  	[sflag:s28] =	ssyncadd.s32 $0xFFFFC000  }
0x6c: {  	_ =	swait.ge [sflag:s28], $0x4000  }
0x6d: {  	[sflag:s28] =	ssyncset.done $0x0  }
0x6e: {  	[sflag:s28] =	ssyncadd.s32 $0xFFFFC000  }
0x6f: {  	_ =	swait.ge [sflag:s28], $0x4000  }
0x70: {  	s29 =	sor.u32 $0x4, s29;
	[sflag:s28] =	ssyncset.done $0x0  }
0x71: {  	s25 =	smul.u32 $0x680, s29;
	[sflag:s28] =	ssyncadd.s32 $0xFFFFC000  }
0x72: {  	s31 =	simm.s32 $0xFA80;
	_ =	swait.ge [sflag:s28], $0x800  }
0x73: {  	s5 =	simm.s32 $0x10;
	s6 =	sadd.s32 s4, s25;
	[sflag:s28] =	ssyncset.done $0x0  }
0x74: {  	s23 =	simm.s32 $0xFA00;
	s25 =	sadd.s32 $0x0, s6;
	[sflag:s28] =	ssyncadd.s32 $0xFFFFF800  }
.LBB2_11:
0x75: {  	[hbm4b:s25+s2] =	stream.linear.scatter [tilespmem:s23], [sflag:$0x4], $0x40, $0x38;
	[tilespmem:$0x1C200] =	vst v63  }
0x76: {  	s25 =	smov.u32 s5;
	s23 =	smov.u32 s31;
	p0 =	sne.s32 s5, $0x630  }
.Ltmp4:
0x77: {  	s5 =	sadd.s32 $0x10, s5;
	(pc) =	sbr.rel @p0 .LBB2_11-.Ltmp4, $2  }
0x78: {  	_ =	sdelay $0x2  }
0x79: {  	s31 =	sadd.s32 $0x80, s31;
	s25 =	sadd.s32 s25, s6  }
0x7a: {  	s5 =	smul.u32 $0x3400, s29  }
0x7b: {  	[hbm4b:s25+s2] =	stream.linear.scatter [tilespmem:s23], [sflag:$0x4], $0x40, $0x38;
	[tilespmem:$0x1C200] =	vst v63  }
0x7c: {  	s5 =	sshrl.u32 s5, $0x3  }
0x7d: {  	s29 =	sadd.s32 s4, s5  }
0x7e: {  	s23 =	simm.s32 $0x12C00;
	s6 =	sadd.s32 $0x680, s29  }
0x7f: {  	s31 =	simm.s32 $0x12C80;
	s5 =	simm.s32 $0x10;
	s25 =	sadd.s32 $0x0, s6  }
.LBB2_13:
0x80: {  	[hbm4b:s25+s2] =	stream.linear.scatter [tilespmem:s23], [sflag:$0x4], $0x40, $0x38;
	[tilespmem:$0x1C200] =	vst v63  }
0x81: {  	s25 =	smov.u32 s5;
	s23 =	smov.u32 s31;
	p0 =	sne.s32 s5, $0x630  }
.Ltmp5:
0x82: {  	s5 =	sadd.s32 $0x10, s5;
	(pc) =	sbr.rel @p0 .LBB2_13-.Ltmp5, $2  }
0x83: {  	_ =	sdelay $0x2  }
0x84: {  	s31 =	sadd.s32 $0x80, s31;
	s25 =	sadd.s32 s25, s6  }
0x85: {  	[hbm4b:s25+s2] =	stream.linear.scatter [tilespmem:s23], [sflag:$0x4], $0x40, $0x38;
	[tilespmem:$0x1C200] =	vst v63  }
0x86: {  	s6 =	sadd.s32 $0xD00, s29;
	s23 =	simm.s32 $0x15E00  }
0x87: {  	s5 =	simm.s32 $0x10;
	s31 =	simm.s32 $0x15E80;
	s25 =	sadd.s32 $0x0, s6  }
.LBB2_15:
0x88: {  	[hbm4b:s25+s2] =	stream.linear.scatter [tilespmem:s23], [sflag:$0x4], $0x40, $0x38;
	[tilespmem:$0x1C200] =	vst v63  }
0x89: {  	s25 =	smov.u32 s5;
	s23 =	smov.u32 s31;
	p0 =	sne.s32 s5, $0x630  }
.Ltmp6:
0x8a: {  	s5 =	sadd.s32 $0x10, s5;
	(pc) =	sbr.rel @p0 .LBB2_15-.Ltmp6, $2  }
0x8b: {  	_ =	sdelay $0x2  }
0x8c: {  	s31 =	sadd.s32 $0x80, s31;
	s25 =	sadd.s32 s25, s6  }
0x8d: {  	[hbm4b:s25+s2] =	stream.linear.scatter [tilespmem:s23], [sflag:$0x4], $0x40, $0x38;
	[tilespmem:$0x1C200] =	vst v63  }
0x8e: {  	s6 =	sadd.s32 $0x1380, s29;
	s23 =	simm.s32 $0x19000  }
0x8f: {  	s5 =	simm.s32 $0x10;
	s29 =	simm.s32 $0x19080;
	s25 =	sadd.s32 $0x0, s6  }
.LBB2_17:
0x90: {  	[hbm4b:s25+s2] =	stream.linear.scatter [tilespmem:s23], [sflag:$0x4], $0x40, $0x38;
	[tilespmem:$0x1C200] =	vst v63  }
0x91: {  	s25 =	smov.u32 s5;
	s23 =	smov.u32 s29;
	p0 =	sne.s32 s5, $0x630  }
.Ltmp7:
0x92: {  	s5 =	sadd.s32 $0x10, s5;
	(pc) =	sbr.rel @p0 .LBB2_17-.Ltmp7, $2  }
0x93: {  	_ =	sdelay $0x2  }
0x94: {  	s29 =	sadd.s32 $0x80, s29;
	s25 =	sadd.s32 s25, s6  }
0x95: {  	[hbm4b:s25+s2] =	stream.linear.scatter [tilespmem:s23], [sflag:$0x4], $0x40, $0x38;
	[tilespmem:$0x1C200] =	vst v63  }
0x96: {  	_ =	swait.ge [sflag:s30], $0x1900  }
0x97: {  	[sflag:s30] =	ssyncset.done $0x0  }
0x98: {  	[sflag:s30] =	ssyncadd.s32 $0xFFFFE700  }
0x99: {  	_ =	swait.ge [sflag:s30], $0x1900  }
0x9a: {  	[sflag:s30] =	ssyncset.done $0x0  }
0x9b: {  	[sflag:s30] =	ssyncadd.s32 $0xFFFFE700  }
0x9c: {  	_ =	swait.ge [sflag:s30], $0x1900  }
0x9d: {  	[sflag:s30] =	ssyncset.done $0x0  }
0x9e: {  	[sflag:s30] =	ssyncadd.s32 $0xFFFFE700  }
0x9f: {  	_ =	swait.ge [sflag:s30], $0x1900  }
0xa0: {  	s5 =	sadd.s32 $0x4B0, s0;
	s6 =	simm.s32 $0x80;
	[sflag:s30] =	ssyncset.done $0x0  }
0xa1: {  	s31 =	simm.s32 $0xFA00;
	s1 =	sadd.s32 $0x1, s1;
	[sflag:s30] =	ssyncadd.s32 $0xFFFFE700  }
0xa2: {  	[tilespmem:s31], [sflag:$0x2] =	stream.indirect.gather [hbm4b:s3+s6], $0x80, s5, s6, $0xb8;
	[tilespmem:$0x1C200] =	vst v63  }
0xa3: {  	s23 =	sadd.s32 $0x530, s0;
	s25 =	simm.s32 $0x13A00;
	p0 =	sne.s32 s1, $0xE  }
0xa4: {  	[tilespmem:s25], [sflag:$0x2] =	stream.indirect.gather [hbm4b:s3+s6], $0x80, s23, s6, $0xb8;
	[tilespmem:$0x1C200] =	vst v63  }
.Ltmp8:
0xa5: {  	_ = 	snop;
	(pc) =	sbr.rel @p0 .LBB2_2-.Ltmp8, $4  }
0xa6: {  	s29 =	sadd.s32 $0x5B0, s0;
	s31 =	simm.s32 $0x17A00  }
0xa7: {  	[tilespmem:s31], [sflag:$0x2] =	stream.indirect.gather [hbm4b:s3+s6], $0x80, s29, s6, $0xb8;
	[tilespmem:$0x1C200] =	vst v63  }
0xa8: {  	s25 =	sadd.s32 $0x630, s0;
	s29 =	simm.s32 $0x10;
	s31 =	simm.s32 $0x1BA00  }
0xa9: {  	[tilespmem:s31], [sflag:$0x2] =	stream.indirect.gather [hbm4b:s3+s29], $0x80, s25, s29, $0xb8;
	[tilespmem:$0x1C200] =	vst v63  }
0xaa: {  	_ =	swait.ge [sflag:s24], $0x4000  }
0xab: {  	[sflag:s24] =	ssyncset.done $0x0  }
0xac: {  	[sflag:s24] =	ssyncadd.s32 $0xFFFFC000  }
0xad: {  	_ =	swait.ge [sflag:s24], $0x4000  }
0xae: {  	[sflag:s24] =	ssyncset.done $0x0  }
0xaf: {  	[sflag:s24] =	ssyncadd.s32 $0xFFFFC000  }
0xb0: {  	_ =	swait.ge [sflag:s24], $0x4000  }
0xb1: {  	[sflag:s24] =	ssyncset.done $0x0  }
0xb2: {  	[sflag:s24] =	ssyncadd.s32 $0xFFFFC000  }
0xb3: {  	_ =	swait.ge [sflag:s24], $0x800  }
0xb4: {  	s0 =	simm.s32 $0x3200;
	s1 =	simm.s32 $0x10;
	[sflag:s24] =	ssyncset.done $0x0  }
0xb5: {  	s6 =	sadd.s32 $0x0, s7;
	s5 =	simm.s32 $0x3280;
	[sflag:s24] =	ssyncadd.s32 $0xFFFFF800  }
.LBB2_20:
0xb6: {  	[hbm4b:s6+s2] =	stream.linear.scatter [tilespmem:s0], [sflag:$0x3], $0x40, $0x38;
	[tilespmem:$0x1C200] =	vst v63  }
0xb7: {  	s6 =	smov.u32 s1;
	s0 =	smov.u32 s5;
	p0 =	sne.s32 s1, $0x630  }
.Ltmp9:
0xb8: {  	s1 =	sadd.s32 $0x10, s1;
	(pc) =	sbr.rel @p0 .LBB2_20-.Ltmp9, $2  }
0xb9: {  	_ =	sdelay $0x2  }
0xba: {  	s5 =	sadd.s32 $0x80, s5;
	s6 =	sadd.s32 s6, s7  }
0xbb: {  	[hbm4b:s6+s2] =	stream.linear.scatter [tilespmem:s0], [sflag:$0x3], $0x40, $0x38;
	[tilespmem:$0x1C200] =	vst v63  }
0xbc: {  	s0 =	simm.s32 $0x6400  }
0xbd: {  	s1 =	simm.s32 $0x10;
	s6 =	sadd.s32 $0x0, s8;
	s5 =	simm.s32 $0x6480  }
.LBB2_22:
0xbe: {  	[hbm4b:s6+s2] =	stream.linear.scatter [tilespmem:s0], [sflag:$0x3], $0x40, $0x38;
	[tilespmem:$0x1C200] =	vst v63  }
0xbf: {  	s6 =	smov.u32 s1;
	s0 =	smov.u32 s5;
	p0 =	sne.s32 s1, $0x630  }
.Ltmp10:
0xc0: {  	s1 =	sadd.s32 $0x10, s1;
	(pc) =	sbr.rel @p0 .LBB2_22-.Ltmp10, $2  }
0xc1: {  	_ =	sdelay $0x2  }
0xc2: {  	s5 =	sadd.s32 $0x80, s5;
	s6 =	sadd.s32 s6, s8  }
0xc3: {  	[hbm4b:s6+s2] =	stream.linear.scatter [tilespmem:s0], [sflag:$0x3], $0x40, $0x38;
	[tilespmem:$0x1C200] =	vst v63  }
0xc4: {  	s0 =	simm.s32 $0x9600  }
0xc5: {  	s1 =	simm.s32 $0x10;
	s6 =	sadd.s32 $0x0, s9;
	s5 =	simm.s32 $0x9680  }
.LBB2_24:
0xc6: {  	[hbm4b:s6+s2] =	stream.linear.scatter [tilespmem:s0], [sflag:$0x3], $0x40, $0x38;
	[tilespmem:$0x1C200] =	vst v63  }
0xc7: {  	s6 =	smov.u32 s1;
	s0 =	smov.u32 s5;
	p0 =	sne.s32 s1, $0x630  }
.Ltmp11:
0xc8: {  	s1 =	sadd.s32 $0x10, s1;
	(pc) =	sbr.rel @p0 .LBB2_24-.Ltmp11, $2  }
0xc9: {  	_ =	sdelay $0x2  }
0xca: {  	s5 =	sadd.s32 $0x80, s5;
	s6 =	sadd.s32 s6, s9  }
0xcb: {  	[hbm4b:s6+s2] =	stream.linear.scatter [tilespmem:s0], [sflag:$0x3], $0x40, $0x38;
	[tilespmem:$0x1C200] =	vst v63  }
0xcc: {  	s0 =	simm.s32 $0xC800  }
0xcd: {  	s1 =	simm.s32 $0x10;
	s6 =	sadd.s32 $0x0, s10;
	s5 =	simm.s32 $0xC880  }
.LBB2_26:
0xce: {  	[hbm4b:s6+s2] =	stream.linear.scatter [tilespmem:s0], [sflag:$0x3], $0x40, $0x38;
	[tilespmem:$0x1C200] =	vst v63  }
0xcf: {  	s6 =	smov.u32 s1;
	s0 =	smov.u32 s5;
	p0 =	sne.s32 s1, $0x630  }
.Ltmp12:
0xd0: {  	s1 =	sadd.s32 $0x10, s1;
	(pc) =	sbr.rel @p0 .LBB2_26-.Ltmp12, $2  }
0xd1: {  	_ =	sdelay $0x2  }
0xd2: {  	s5 =	sadd.s32 $0x80, s5;
	s6 =	sadd.s32 s6, s10  }
0xd3: {  	[hbm4b:s6+s2] =	stream.linear.scatter [tilespmem:s0], [sflag:$0x3], $0x40, $0x38;
	[tilespmem:$0x1C200] =	vst v63  }
0xd4: {  	_ =	swait.ge [sflag:s26], $0x1900  }
0xd5: {  	[sflag:s26] =	ssyncset.done $0x0  }
0xd6: {  	[sflag:s26] =	ssyncadd.s32 $0xFFFFE700  }
0xd7: {  	_ =	swait.ge [sflag:s26], $0x1900  }
0xd8: {  	[sflag:s26] =	ssyncset.done $0x0  }
0xd9: {  	[sflag:s26] =	ssyncadd.s32 $0xFFFFE700  }
0xda: {  	_ =	swait.ge [sflag:s26], $0x1900  }
0xdb: {  	[sflag:s26] =	ssyncset.done $0x0  }
0xdc: {  	[sflag:s26] =	ssyncadd.s32 $0xFFFFE700  }
0xdd: {  	_ =	swait.ge [sflag:s26], $0x1900  }
0xde: {  	s25 =	simm.s32 $0x80;
	[sflag:s26] =	ssyncset.done $0x0  }
0xdf: {  	s1 =	simm.s32 $0x3200;
	s5 =	simm.s32 $0x2EE0;
	[sflag:s26] =	ssyncadd.s32 $0xFFFFE700  }
0xe0: {  	[tilespmem:s1], [sflag:$0x1] =	stream.indirect.gather [hbm4b:s3+s25], $0x80, s5, s25, $0xb8;
	[tilespmem:$0x1C200] =	vst v63  }
0xe1: {  	s29 =	simm.s32 $0x7200;
	s31 =	simm.s32 $0x2F60  }
0xe2: {  	[tilespmem:s29], [sflag:$0x1] =	stream.indirect.gather [hbm4b:s3+s25], $0x80, s31, s25, $0xb8;
	[tilespmem:$0x1C200] =	vst v63  }
0xe3: {  	s6 =	simm.s32 $0xB200;
	s23 =	simm.s32 $0x2FE0  }
0xe4: {  	[tilespmem:s6], [sflag:$0x1] =	stream.indirect.gather [hbm4b:s3+s25], $0x80, s23, s25, $0xb8;
	[tilespmem:$0x1C200] =	vst v63  }
0xe5: {  	s29 =	simm.s32 $0xF200;
	s31 =	simm.s32 $0x3060;
	s25 =	simm.s32 $0x10  }
0xe6: {  	[tilespmem:s29], [sflag:$0x1] =	stream.indirect.gather [hbm4b:s3+s25], $0x80, s31, s25, $0xb8;
	[tilespmem:$0x1C200] =	vst v63  }
0xe7: {  	_ =	swait.ge [sflag:s28], $0x4000  }
0xe8: {  	[sflag:s28] =	ssyncset.done $0x0  }
0xe9: {  	[sflag:s28] =	ssyncadd.s32 $0xFFFFC000  }
0xea: {  	_ =	swait.ge [sflag:s28], $0x4000  }
0xeb: {  	[sflag:s28] =	ssyncset.done $0x0  }
0xec: {  	[sflag:s28] =	ssyncadd.s32 $0xFFFFC000  }
0xed: {  	_ =	swait.ge [sflag:s28], $0x4000  }
0xee: {  	[sflag:s28] =	ssyncset.done $0x0  }
0xef: {  	[sflag:s28] =	ssyncadd.s32 $0xFFFFC000  }
0xf0: {  	_ =	swait.ge [sflag:s28], $0x800  }
0xf1: {  	s0 =	simm.s32 $0xFA00;
	s1 =	simm.s32 $0x10;
	[sflag:s28] =	ssyncset.done $0x0  }
0xf2: {  	s5 =	simm.s32 $0xFA80;
	s6 =	sadd.s32 $0x0, s11;
	[sflag:s28] =	ssyncadd.s32 $0xFFFFF800  }
.LBB2_28:
0xf3: {  	[hbm4b:s6+s2] =	stream.linear.scatter [tilespmem:s0], [sflag:$0x4], $0x40, $0x38;
	[tilespmem:$0x1C200] =	vst v63  }
0xf4: {  	s6 =	smov.u32 s1;
	s0 =	smov.u32 s5;
	p0 =	sne.s32 s1, $0x630  }
.Ltmp13:
0xf5: {  	s1 =	sadd.s32 $0x10, s1;
	(pc) =	sbr.rel @p0 .LBB2_28-.Ltmp13, $2  }
0xf6: {  	_ =	sdelay $0x2  }
0xf7: {  	s5 =	sadd.s32 $0x80, s5;
	s6 =	sadd.s32 s6, s11  }
0xf8: {  	[hbm4b:s6+s2] =	stream.linear.scatter [tilespmem:s0], [sflag:$0x4], $0x40, $0x38;
	[tilespmem:$0x1C200] =	vst v63  }
0xf9: {  	s0 =	simm.s32 $0x12C00  }
0xfa: {  	s1 =	simm.s32 $0x10;
	s6 =	sadd.s32 $0x0, s12;
	s5 =	simm.s32 $0x12C80  }
.LBB2_30:
0xfb: {  	[hbm4b:s6+s2] =	stream.linear.scatter [tilespmem:s0], [sflag:$0x4], $0x40, $0x38;
	[tilespmem:$0x1C200] =	vst v63  }
0xfc: {  	s6 =	smov.u32 s1;
	s0 =	smov.u32 s5;
	p0 =	sne.s32 s1, $0x630  }
.Ltmp14:
0xfd: {  	s1 =	sadd.s32 $0x10, s1;
	(pc) =	sbr.rel @p0 .LBB2_30-.Ltmp14, $2  }
0xfe: {  	_ =	sdelay $0x2  }
0xff: {  	s5 =	sadd.s32 $0x80, s5;
	s6 =	sadd.s32 s6, s12  }
0x100: {  	[hbm4b:s6+s2] =	stream.linear.scatter [tilespmem:s0], [sflag:$0x4], $0x40, $0x38;
	[tilespmem:$0x1C200] =	vst v63  }
0x101: {  	s0 =	simm.s32 $0x15E00  }
0x102: {  	s1 =	simm.s32 $0x10;
	s6 =	sadd.s32 $0x0, s13;
	s5 =	simm.s32 $0x15E80  }
.LBB2_32:
0x103: {  	[hbm4b:s6+s2] =	stream.linear.scatter [tilespmem:s0], [sflag:$0x4], $0x40, $0x38;
	[tilespmem:$0x1C200] =	vst v63  }
0x104: {  	s6 =	smov.u32 s1;
	s0 =	smov.u32 s5;
	p0 =	sne.s32 s1, $0x630  }
.Ltmp15:
0x105: {  	s1 =	sadd.s32 $0x10, s1;
	(pc) =	sbr.rel @p0 .LBB2_32-.Ltmp15, $2  }
0x106: {  	_ =	sdelay $0x2  }
0x107: {  	s5 =	sadd.s32 $0x80, s5;
	s6 =	sadd.s32 s6, s13  }
0x108: {  	[hbm4b:s6+s2] =	stream.linear.scatter [tilespmem:s0], [sflag:$0x4], $0x40, $0x38;
	[tilespmem:$0x1C200] =	vst v63  }
0x109: {  	s0 =	simm.s32 $0x19000  }
0x10a: {  	s1 =	simm.s32 $0x10;
	s6 =	sadd.s32 $0x0, s14;
	s5 =	simm.s32 $0x19080  }
.LBB2_34:
0x10b: {  	[hbm4b:s6+s2] =	stream.linear.scatter [tilespmem:s0], [sflag:$0x4], $0x40, $0x38;
	[tilespmem:$0x1C200] =	vst v63  }
0x10c: {  	s6 =	smov.u32 s1;
	s0 =	smov.u32 s5;
	p0 =	sne.s32 s1, $0x630  }
.Ltmp16:
0x10d: {  	s1 =	sadd.s32 $0x10, s1;
	(pc) =	sbr.rel @p0 .LBB2_34-.Ltmp16, $2  }
0x10e: {  	_ =	sdelay $0x2  }
0x10f: {  	s5 =	sadd.s32 $0x80, s5;
	s6 =	sadd.s32 s6, s14  }
0x110: {  	[hbm4b:s6+s2] =	stream.linear.scatter [tilespmem:s0], [sflag:$0x4], $0x40, $0x38;
	[tilespmem:$0x1C200] =	vst v63  }
0x111: {  	_ =	swait.ge [sflag:s30], $0x1900  }
0x112: {  	[sflag:s30] =	ssyncset.done $0x0  }
0x113: {  	[sflag:s30] =	ssyncadd.s32 $0xFFFFE700  }
0x114: {  	_ =	swait.ge [sflag:s30], $0x1900  }
0x115: {  	[sflag:s30] =	ssyncset.done $0x0  }
0x116: {  	[sflag:s30] =	ssyncadd.s32 $0xFFFFE700  }
0x117: {  	_ =	swait.ge [sflag:s30], $0x1900  }
0x118: {  	[sflag:s30] =	ssyncset.done $0x0  }
0x119: {  	[sflag:s30] =	ssyncadd.s32 $0xFFFFE700  }
0x11a: {  	_ =	swait.ge [sflag:s30], $0x1900  }
0x11b: {  	s25 =	simm.s32 $0x80;
	[sflag:s30] =	ssyncset.done $0x0  }
0x11c: {  	s1 =	simm.s32 $0xFA00;
	s5 =	simm.s32 $0x3070;
	[sflag:s30] =	ssyncadd.s32 $0xFFFFE700  }
0x11d: {  	[tilespmem:s1], [sflag:$0x2] =	stream.indirect.gather [hbm4b:s3+s25], $0x80, s5, s25, $0xb8;
	[tilespmem:$0x1C200] =	vst v63  }
0x11e: {  	s29 =	simm.s32 $0x13A00;
	s31 =	simm.s32 $0x30F0  }
0x11f: {  	[tilespmem:s29], [sflag:$0x2] =	stream.indirect.gather [hbm4b:s3+s25], $0x80, s31, s25, $0xb8;
	[tilespmem:$0x1C200] =	vst v63  }
0x120: {  	s6 =	simm.s32 $0x17A00;
	s23 =	simm.s32 $0x3170  }
0x121: {  	[tilespmem:s6], [sflag:$0x2] =	stream.indirect.gather [hbm4b:s3+s25], $0x80, s23, s25, $0xb8;
	[tilespmem:$0x1C200] =	vst v63  }
0x122: {  	s29 =	simm.s32 $0x1BA00;
	s31 =	simm.s32 $0x31F0;
	s25 =	simm.s32 $0x10  }
0x123: {  	[tilespmem:s29], [sflag:$0x2] =	stream.indirect.gather [hbm4b:s3+s25], $0x80, s31, s25, $0xb8;
	[tilespmem:$0x1C200] =	vst v63  }
0x124: {  	_ =	swait.ge [sflag:s24], $0x4000  }
0x125: {  	[sflag:s24] =	ssyncset.done $0x0  }
0x126: {  	[sflag:s24] =	ssyncadd.s32 $0xFFFFC000  }
0x127: {  	_ =	swait.ge [sflag:s24], $0x4000  }
0x128: {  	[sflag:s24] =	ssyncset.done $0x0  }
0x129: {  	[sflag:s24] =	ssyncadd.s32 $0xFFFFC000  }
0x12a: {  	_ =	swait.ge [sflag:s24], $0x4000  }
0x12b: {  	[sflag:s24] =	ssyncset.done $0x0  }
0x12c: {  	[sflag:s24] =	ssyncadd.s32 $0xFFFFC000  }
0x12d: {  	_ =	swait.ge [sflag:s24], $0x800  }
0x12e: {  	s0 =	simm.s32 $0x3200;
	s1 =	simm.s32 $0x10;
	[sflag:s24] =	ssyncset.done $0x0  }
0x12f: {  	s5 =	simm.s32 $0x3280;
	s6 =	sadd.s32 $0x0, s15;
	[sflag:s24] =	ssyncadd.s32 $0xFFFFF800  }
.LBB2_36:
0x130: {  	[hbm4b:s6+s2] =	stream.linear.scatter [tilespmem:s0], [sflag:$0x3], $0x40, $0x38;
	[tilespmem:$0x1C200] =	vst v63  }
0x131: {  	s6 =	smov.u32 s1;
	s0 =	smov.u32 s5;
	p0 =	sne.s32 s1, $0x630  }
.Ltmp17:
0x132: {  	s1 =	sadd.s32 $0x10, s1;
	(pc) =	sbr.rel @p0 .LBB2_36-.Ltmp17, $2  }
0x133: {  	_ =	sdelay $0x2  }
0x134: {  	s5 =	sadd.s32 $0x80, s5;
	s6 =	sadd.s32 s6, s15  }
0x135: {  	[hbm4b:s6+s2] =	stream.linear.scatter [tilespmem:s0], [sflag:$0x3], $0x40, $0x38;
	[tilespmem:$0x1C200] =	vst v63  }
0x136: {  	s0 =	simm.s32 $0x6400  }
0x137: {  	s1 =	simm.s32 $0x10;
	s6 =	sadd.s32 $0x0, s16;
	s5 =	simm.s32 $0x6480  }
.LBB2_38:
0x138: {  	[hbm4b:s6+s2] =	stream.linear.scatter [tilespmem:s0], [sflag:$0x3], $0x40, $0x38;
	[tilespmem:$0x1C200] =	vst v63  }
0x139: {  	s6 =	smov.u32 s1;
	s0 =	smov.u32 s5;
	p0 =	sne.s32 s1, $0x630  }
.Ltmp18:
0x13a: {  	s1 =	sadd.s32 $0x10, s1;
	(pc) =	sbr.rel @p0 .LBB2_38-.Ltmp18, $2  }
0x13b: {  	_ =	sdelay $0x2  }
0x13c: {  	s5 =	sadd.s32 $0x80, s5;
	s6 =	sadd.s32 s6, s16  }
0x13d: {  	[hbm4b:s6+s2] =	stream.linear.scatter [tilespmem:s0], [sflag:$0x3], $0x40, $0x38;
	[tilespmem:$0x1C200] =	vst v63  }
0x13e: {  	s0 =	simm.s32 $0x9600  }
0x13f: {  	s1 =	simm.s32 $0x10;
	s6 =	sadd.s32 $0x0, s17;
	s5 =	simm.s32 $0x9680  }
.LBB2_40:
0x140: {  	[hbm4b:s6+s2] =	stream.linear.scatter [tilespmem:s0], [sflag:$0x3], $0x40, $0x38;
	[tilespmem:$0x1C200] =	vst v63  }
0x141: {  	s6 =	smov.u32 s1;
	s0 =	smov.u32 s5;
	p0 =	sne.s32 s1, $0x630  }
.Ltmp19:
0x142: {  	s1 =	sadd.s32 $0x10, s1;
	(pc) =	sbr.rel @p0 .LBB2_40-.Ltmp19, $2  }
0x143: {  	_ =	sdelay $0x2  }
0x144: {  	s5 =	sadd.s32 $0x80, s5;
	s6 =	sadd.s32 s6, s17  }
0x145: {  	[hbm4b:s6+s2] =	stream.linear.scatter [tilespmem:s0], [sflag:$0x3], $0x40, $0x38;
	[tilespmem:$0x1C200] =	vst v63  }
0x146: {  	s0 =	simm.s32 $0xC800  }
0x147: {  	s1 =	simm.s32 $0x10;
	s6 =	sadd.s32 $0x0, s18;
	s5 =	simm.s32 $0xC880  }
.LBB2_42:
0x148: {  	[hbm4b:s6+s2] =	stream.linear.scatter [tilespmem:s0], [sflag:$0x3], $0x40, $0x38;
	[tilespmem:$0x1C200] =	vst v63  }
0x149: {  	s6 =	smov.u32 s1;
	s0 =	smov.u32 s5;
	p0 =	sne.s32 s1, $0x630  }
.Ltmp20:
0x14a: {  	s1 =	sadd.s32 $0x10, s1;
	(pc) =	sbr.rel @p0 .LBB2_42-.Ltmp20, $2  }
0x14b: {  	_ =	sdelay $0x2  }
0x14c: {  	s5 =	sadd.s32 $0x80, s5;
	s6 =	sadd.s32 s6, s18  }
0x14d: {  	[hbm4b:s6+s2] =	stream.linear.scatter [tilespmem:s0], [sflag:$0x3], $0x40, $0x38;
	[tilespmem:$0x1C200] =	vst v63  }
0x14e: {  	_ =	swait.ge [sflag:s28], $0x4000  }
0x14f: {  	[sflag:s28] =	ssyncset.done $0x0  }
0x150: {  	[sflag:s28] =	ssyncadd.s32 $0xFFFFC000  }
0x151: {  	_ =	swait.ge [sflag:s28], $0x4000  }
0x152: {  	[sflag:s28] =	ssyncset.done $0x0  }
0x153: {  	[sflag:s28] =	ssyncadd.s32 $0xFFFFC000  }
0x154: {  	_ =	swait.ge [sflag:s28], $0x4000  }
0x155: {  	[sflag:s28] =	ssyncset.done $0x0  }
0x156: {  	[sflag:s28] =	ssyncadd.s32 $0xFFFFC000  }
0x157: {  	_ =	swait.ge [sflag:s28], $0x800  }
0x158: {  	s0 =	simm.s32 $0xFA00;
	s1 =	simm.s32 $0x10;
	[sflag:s28] =	ssyncset.done $0x0  }
0x159: {  	s6 =	sadd.s32 $0x0, s19;
	s5 =	simm.s32 $0xFA80;
	[sflag:s28] =	ssyncadd.s32 $0xFFFFF800  }
.LBB2_44:
0x15a: {  	[hbm4b:s6+s2] =	stream.linear.scatter [tilespmem:s0], [sflag:$0x4], $0x40, $0x38;
	[tilespmem:$0x1C200] =	vst v63  }
0x15b: {  	s6 =	smov.u32 s1;
	s0 =	smov.u32 s5;
	p0 =	sne.s32 s1, $0x630  }
.Ltmp21:
0x15c: {  	s1 =	sadd.s32 $0x10, s1;
	(pc) =	sbr.rel @p0 .LBB2_44-.Ltmp21, $2  }
0x15d: {  	_ =	sdelay $0x2  }
0x15e: {  	s5 =	sadd.s32 $0x80, s5;
	s6 =	sadd.s32 s6, s19  }
0x15f: {  	[hbm4b:s6+s2] =	stream.linear.scatter [tilespmem:s0], [sflag:$0x4], $0x40, $0x38;
	[tilespmem:$0x1C200] =	vst v63  }
0x160: {  	s0 =	simm.s32 $0x12C00  }
0x161: {  	s1 =	simm.s32 $0x10;
	s6 =	sadd.s32 $0x0, s20;
	s5 =	simm.s32 $0x12C80  }
.LBB2_46:
0x162: {  	[hbm4b:s6+s2] =	stream.linear.scatter [tilespmem:s0], [sflag:$0x4], $0x40, $0x38;
	[tilespmem:$0x1C200] =	vst v63  }
0x163: {  	s6 =	smov.u32 s1;
	s0 =	smov.u32 s5;
	p0 =	sne.s32 s1, $0x630  }
.Ltmp22:
0x164: {  	s1 =	sadd.s32 $0x10, s1;
	(pc) =	sbr.rel @p0 .LBB2_46-.Ltmp22, $2  }
0x165: {  	_ =	sdelay $0x2  }
0x166: {  	s5 =	sadd.s32 $0x80, s5;
	s6 =	sadd.s32 s6, s20  }
0x167: {  	[hbm4b:s6+s2] =	stream.linear.scatter [tilespmem:s0], [sflag:$0x4], $0x40, $0x38;
	[tilespmem:$0x1C200] =	vst v63  }
0x168: {  	s0 =	simm.s32 $0x15E00  }
0x169: {  	s1 =	simm.s32 $0x10;
	s6 =	sadd.s32 $0x0, s21;
	s5 =	simm.s32 $0x15E80  }
.LBB2_48:
0x16a: {  	[hbm4b:s6+s2] =	stream.linear.scatter [tilespmem:s0], [sflag:$0x4], $0x40, $0x38;
	[tilespmem:$0x1C200] =	vst v63  }
0x16b: {  	s6 =	smov.u32 s1;
	s0 =	smov.u32 s5;
	p0 =	sne.s32 s1, $0x630  }
.Ltmp23:
0x16c: {  	s1 =	sadd.s32 $0x10, s1;
	(pc) =	sbr.rel @p0 .LBB2_48-.Ltmp23, $2  }
0x16d: {  	_ =	sdelay $0x2  }
0x16e: {  	s5 =	sadd.s32 $0x80, s5;
	s6 =	sadd.s32 s6, s21  }
0x16f: {  	[hbm4b:s6+s2] =	stream.linear.scatter [tilespmem:s0], [sflag:$0x4], $0x40, $0x38;
	[tilespmem:$0x1C200] =	vst v63  }
0x170: {  	s0 =	simm.s32 $0x19000  }
0x171: {  	s1 =	simm.s32 $0x10;
	s6 =	sadd.s32 $0x0, s22;
	s5 =	simm.s32 $0x19080  }
.LBB2_50:
0x172: {  	[hbm4b:s6+s2] =	stream.linear.scatter [tilespmem:s0], [sflag:$0x4], $0x40, $0x38;
	[tilespmem:$0x1C200] =	vst v63  }
0x173: {  	s6 =	smov.u32 s1;
	s0 =	smov.u32 s5;
	p0 =	sne.s32 s1, $0x630  }
.Ltmp24:
0x174: {  	s1 =	sadd.s32 $0x10, s1;
	(pc) =	sbr.rel @p0 .LBB2_50-.Ltmp24, $2  }
0x175: {  	_ =	sdelay $0x2  }
0x176: {  	s5 =	sadd.s32 $0x80, s5;
	s6 =	sadd.s32 s6, s22  }
0x177: {  	[hbm4b:s6+s2] =	stream.linear.scatter [tilespmem:s0], [sflag:$0x4], $0x40, $0x38;
	[tilespmem:$0x1C200] =	vst v63  }
0x178: {  	_ =	swait.ge [sflag:s26], $0x1900  }
0x179: {  	[sflag:s26] =	ssyncset.done $0x0  }
0x17a: {  	[sflag:s26] =	ssyncadd.s32 $0xFFFFE700  }
0x17b: {  	_ =	swait.ge [sflag:s26], $0x1900  }
0x17c: {  	[sflag:s26] =	ssyncset.done $0x0  }
0x17d: {  	[sflag:s26] =	ssyncadd.s32 $0xFFFFE700  }
0x17e: {  	_ =	swait.ge [sflag:s26], $0x1900  }
0x17f: {  	[sflag:s26] =	ssyncset.done $0x0  }
0x180: {  	[sflag:s26] =	ssyncadd.s32 $0xFFFFE700  }
0x181: {  	_ =	swait.ge [sflag:s26], $0x1900  }
0x182: {  	[sflag:s26] =	ssyncset.done $0x0  }
0x183: {  	[sflag:s26] =	ssyncadd.s32 $0xFFFFE700  }
0x184: {  	_ =	swait.ge [sflag:s30], $0x1900  }
0x185: {  	[sflag:s30] =	ssyncset.done $0x0  }
0x186: {  	[sflag:s30] =	ssyncadd.s32 $0xFFFFE700  }
0x187: {  	_ =	swait.ge [sflag:s30], $0x1900  }
0x188: {  	[sflag:s30] =	ssyncset.done $0x0  }
0x189: {  	[sflag:s30] =	ssyncadd.s32 $0xFFFFE700  }
0x18a: {  	_ =	swait.ge [sflag:s30], $0x1900  }
0x18b: {  	[sflag:s30] =	ssyncset.done $0x0  }
0x18c: {  	[sflag:s30] =	ssyncadd.s32 $0xFFFFE700  }
0x18d: {  	_ =	swait.ge [sflag:s30], $0x1900  }
0x18e: {  	s1 =	rddreg [dreg:$0x6]  }
0x18f: {  	s31 =	rddreg [dreg:$0x5];
	s1 =	sadd.s32 $0x1, s1  }
0x190: {  	p0 =	sne.s32 s1, s31  }
.Ltmp25:
0x191: {  	_ = 	snop;
	(pc) =	sbr.rel @p0 .LBB2_1-.Ltmp25, $3  }
0x192: {  	_ =	sdelay $0x1  }
0x193: {  	[sflag:s30] =	ssyncset.done $0x0  }
0x194: {  	[sflag:s30] =	ssyncadd.s32 $0xFFFFE700  }
0x195: {  	_ =	sfence.sel $0x180000  }
0x196: {  	[bflag:$0x0] =	sbarrier.arrive $0xFFFF  }
0x197: {  	_ =	strace $0x90000047  }
0x198: {  	s0 =	stileid.u32;
	[bflag:$0x2] =	sbarrier.arrive $0xFFFF  }
0x199: {  	p0 =	sne.s32 s0, $0x0;
	s0 =	rddreg [dreg:$0x2]  }
0x19a: {  	s0 =	sadd.s32 @!p0 $0x100000, s0  }
0x19b: {  	[sflag:s0] =	ssyncadd.tile.s32 @!p0 $0x1;
	_ =	shalt  }
.Lfunc_end2:
_tile_overlayer_lowered:
.L_overlay_start_2:
0x19c: {  	(tag) =	ssettag $0x2  }
0x19d: {  	s0 =	rddreg [dreg:$0x0];
	s2 =	stileid.u32  }
0x19e: {  	s1 =	rddreg [dreg:$0x1];
	p0 =	sne.s32 s2, $0x0  }
0x19f: {  	s3 =	rddreg [dreg:$0x2];
	[bflag:$0x3] =	sbarrier.arrive $0xFFFF;
	s2 =	simm.s32 @!p0 $0x1C05  }
0x1a0: {  	[timem:s3], [sflag:s2] =	dma.local @!p0 [hbm:s0], s1  }
0x1a1: {  	s0 =	simm.s32 @!p0 $0x5  }
0x1a2: {  	_ =	swait.ge @!p0 [sflag:s0], s1  }
0x1a3: {  	s1 =	ssub.s32 @!p0 $0x0, s1;
	[sflag:s0] =	ssyncset.done @!p0 $0x0  }
0x1a4: {  	[sflag:s0] =	ssyncadd.s32 @!p0 s1  }
0x1a5: {  	[bflag:$0x3] =	sbarrier.arrive $0xFFFF  }
0x1a6: {  	_ =	shalt  }

// kernel: sparse-core-data-format-call.cloned.1.call-start
scs
called_computation_lowered:
.L_overlay_start_0:
0x0: {  	s2 =	sld [smem:$0x3FD9]  }
0x1: {  	s3 =	sld [smem:$0x3FFE];
	_ =	sdelay $0x1  }
0x2: {  	s1 =	srdreg.scid  }
0x3: {  	s0 =	sand.u32 $0x1, s1  }
0x4: {  	s18 =	sshll.u32 s0, $0xA;
	s2 =	sadd.s32 s3, s2  }
0x5: {  	s2 =	sadd.s32 s2, s18  }
0x6: {  	[smem:$0x3FC6] =	sst s2  }
0x7: {  	_ = 	snop  }
0x8: {  	s2 =	sld [smem:$0x3FD0];
	(tm) =	ssettm $0x1  }
0x9: {  	s19 =	sld [smem:$0x3FFB];
	_ =	sdelay $0x3  }
0xa: {  	_ =	strace s19  }
0xb: {  	s3 =	sld [smem:$0x3FFC];
	_ =	sdelay $0x3  }
0xc: {  	_ =	strace s3  }
0xd: {  	s3 =	sld [smem:$0x3FFD];
	_ =	sdelay $0x3  }
0xe: {  	_ =	strace s3  }
0xf: {  	_ =	strace $0x8FFFFFFF  }
0x10: {  	s20 =	sld [smem:$0x3FDB];
	_ =	sdelay $0x1  }
0x11: {  	s4 =	simm.s32 $_scs_section_size  }
0x12: {  	s5 =	simm.s32 $_size__tile_overlayer_lowered;
	s6 =	simm.s32 $_tile_overlayer_lowered  }
0x13: {  	s23 =	simm.s32 $0x1BFF;
	s22 =	sshll.u32 s6, $0x1;
	s3 =	sadd.s32 s4, s20  }
0x14: {  	s7 =	simm.s32 $0x0;
	s21 =	sshll.u32 s5, $0x1;
	s5 =	sadd.s32 s22, s3  }
0x15: {  	[timem:s7], [sflag:s23] =	dma.local [hbm:s5], s21  }
0x16: {  	_ =	swait.ge [sflag:s23], s21  }
0x17: {  	s4 =	ssub.s32 $0x0, s21;
	[sflag:s23] =	ssyncset.done $0x0  }
0x18: {  	[sflag:s23] =	ssyncadd.s32 s4;
	_ =	sdelay $0x1  }
0x19: {  	s24 =	simm.s32 $0x1B8B  }
0x1a: {  	_ =	swait.ge [sflag:s24], $0x1  }
0x1b: {  	[sflag:s24] =	ssyncset.done $0x0  }
0x1c: {  	s26 =	simm.s32 $0x1B8E;
	s25 =	sld [smem:$0x3FFE];
	[sflag:s24] =	ssyncadd.s32 $0xFFFFFFFF  }
0x1d: {  	s27 =	simm.s32 $execute0_lowered;
	[smem:$0x3FD2] =	sst s26  }
0x1e: {  	s5 =	sshll.u32 s27, $0x1;
	_ =	strace $0x80000049;
	[dreg:$0x1] =	wrdreg $0xFFFFFFFF  }
0x1f: {  	s28 =	simm.s32 $_size_execute0_lowered;
	s3 =	sadd.s32 s3, s5;
	[dreg:$0x0] =	wrdreg $0x0  }
0x20: {  	s5 =	sshll.u32 s28, $0x1;
	[dreg:$0x2] =	wrdreg s3  }
0x21: {  	[dreg:$0x3] =	wrdreg s5  }
0x22: {  	[dreg:$0x4] =	wrdreg $0xC0  }
0x23: {  	_ =	task [dreg:s7], $0x5FFFF  }
0x24: {  	[dreg:$0x1] =	wrdreg $0xFFFFFFFF  }
0x25: {  	[dreg:$0x0] =	wrdreg $0x60  }
0x26: {  	[dreg:$0x2] =	wrdreg s25  }
0x27: {  	[dreg:$0x3] =	wrdreg s2  }
0x28: {  	[dreg:$0x4] =	wrdreg $0x9  }
0x29: {  	_ =	task.clear_ibuf [dreg:s7], $0x5FFFF;
	_ =	strace $0x90000049  }
0x2a: {  	s29 =	simm.s32 $0x9;
	_ =	strace $0x8000004B  }
0x2b: {  	_ =	swait.ge [sflag:s29], $0x1  }
0x2c: {  	[sflag:s29] =	ssyncadd.s32 $0xFFFFFFFF  }
0x2d: {  	_ =	strace $0x9000004B  }
0x2e: {  	_ =	sfence  }
0x2f: {  	s30 =	sld [smem:$0x0];
	_ =	sdelay $0x2  }
0x30: {  	s31 =	sshll.u32 s1, $0xD;
	s1 =	sshrl.u32 s1, $0x2  }
0x31: {  	s3 =	sand.u32 $0x4000, s31;
	s1 =	sadd.s32 s1, s30  }
0x32: {  	s0 =	sor.u32 s3, s0;
	s1 =	sshll.u32 s1, $0x11  }
0x33: {  	s0 =	sor.u32 s1, s0  }
0x34: {  	s0 =	sadd.s32 $0x8F2B, s0  }
0x35: {  	[sflag:s0] =	ssyncadd.remote.s32 $0x1  }
0x36: {  	_ =	sfence.sel $0xFFFF  }
0x37: {  	[dreg:$0x0] =	wrdreg $0xFFFFFFFF;
	(pc) =	sbr.abs _section_cstart, $3  }
0x38: {  	[dreg:$0x1] =	wrdreg $0xFFFFFFFF  }
0x39: {  	_ =	task.clear_ibuf [dreg:s7], $0x2FFFF;
	_ =	strace $0x9FFFFFFF  }
0x3a: {  	(tm) =	ssettm $0x7FFFFFFF  }
0x3b: {  	_ =	shalt  }
tec
execute0_lowered:
.L_overlay_start_1:
0x0: {  	(tag) =	ssettag $0x1  }
0x1: {  	s0 =	srdreg.scid  }
0x2: {  	s1 =	sshll.u32 s0, $0x4  }
0x3: {  	s0 =	stileid.u32;
	s1 =	sand.u32 $0x10, s1  }
0x4: {  	s1 =	sor.u32 s0, s1  }
0x5: {  	s6 =	rddreg [dreg:$0x0];
	s4 =	simm.s32 $0x1;
	s2 =	sshll.u32 s1, $0x7  }
0x6: {  	s7 =	simm.s32 $0x2;
	s12 =	simm.s32 $0x0;
	s1 =	ssub.s32 $0x1000, s2  }
0x7: {  	s8 =	simm.s32 $0x8000;
	s13 =	simm.s32 $0x0;
	s3 =	sand.u32 $0xF80, s1  }
0x8: {  	s9 =	simm.s32 $0x0;
	s5 =	sshrl.u32 s1, $0xC;
	p0 =	sne.s32 s3, $0x0  }
.Ltmp0:
0x9: {  	s1 =	rddreg [dreg:$0x2];
	s4 =	simm.s32 @!p0 $0x0;
	(pc) =	sbr.rel .LBB1_1-.Ltmp0, $4  }
0xa: {  	s11 =	simm.s32 $0x0;
	s3 =	rddreg [dreg:$0x1];
	s5 =	sadd.s32 s4, s5  }
0xb: {  	_ =	strace $0x8000004A;
	s4 =	simm.s32 $0x1;
	s5 =	smul.u32 $0x64, s5  }
0xc: {  	s6 =	sadd.s32 $0xF42C00, s6;
	s10 =	smov.u32 s2;
	[sflag:s4] =	ssyncpa.u1 $0x0  }
0xd: {  	p0 =	por $0x0, $0x0;
	[sflag:s7] =	ssyncpa.u1 $0x0;
	s7 =	sor.u32 $0x1, s5  }
.LBB1_4:
0xe: {  	s16 =	sshll.u32 s13, $0x3;
	s17 =	sand.u32 $0x78, s13  }
0xf: {  	s30 =	sand.u32 $0x7E00, s13;
	s12 =	sshll.u32 s12, $0xF;
	s16 =	sand.u32 $0xC00, s16  }
0x10: {  	[tilespmem:s15+$0x810 ss:$0x81] =	vst.msk $0xffff, v2;
	s31 =	sand.u32 $0x7, s13;
	s16 =	sor.u32 s17, s16;
	s17 =	sadd.s32 s3, s30  }
0x11: {  	[tilespmem:s15+$0x1020 ss:$0x81] =	vst.msk $0xffff, v0;
	s13 =	sshll.u32 s31, $0x12;
	s12 =	sadd.s32 s12, s17;
	s16 =	sshrl.u32 s16, $0x3  }
0x12: {  	[tilespmem:s15+$0x0 ss:$0x81] =	vst.msk $0xffff, v1;
	s13 =	sor.u32 $0x400, s13;
	s12 =	sadd.s32 s16, s12  }
0x13: {  	[hbm4b:s12+s13] =	stream.strided.scatter [tilespmem:s14], [sflag:$0x2], $0x2000, s8, s13, $0x20;
	[tilespmem:$0x8080] =	vst v63  }
.LBB1_5:
0x14: {  	s14 =	sadd.s32 $0x1, s9  }
0x15: {  	s12 =	sadd.s32 $0x1000, s10;
	s16 =	smov.u32 s10;
	p2 =	sgt.s32 s14, $0x63  }
0x16: {  	s16 =	smov.u32 @p2 s12  }
0x17: {  	s14 =	simm.s32 @p2 $0x0;
	p2 =	sgt.s32 s16, $0xFFF  }
0x18: {  	s16 =	smov.u32 @p2 s2;
	p2 =	sne.s32 s11, s7  }
.Ltmp1:
0x19: {  	p1 =	slt.u32 s11, $0x2;
	(pc) =	sbr.rel @!p2 .LBB1_6-.Ltmp1, $4  }
0x1a: {  	s15 =	simm.s32 @!p1 $0x2  }
0x1b: {  	s13 =	smov.u32 s10;
	p0 =	por !p0, !p0;
	_ =	swait.ge @!p1 [sflag:s15], $0x2000  }
0x1c: {  	s12 =	smov.u32 s9;
	[sflag:s15] =	ssyncset.done @!p1 $0x0;
	s9 =	smov.u32 s14  }
0x1d: {  	s11 =	sadd.s32 $0x1, s11;
	[sflag:s15] =	ssyncadd.s32 @!p1 $0xFFFFE000;
	s10 =	smov.u32 s16  }
.LBB1_1:
0x1e: {  	p1 =	sge.u32 s11, s5  }
0x1f: {  	s14 =	sand.u32 @!p1 $0x1FFFFFF, s9  }
0x20: {  	s15 =	smulhi.u32 @!p1 $0x2762763, s14;
	_ =	sdelay $0x1  }
0x21: {  	s15 =	smul.u32 @!p1 $0x68, s15  }
0x22: {  	s16 =	sxor.u32 @!p1 $0xFFFFFFFF, s11;
	s17 =	smul.u32 @!p1 $0x680, s10  }
0x23: {  	s31 =	sadd.s32 $0xFFFFFFFF, s11;
	s16 =	sshll.u32 @!p1 s16, $0xD;
	s14 =	ssub.s32 @!p1 s14, s15  }
0x24: {  	s15 =	sand.u32 @!p1 $0x2000, s16;
	s16 =	sadd.s32 @!p1 s6, s17;
	s14 =	sshll.u32 @!p1 s14, $0x4  }
0x25: {  	s17 =	simm.s32 @!p1 $0x3400;
	s14 =	sadd.s32 @!p1 s14, s16;
	s16 =	simm.s32 @!p1 $0x40  }
0x26: {  	[tilespmem:s15], [sflag:$0x1] =	stream.strided.gather @!p1 [hbm4b:s14+s16], $0x2000, s17, s16, $0x38;
	[tilespmem:$0x8080] =	vst v63  }
0x27: {  	p1 =	sge.u32 s31, s5  }
.Ltmp2:
0x28: {  	_ = 	snop;
	(pc) =	sbr.rel @p1 .LBB1_5-.Ltmp2, $1  }
0x29: {  	_ =	sdelay $0x3  }
0x2a: {  	s14 =	simm.s32 $0x1  }
0x2b: {  	_ =	swait.ge [sflag:s4], $0x2000;
	s14 =	simm.s32 @!p0 $0x0  }
0x2c: {  	[sflag:s4] =	ssyncset.done $0x0;
	s15 =	sshll.u32 s14, $0xD  }
0x2d: {  	[sflag:s4] =	ssyncadd.s32 $0xFFFFE000;
	s18 =	sor.u32 $0x20, s15  }
0x2e: {  	s14 =	smul.u32 $0x8100, s14;
	v3 =	vld [tilespmem:s18+$0x10]  }
0x2f: {  	s30 =	sand.u32 $0x1, s11;
	v2 =	vld [tilespmem:s18+$0xFFFFFFF0]  }
0x30: {  	s15 =	smul.u32 $0x8100, s30;
	s14 =	sshrl.u32 s14, $0x2;
	v0 =	vld [tilespmem:s18+$0x0]  }
0x31: {  	v1 =	vld [tilespmem:s18+$0xFFFFFFE0];
	s16 =	sor.u32 $0x4000, s14  }
0x32: {  	s31 =	sshrl.u32 s15, $0x2;
	s15 =	sadd.s32 $0x0, s16  }
0x33: {  	s17 =	simm.s32 $0x4;
	s18 =	sadd.s32 $0x40, s18;
	s14 =	sor.u32 $0x4000, s31;
	[tilespmem:s15+$0x1830 ss:$0x81] =	vst.msk $0xffff, v3  }
.LBB1_3:
0x34: {  	v3 =	vld [tilespmem:s18+$0x10];
	p1 =	sne.s32 s17, $0x1FC;
	[tilespmem:s15+$0x810 ss:$0x81] =	vst.msk $0xffff, v2;
	s19 =	smov.u32 s17;
	s17 =	sadd.s32 $0x4, s17  }
.Ltmp3:
0x35: {  	v2 =	vld [tilespmem:s18+$0xFFFFFFF0];
	[tilespmem:s15+$0x1020 ss:$0x81] =	vst.msk $0xffff, v0;
	(pc) =	sbr.rel @p1 .LBB1_3-.Ltmp3, $4  }
0x36: {  	v0 =	vld [tilespmem:s18+$0x0];
	[tilespmem:s15+$0x0 ss:$0x81] =	vst.msk $0xffff, v1  }
0x37: {  	s15 =	sshra.s32 s19, $0x2;
	v1 =	vld [tilespmem:s18+$0xFFFFFFE0]  }
0x38: {  	s15 =	sadd.s32 s15, s16  }
0x39: {  	s18 =	sadd.s32 $0x40, s18;
	[tilespmem:s15+$0x1830 ss:$0x81] =	vst.msk $0xffff, v3  }
.Ltmp4:
0x3a: {  	_ = 	snop;
	(pc) =	sbr.rel .LBB1_4-.Ltmp4, $1  }
0x3b: {  	_ =	sdelay $0x3  }
.LBB1_6:
0x3c: {  	_ =	sfence.sel $0x180000  }
0x3d: {  	s2 =	simm.s32 $0x1;
	[bflag:$0x0] =	sbarrier.arrive $0xFFFF  }
0x3e: {  	s31 =	simm.s32 $0x2;
	[sflag:s2] =	ssyncpa.u1 $0x1  }
0x3f: {  	[sflag:s31] =	ssyncpa.u1 $0x1  }
0x40: {  	p0 =	sne.s32 s0, $0x0;
	_ =	strace $0x9000004A  }
0x41: {  	s0 =	sadd.s32 @!p0 $0x100000, s1;
	[bflag:$0x2] =	sbarrier.arrive $0xFFFF  }
0x42: {  	[sflag:s0] =	ssyncadd.tile.s32 @!p0 $0x1;
	_ =	shalt  }
.Lfunc_end1:
_tile_overlayer_lowered:
.L_overlay_start_2:
0x43: {  	(tag) =	ssettag $0x2  }
0x44: {  	s0 =	rddreg [dreg:$0x0];
	s2 =	stileid.u32  }
0x45: {  	s1 =	rddreg [dreg:$0x1];
	p0 =	sne.s32 s2, $0x0  }
0x46: {  	s3 =	rddreg [dreg:$0x2];
	[bflag:$0x3] =	sbarrier.arrive $0xFFFF;
	s2 =	simm.s32 @!p0 $0x1C01  }
0x47: {  	[timem:s3], [sflag:s2] =	dma.local @!p0 [hbm:s0], s1  }
0x48: {  	s0 =	simm.s32 @!p0 $0x1  }
0x49: {  	_ =	swait.ge @!p0 [sflag:s0], s1  }
0x4a: {  	s1 =	ssub.s32 @!p0 $0x0, s1;
	[sflag:s0] =	ssyncset.done @!p0 $0x0  }
0x4b: {  	[sflag:s0] =	ssyncadd.s32 @!p0 s1  }
0x4c: {  	[bflag:$0x3] =	sbarrier.arrive $0xFFFF  }
0x4d: {  	_ =	shalt  }

</sc_bundles>
